<compile_context>
chip_gen: v7x
topology: tpu7x:2x2x1
jax: 0.10.2.dev20260603
libtpu: 0.0.44.dev20260713+nightly
codegen_flags: <defaults>
</compile_context>

<pallas_src>
import functools

import jax
import jax.numpy as jnp
from jax import lax
from jax.experimental import pallas as pl
from jax.experimental.pallas import tpu as pltpu
from jax.experimental.pallas import tpu_sc as plsc

N_GENES = 50000
N_EDGES = 1600000
BATCH = 32
K_STEPS = 3
LANES = 16
NUM_CORES = 2

CHUNK = 6400
NUM_CHUNKS = N_EDGES // CHUNK
PAIRS_PER_CHUNK = CHUNK // (2 * LANES)
X_GROUPS = N_GENES // LANES
NBUF = 2


def _body(de_hbm, pk_hbm, w_hbm, out_hbm,
          x_v, y_v, pk0_v, pk1_v, w0_v, w1_v, sem0, sem1):
    sems = (sem0, sem1)
    pks = (pk0_v, pk1_v)
    ws = (w0_v, w1_v)
    wid = lax.axis_index("s") * NUM_CORES + lax.axis_index("c")
    pltpu.sync_copy(de_hbm.at[wid], x_v)

    def issue(c, b):
        base = pl.multiple_of(c * CHUNK, 8)
        base_w = pl.multiple_of(c * (CHUNK // 2), 8)
        pltpu.async_copy(pk_hbm.at[pl.ds(base, CHUNK)], pks[b], sems[b])
        pltpu.async_copy(w_hbm.at[pl.ds(base_w, CHUNK // 2)], ws[b], sems[b])

    def drain(b):
        pltpu.make_async_copy(pk_hbm.at[pl.ds(0, CHUNK)], pks[b], sems[b]).wait()
        pltpu.make_async_copy(w_hbm.at[pl.ds(0, CHUNK // 2)], ws[b], sems[b]).wait()

    for _ in range(K_STEPS):
        @pl.loop(0, X_GROUPS, unroll=8)
        def _zero(i):
            y_v[pl.ds(i * LANES, LANES)] = jnp.zeros((LANES,), jnp.float32)

        for b in range(NBUF):
            issue(b, b)

        @pl.loop(0, NUM_CHUNKS, step=NBUF)
        def _chunk(c0):
            for b in range(NBUF):
                drain(b)

                @plsc.parallel_loop(0, PAIRS_PER_CHUNK, unroll=4)
                def _pair(gp):
                    off = gp * (2 * LANES)
                    wp = ws[b][pl.ds(gp * LANES, LANES)]
                    w0 = plsc.bitcast(wp << jnp.uint32(16), jnp.float32)
                    w1 = plsc.bitcast(wp & jnp.uint32(0xFFFF0000), jnp.float32)
                    for j, w in ((0, w0), (1, w1)):
                        p = pks[b][pl.ds(off + j * LANES, LANES)]
                        s = plsc.bitcast(p >> jnp.uint32(16), jnp.int32)
                        d = plsc.bitcast(p & jnp.uint32(0xFFFF), jnp.int32)
                        xv = plsc.load_gather(x_v, [s])
                        plsc.addupdate_scatter(y_v, [d], xv * w)

                nxt = c0 + b + NBUF

                @pl.when(nxt < NUM_CHUNKS)
                def _():
                    issue(nxt, b)

        @pl.loop(0, X_GROUPS, unroll=8)
        def _acc(i):
            sl = pl.ds(i * LANES, LANES)
            x_v[sl] = x_v[sl] + y_v[sl]

    pltpu.sync_copy(x_v, out_hbm.at[wid])


@jax.jit
def _run(direct_effects, packed_edges, w_bf16):
    mesh = plsc.VectorSubcoreMesh(core_axis_name="c", subcore_axis_name="s")
    return pl.kernel(
        _body,
        out_type=jax.ShapeDtypeStruct((BATCH, N_GENES), jnp.float32),
        mesh=mesh,
        scratch_types=[
            pltpu.VMEM((N_GENES,), jnp.float32),
            pltpu.VMEM((N_GENES,), jnp.float32),
            pltpu.VMEM((CHUNK,), jnp.uint32),
            pltpu.VMEM((CHUNK,), jnp.uint32),
            pltpu.VMEM((CHUNK // 2,), jnp.uint32),
            pltpu.VMEM((CHUNK // 2,), jnp.uint32),
            pltpu.SemaphoreType.DMA,
            pltpu.SemaphoreType.DMA,
        ],
        compiler_params=pltpu.CompilerParams(needs_layout_passes=False),
    )(direct_effects, packed_edges, w_bf16)


def kernel(direct_effects, edge_index, W):
    src = edge_index[0].astype(jnp.uint32)
    dst = edge_index[1].astype(jnp.uint32)
    packed = (src << jnp.uint32(16)) | dst
    w_il = (W.astype(jnp.bfloat16)
             .reshape(-1, 2, LANES)
             .transpose(0, 2, 1))
    w_u32 = jax.lax.bitcast_convert_type(w_il, jnp.uint32).reshape(-1)
    return _run(direct_effects, packed, w_u32)

# --- scband reference (transcript-rebuilt; emitter-appended) ---
"""Pipeline reference for scband-neumann-propagation-3616362463902 (READ-ONLY COPY).

The authoritative reference and input builder live on the scoring server;
editing this copy changes nothing except your own understanding.
"""

import jax, jax.numpy as jnp
import numpy as np

N_GENES = 50000
N_EDGES = 1600000
BATCH = 32
K = 3

def setup_inputs(seed: int = 0) -> dict:
    key = jax.random.key(seed)
    k1, k2, k3 = jax.random.split(key, 3)
    direct_effects = jax.random.normal(k1, (BATCH, N_GENES), dtype=jnp.float32)
    edge_index = jax.random.randint(k2, (2, N_EDGES), 0, N_GENES, dtype=jnp.int64)
    # W initialised like STRING confidence / 1e5 -> small positive weights (learned param)
    W = jax.random.uniform(k3, (N_EDGES,), dtype=jnp.float32) * 0.01
    return {"direct_effects": direct_effects, "edge_index": edge_index, "W": W}

def _sparse_matmul(x, edge_src, edge_dst, W):
    # result[b, dst] += W[e] * x[b, src[e]]
    src_vals = x[:, edge_src]                      # (B, E) gather
    weighted = src_vals * W[None, :]               # (B, E)
    result = jnp.zeros_like(x).at[:, edge_dst].add(weighted)  # scatter-add over gene axis
    return result

def reference(direct_effects, edge_index, W):
    squeezed = False
    if direct_effects.ndim == 1:
        direct_effects = direct_effects[None, :]
        squeezed = True
    edge_src = edge_index[0]
    edge_dst = edge_index[1]
    propagated = direct_effects
    for _ in range(K):
        propagated = propagated + _sparse_matmul(propagated, edge_src, edge_dst, W)
    if squeezed:
        propagated = propagated[0]
    return propagated

if __name__ == "__main__":
    import jax
    _d = setup_inputs()
    print(jax.jit(kernel)(*tuple(_d.values())))

</pallas_src>

<mosaic_0001>
#map = affine_map<(d0, d1) -> (0, 0)>
#map1 = affine_map<(d0, d1) -> (0)>
module attributes {stable_mosaic.version = 14 : i64} {
  func.func @_body(%arg0: i32, %arg1: i32, %arg2: memref<32x50000xf32, #tpu.memory_space<hbm>>, %arg3: memref<1600000xi32, #tpu.memory_space<hbm>>, %arg4: memref<800000xi32, #tpu.memory_space<hbm>>, %arg5: memref<32x50000xf32, #tpu.memory_space<hbm>>, %arg6: memref<50000xf32, #tpu.memory_space<vmem>>, %arg7: memref<50000xf32, #tpu.memory_space<vmem>>, %arg8: memref<6400xi32, #tpu.memory_space<vmem>>, %arg9: memref<6400xi32, #tpu.memory_space<vmem>>, %arg10: memref<3200xi32, #tpu.memory_space<vmem>>, %arg11: memref<3200xi32, #tpu.memory_space<vmem>>, %arg12: memref<!tpu.dma_semaphore, #tpu.memory_space<semaphore_mem>>, %arg13: memref<!tpu.dma_semaphore, #tpu.memory_space<semaphore_mem>>) attributes {dimension_semantics = [#tpu.dimension_semantics<core_parallel>, #tpu.dimension_semantics<subcore_parallel>], iteration_bounds = array<i64: 2, 16>, scalar_prefetch = 0 : i64, scratch_operands = 8 : i64, tpu.core_type = #tpu.core_type<sc_vector_subcore>, window_params = [{transform_indices = #map}, {transform_indices = #map1}, {transform_indices = #map1}, {transform_indices = #map}]} {
    %mul3A = arith.constant 2 : i32
    %mul3A_0 = arith.muli %arg1, %mul3A : i32
    %add3A = arith.addi %mul3A_0, %arg0 : i32
    "tpu.region"() ({
      %run_scoped3A = tpu.sem_alloc : memref<!tpu.dma_semaphore, #tpu.memory_space<semaphore_mem>>
      %dma_start3A_493 = arith.constant 0 : i32
      %dma_start3A_494 = tpu.memref_slice %arg2[%add3A, %dma_start3A_493] : memref<32x50000xf32, #tpu.memory_space<hbm>> -> memref<1x50000xf32, #tpu.memory_space<hbm>>
      %dma_start3A_495 = tpu.memref_squeeze %dma_start3A_494 : memref<1x50000xf32, #tpu.memory_space<hbm>> -> memref<50000xf32, #tpu.memory_space<hbm>>
      %dma_start3A_496 = arith.constant 0 : i32
      %dma_start3A_497 = tpu.memref_slice %arg2[%add3A, %dma_start3A_496] : memref<32x50000xf32, #tpu.memory_space<hbm>> -> memref<1x50000xf32, #tpu.memory_space<hbm>>
      %dma_start3A_498 = tpu.memref_squeeze %dma_start3A_497 : memref<1x50000xf32, #tpu.memory_space<hbm>> -> memref<50000xf32, #tpu.memory_space<hbm>>
      tpu.enqueue_dma source(%dma_start3A_498 : memref<50000xf32, #tpu.memory_space<hbm>>) target(%arg6 : memref<50000xf32, #tpu.memory_space<vmem>>) target_semaphore(%run_scoped3A : memref<!tpu.dma_semaphore, #tpu.memory_space<semaphore_mem>>)
      %dma_wait3A = arith.constant 0 : i32
      %dma_wait3A_499 = tpu.memref_slice %arg2[%add3A, %dma_wait3A] : memref<32x50000xf32, #tpu.memory_space<hbm>> -> memref<1x50000xf32, #tpu.memory_space<hbm>>
      %dma_wait3A_500 = tpu.memref_squeeze %dma_wait3A_499 : memref<1x50000xf32, #tpu.memory_space<hbm>> -> memref<50000xf32, #tpu.memory_space<hbm>>
      %dma_wait3A_501 = arith.constant 0 : i32
      %dma_wait3A_502 = tpu.memref_slice %arg2[%add3A, %dma_wait3A_501] : memref<32x50000xf32, #tpu.memory_space<hbm>> -> memref<1x50000xf32, #tpu.memory_space<hbm>>
      %dma_wait3A_503 = tpu.memref_squeeze %dma_wait3A_502 : memref<1x50000xf32, #tpu.memory_space<hbm>> -> memref<50000xf32, #tpu.memory_space<hbm>>
      tpu.wait_dma2 semaphore(%run_scoped3A : memref<!tpu.dma_semaphore, #tpu.memory_space<semaphore_mem>>) src(%dma_wait3A_503 : memref<50000xf32, #tpu.memory_space<hbm>>) dst(%arg6 : memref<50000xf32, #tpu.memory_space<vmem>>)
      tpu.yield
    }) : () -> ()
    %scan3A = arith.constant 0 : i32
    %scan3A_1 = arith.constant 3120 : i32
    %scan3A_2 = arith.addi %scan3A, %scan3A_1 : i32
    %scan3A_3 = arith.constant 8 : i32
    scf.for %scan3A_493 = %scan3A to %scan3A_2 step %scan3A_3  : i32 {
      %mul3A_494 = arith.constant 1 : i32
      %mul3A_495 = arith.muli %scan3A_493, %mul3A_494 : i32
      %add3A_496 = arith.constant 0 : i32
      %add3A_497 = arith.addi %add3A_496, %mul3A_495 : i32
      %broadcast_in_dim3A_498 = arith.constant 0.000000e+00 : f32
      %broadcast_in_dim3A_499 = vector.broadcast %broadcast_in_dim3A_498 : f32 to vector<16xf32>
      %mul3A_500 = arith.constant 16 : i32
      %mul3A_501 = arith.muli %add3A_497, %mul3A_500 : i32
      %swap3A_502 = arith.index_cast %mul3A_501 : i32 to index
      %swap3A_503 = tpu.vector_load %arg7[%swap3A_502] {strides = array<i32>} : memref<50000xf32, #tpu.memory_space<vmem>>, vector<16xf32>,
      tpu.vector_store %arg7[%swap3A_502], %broadcast_in_dim3A_499 {strides = array<i32>} : memref<50000xf32, #tpu.memory_space<vmem>>, vector<16xf32>,
      %scan3A_504 = arith.constant 1 : i32
      %scan3A_505 = arith.addi %scan3A_493, %scan3A_504 : i32
      %mul3A_506 = arith.constant 1 : i32
      %mul3A_507 = arith.muli %scan3A_505, %mul3A_506 : i32
      %add3A_508 = arith.constant 0 : i32
      %add3A_509 = arith.addi %add3A_508, %mul3A_507 : i32
      %broadcast_in_dim3A_510 = arith.constant 0.000000e+00 : f32
      %broadcast_in_dim3A_511 = vector.broadcast %broadcast_in_dim3A_510 : f32 to vector<16xf32>
      %mul3A_512 = arith.constant 16 : i32
      %mul3A_513 = arith.muli %add3A_509, %mul3A_512 : i32
      %swap3A_514 = arith.index_cast %mul3A_513 : i32 to index
      %swap3A_515 = tpu.vector_load %arg7[%swap3A_514] {strides = array<i32>} : memref<50000xf32, #tpu.memory_space<vmem>>, vector<16xf32>,
      tpu.vector_store %arg7[%swap3A_514], %broadcast_in_dim3A_511 {strides = array<i32>} : memref<50000xf32, #tpu.memory_space<vmem>>, vector<16xf32>,
      %scan3A_516 = arith.constant 2 : i32
      %scan3A_517 = arith.addi %scan3A_493, %scan3A_516 : i32
      %mul3A_518 = arith.constant 1 : i32
      %mul3A_519 = arith.muli %scan3A_517, %mul3A_518 : i32
      %add3A_520 = arith.constant 0 : i32
      %add3A_521 = arith.addi %add3A_520, %mul3A_519 : i32
      %broadcast_in_dim3A_522 = arith.constant 0.000000e+00 : f32
      %broadcast_in_dim3A_523 = vector.broadcast %broadcast_in_dim3A_522 : f32 to vector<16xf32>
      %mul3A_524 = arith.constant 16 : i32
      %mul3A_525 = arith.muli %add3A_521, %mul3A_524 : i32
      %swap3A_526 = arith.index_cast %mul3A_525 : i32 to index
      %swap3A_527 = tpu.vector_load %arg7[%swap3A_526] {strides = array<i32>} : memref<50000xf32, #tpu.memory_space<vmem>>, vector<16xf32>,
      tpu.vector_store %arg7[%swap3A_526], %broadcast_in_dim3A_523 {strides = array<i32>} : memref<50000xf32, #tpu.memory_space<vmem>>, vector<16xf32>,
      %scan3A_528 = arith.constant 3 : i32
      %scan3A_529 = arith.addi %scan3A_493, %scan3A_528 : i32
      %mul3A_530 = arith.constant 1 : i32
      %mul3A_531 = arith.muli %scan3A_529, %mul3A_530 : i32
      %add3A_532 = arith.constant 0 : i32
      %add3A_533 = arith.addi %add3A_532, %mul3A_531 : i32
      %broadcast_in_dim3A_534 = arith.constant 0.000000e+00 : f32
      %broadcast_in_dim3A_535 = vector.broadcast %broadcast_in_dim3A_534 : f32 to vector<16xf32>
      %mul3A_536 = arith.constant 16 : i32
      %mul3A_537 = arith.muli %add3A_533, %mul3A_536 : i32
      %swap3A_538 = arith.index_cast %mul3A_537 : i32 to index
      %swap3A_539 = tpu.vector_load %arg7[%swap3A_538] {strides = array<i32>} : memref<50000xf32, #tpu.memory_space<vmem>>, vector<16xf32>,
      tpu.vector_store %arg7[%swap3A_538], %broadcast_in_dim3A_535 {strides = array<i32>} : memref<50000xf32, #tpu.memory_space<vmem>>, vector<16xf32>,
      %scan3A_540 = arith.constant 4 : i32
      %scan3A_541 = arith.addi %scan3A_493, %scan3A_540 : i32
      %mul3A_542 = arith.constant 1 : i32
      %mul3A_543 = arith.muli %scan3A_541, %mul3A_542 : i32
      %add3A_544 = arith.constant 0 : i32
      %add3A_545 = arith.addi %add3A_544, %mul3A_543 : i32
      %broadcast_in_dim3A_546 = arith.constant 0.000000e+00 : f32
      %broadcast_in_dim3A_547 = vector.broadcast %broadcast_in_dim3A_546 : f32 to vector<16xf32>
      %mul3A_548 = arith.constant 16 : i32
      %mul3A_549 = arith.muli %add3A_545, %mul3A_548 : i32
      %swap3A_550 = arith.index_cast %mul3A_549 : i32 to index
      %swap3A_551 = tpu.vector_load %arg7[%swap3A_550] {strides = array<i32>} : memref<50000xf32, #tpu.memory_space<vmem>>, vector<16xf32>,
      tpu.vector_store %arg7[%swap3A_550], %broadcast_in_dim3A_547 {strides = array<i32>} : memref<50000xf32, #tpu.memory_space<vmem>>, vector<16xf32>,
      %scan3A_552 = arith.constant 5 : i32
      %scan3A_553 = arith.addi %scan3A_493, %scan3A_552 : i32
      %mul3A_554 = arith.constant 1 : i32
      %mul3A_555 = arith.muli %scan3A_553, %mul3A_554 : i32
      %add3A_556 = arith.constant 0 : i32
      %add3A_557 = arith.addi %add3A_556, %mul3A_555 : i32
      %broadcast_in_dim3A_558 = arith.constant 0.000000e+00 : f32
      %broadcast_in_dim3A_559 = vector.broadcast %broadcast_in_dim3A_558 : f32 to vector<16xf32>
      %mul3A_560 = arith.constant 16 : i32
      %mul3A_561 = arith.muli %add3A_557, %mul3A_560 : i32
      %swap3A_562 = arith.index_cast %mul3A_561 : i32 to index
      %swap3A_563 = tpu.vector_load %arg7[%swap3A_562] {strides = array<i32>} : memref<50000xf32, #tpu.memory_space<vmem>>, vector<16xf32>,
      tpu.vector_store %arg7[%swap3A_562], %broadcast_in_dim3A_559 {strides = array<i32>} : memref<50000xf32, #tpu.memory_space<vmem>>, vector<16xf32>,
      %scan3A_564 = arith.constant 6 : i32
      %scan3A_565 = arith.addi %scan3A_493, %scan3A_564 : i32
      %mul3A_566 = arith.constant 1 : i32
      %mul3A_567 = arith.muli %scan3A_565, %mul3A_566 : i32
      %add3A_568 = arith.constant 0 : i32
      %add3A_569 = arith.addi %add3A_568, %mul3A_567 : i32
      %broadcast_in_dim3A_570 = arith.constant 0.000000e+00 : f32
      %broadcast_in_dim3A_571 = vector.broadcast %broadcast_in_dim3A_570 : f32 to vector<16xf32>
      %mul3A_572 = arith.constant 16 : i32
      %mul3A_573 = arith.muli %add3A_569, %mul3A_572 : i32
      %swap3A_574 = arith.index_cast %mul3A_573 : i32 to index
      %swap3A_575 = tpu.vector_load %arg7[%swap3A_574] {strides = array<i32>} : memref<50000xf32, #tpu.memory_space<vmem>>, vector<16xf32>,
      tpu.vector_store %arg7[%swap3A_574], %broadcast_in_dim3A_571 {strides = array<i32>} : memref<50000xf32, #tpu.memory_space<vmem>>, vector<16xf32>,
      %scan3A_576 = arith.constant 7 : i32
      %scan3A_577 = arith.addi %scan3A_493, %scan3A_576 : i32
      %mul3A_578 = arith.constant 1 : i32
      %mul3A_579 = arith.muli %scan3A_577, %mul3A_578 : i32
      %add3A_580 = arith.constant 0 : i32
      %add3A_581 = arith.addi %add3A_580, %mul3A_579 : i32
      %broadcast_in_dim3A_582 = arith.constant 0.000000e+00 : f32
      %broadcast_in_dim3A_583 = vector.broadcast %broadcast_in_dim3A_582 : f32 to vector<16xf32>
      %mul3A_584 = arith.constant 16 : i32
      %mul3A_585 = arith.muli %add3A_581, %mul3A_584 : i32
      %swap3A_586 = arith.index_cast %mul3A_585 : i32 to index
      %swap3A_587 = tpu.vector_load %arg7[%swap3A_586] {strides = array<i32>} : memref<50000xf32, #tpu.memory_space<vmem>>, vector<16xf32>,
      tpu.vector_store %arg7[%swap3A_586], %broadcast_in_dim3A_583 {strides = array<i32>} : memref<50000xf32, #tpu.memory_space<vmem>>, vector<16xf32>,
    }
    %scan3A_4 = arith.constant 3120 : i32
    %scan3A_5 = arith.addi %scan3A, %scan3A_4 : i32
    %mul3A_6 = arith.constant 1 : i32
    %mul3A_7 = arith.muli %scan3A_5, %mul3A_6 : i32
    %add3A_8 = arith.constant 0 : i32
    %add3A_9 = arith.addi %add3A_8, %mul3A_7 : i32
    %broadcast_in_dim3A = arith.constant 0.000000e+00 : f32
    %broadcast_in_dim3A_10 = vector.broadcast %broadcast_in_dim3A : f32 to vector<16xf32>
    %mul3A_11 = arith.constant 16 : i32
    %mul3A_12 = arith.muli %add3A_9, %mul3A_11 : i32
    %swap3A = arith.index_cast %mul3A_12 : i32 to index
    %swap3A_13 = tpu.vector_load %arg7[%swap3A] {strides = array<i32>} : memref<50000xf32, #tpu.memory_space<vmem>>, vector<16xf32>,
    tpu.vector_store %arg7[%swap3A], %broadcast_in_dim3A_10 {strides = array<i32>} : memref<50000xf32, #tpu.memory_space<vmem>>, vector<16xf32>,
    %scan3A_14 = arith.constant 3121 : i32
    %scan3A_15 = arith.addi %scan3A, %scan3A_14 : i32
    %mul3A_16 = arith.constant 1 : i32
    %mul3A_17 = arith.muli %scan3A_15, %mul3A_16 : i32
    %add3A_18 = arith.constant 0 : i32
    %add3A_19 = arith.addi %add3A_18, %mul3A_17 : i32
    %broadcast_in_dim3A_20 = arith.constant 0.000000e+00 : f32
    %broadcast_in_dim3A_21 = vector.broadcast %broadcast_in_dim3A_20 : f32 to vector<16xf32>
    %mul3A_22 = arith.constant 16 : i32
    %mul3A_23 = arith.muli %add3A_19, %mul3A_22 : i32
    %swap3A_24 = arith.index_cast %mul3A_23 : i32 to index
    %swap3A_25 = tpu.vector_load %arg7[%swap3A_24] {strides = array<i32>} : memref<50000xf32, #tpu.memory_space<vmem>>, vector<16xf32>,
    tpu.vector_store %arg7[%swap3A_24], %broadcast_in_dim3A_21 {strides = array<i32>} : memref<50000xf32, #tpu.memory_space<vmem>>, vector<16xf32>,
    %scan3A_26 = arith.constant 3122 : i32
    %scan3A_27 = arith.addi %scan3A, %scan3A_26 : i32
    %mul3A_28 = arith.constant 1 : i32
    %mul3A_29 = arith.muli %scan3A_27, %mul3A_28 : i32
    %add3A_30 = arith.constant 0 : i32
    %add3A_31 = arith.addi %add3A_30, %mul3A_29 : i32
    %broadcast_in_dim3A_32 = arith.constant 0.000000e+00 : f32
    %broadcast_in_dim3A_33 = vector.broadcast %broadcast_in_dim3A_32 : f32 to vector<16xf32>
    %mul3A_34 = arith.constant 16 : i32
    %mul3A_35 = arith.muli %add3A_31, %mul3A_34 : i32
    %swap3A_36 = arith.index_cast %mul3A_35 : i32 to index
    %swap3A_37 = tpu.vector_load %arg7[%swap3A_36] {strides = array<i32>} : memref<50000xf32, #tpu.memory_space<vmem>>, vector<16xf32>,
    tpu.vector_store %arg7[%swap3A_36], %broadcast_in_dim3A_33 {strides = array<i32>} : memref<50000xf32, #tpu.memory_space<vmem>>, vector<16xf32>,
    %scan3A_38 = arith.constant 3123 : i32
    %scan3A_39 = arith.addi %scan3A, %scan3A_38 : i32
    %mul3A_40 = arith.constant 1 : i32
    %mul3A_41 = arith.muli %scan3A_39, %mul3A_40 : i32
    %add3A_42 = arith.constant 0 : i32
    %add3A_43 = arith.addi %add3A_42, %mul3A_41 : i32
    %broadcast_in_dim3A_44 = arith.constant 0.000000e+00 : f32
    %broadcast_in_dim3A_45 = vector.broadcast %broadcast_in_dim3A_44 : f32 to vector<16xf32>
    %mul3A_46 = arith.constant 16 : i32
    %mul3A_47 = arith.muli %add3A_43, %mul3A_46 : i32
    %swap3A_48 = arith.index_cast %mul3A_47 : i32 to index
    %swap3A_49 = tpu.vector_load %arg7[%swap3A_48] {strides = array<i32>} : memref<50000xf32, #tpu.memory_space<vmem>>, vector<16xf32>,
    tpu.vector_store %arg7[%swap3A_48], %broadcast_in_dim3A_45 {strides = array<i32>} : memref<50000xf32, #tpu.memory_space<vmem>>, vector<16xf32>,
    %scan3A_50 = arith.constant 3124 : i32
    %scan3A_51 = arith.addi %scan3A, %scan3A_50 : i32
    %mul3A_52 = arith.constant 1 : i32
    %mul3A_53 = arith.muli %scan3A_51, %mul3A_52 : i32
    %add3A_54 = arith.constant 0 : i32
    %add3A_55 = arith.addi %add3A_54, %mul3A_53 : i32
    %broadcast_in_dim3A_56 = arith.constant 0.000000e+00 : f32
    %broadcast_in_dim3A_57 = vector.broadcast %broadcast_in_dim3A_56 : f32 to vector<16xf32>
    %mul3A_58 = arith.constant 16 : i32
    %mul3A_59 = arith.muli %add3A_55, %mul3A_58 : i32
    %swap3A_60 = arith.index_cast %mul3A_59 : i32 to index
    %swap3A_61 = tpu.vector_load %arg7[%swap3A_60] {strides = array<i32>} : memref<50000xf32, #tpu.memory_space<vmem>>, vector<16xf32>,
    tpu.vector_store %arg7[%swap3A_60], %broadcast_in_dim3A_57 {strides = array<i32>} : memref<50000xf32, #tpu.memory_space<vmem>>, vector<16xf32>,
    %scan3A_62 = arith.constant 3125 : i32
    %multiple_of3A = arith.constant 0 : i32
    %multiple_of3A_63 = tpu.assume_multiple %multiple_of3A, 8 : i32
    %multiple_of3A_64 = arith.constant 0 : i32
    %multiple_of3A_65 = tpu.assume_multiple %multiple_of3A_64, 8 : i32
    %dma_start3A = tpu.memref_slice %arg3[%multiple_of3A_63] : memref<1600000xi32, #tpu.memory_space<hbm>> -> memref<6400xi32, #tpu.memory_space<hbm>>
    %dma_start3A_66 = tpu.memref_slice %arg3[%multiple_of3A_63] : memref<1600000xi32, #tpu.memory_space<hbm>> -> memref<6400xi32, #tpu.memory_space<hbm>>
    tpu.enqueue_dma source(%dma_start3A_66 : memref<6400xi32, #tpu.memory_space<hbm>>) target(%arg8 : memref<6400xi32, #tpu.memory_space<vmem>>) target_semaphore(%arg12 : memref<!tpu.dma_semaphore, #tpu.memory_space<semaphore_mem>>)
    %dma_start3A_67 = tpu.memref_slice %arg4[%multiple_of3A_65] : memref<800000xi32, #tpu.memory_space<hbm>> -> memref<3200xi32, #tpu.memory_space<hbm>>
    %dma_start3A_68 = tpu.memref_slice %arg4[%multiple_of3A_65] : memref<800000xi32, #tpu.memory_space<hbm>> -> memref<3200xi32, #tpu.memory_space<hbm>>
    tpu.enqueue_dma source(%dma_start3A_68 : memref<3200xi32, #tpu.memory_space<hbm>>) target(%arg10 : memref<3200xi32, #tpu.memory_space<vmem>>) target_semaphore(%arg12 : memref<!tpu.dma_semaphore, #tpu.memory_space<semaphore_mem>>)
    %multiple_of3A_69 = arith.constant 6400 : i32
    %multiple_of3A_70 = tpu.assume_multiple %multiple_of3A_69, 8 : i32
    %multiple_of3A_71 = arith.constant 3200 : i32
    %multiple_of3A_72 = tpu.assume_multiple %multiple_of3A_71, 8 : i32
    %dma_start3A_73 = tpu.memref_slice %arg3[%multiple_of3A_70] : memref<1600000xi32, #tpu.memory_space<hbm>> -> memref<6400xi32, #tpu.memory_space<hbm>>
    %dma_start3A_74 = tpu.memref_slice %arg3[%multiple_of3A_70] : memref<1600000xi32, #tpu.memory_space<hbm>> -> memref<6400xi32, #tpu.memory_space<hbm>>
    tpu.enqueue_dma source(%dma_start3A_74 : memref<6400xi32, #tpu.memory_space<hbm>>) target(%arg9 : memref<6400xi32, #tpu.memory_space<vmem>>) target_semaphore(%arg13 : memref<!tpu.dma_semaphore, #tpu.memory_space<semaphore_mem>>)
    %dma_start3A_75 = tpu.memref_slice %arg4[%multiple_of3A_72] : memref<800000xi32, #tpu.memory_space<hbm>> -> memref<3200xi32, #tpu.memory_space<hbm>>
    %dma_start3A_76 = tpu.memref_slice %arg4[%multiple_of3A_72] : memref<800000xi32, #tpu.memory_space<hbm>> -> memref<3200xi32, #tpu.memory_space<hbm>>
    tpu.enqueue_dma source(%dma_start3A_76 : memref<3200xi32, #tpu.memory_space<hbm>>) target(%arg11 : memref<3200xi32, #tpu.memory_space<vmem>>) target_semaphore(%arg13 : memref<!tpu.dma_semaphore, #tpu.memory_space<semaphore_mem>>)
    %scan3A_77 = arith.constant 0 : i32
    %scan3A_78 = arith.constant 125 : i32
    %scan3A_79 = arith.addi %scan3A_77, %scan3A_78 : i32
    %scan3A_80 = arith.constant 1 : i32
    scf.for %scan3A_493 = %scan3A_77 to %scan3A_79 step %scan3A_80  : i32 {
      %mul3A_494 = arith.constant 2 : i32
      %mul3A_495 = arith.muli %scan3A_493, %mul3A_494 : i32
      %add3A_496 = arith.constant 0 : i32
      %add3A_497 = arith.addi %add3A_496, %mul3A_495 : i32
      %dma_wait3A = arith.constant 0 : i32
      %dma_wait3A_498 = tpu.memref_slice %arg3[%dma_wait3A] : memref<1600000xi32, #tpu.memory_space<hbm>> -> memref<6400xi32, #tpu.memory_space<hbm>>
      %dma_wait3A_499 = arith.constant 0 : i32
      %dma_wait3A_500 = tpu.memref_slice %arg3[%dma_wait3A_499] : memref<1600000xi32, #tpu.memory_space<hbm>> -> memref<6400xi32, #tpu.memory_space<hbm>>
      tpu.wait_dma2 semaphore(%arg12 : memref<!tpu.dma_semaphore, #tpu.memory_space<semaphore_mem>>) src(%dma_wait3A_500 : memref<6400xi32, #tpu.memory_space<hbm>>) dst(%arg8 : memref<6400xi32, #tpu.memory_space<vmem>>)
      %dma_wait3A_501 = arith.constant 0 : i32
      %dma_wait3A_502 = tpu.memref_slice %arg4[%dma_wait3A_501] : memref<800000xi32, #tpu.memory_space<hbm>> -> memref<3200xi32, #tpu.memory_space<hbm>>
      %dma_wait3A_503 = arith.constant 0 : i32
      %dma_wait3A_504 = tpu.memref_slice %arg4[%dma_wait3A_503] : memref<800000xi32, #tpu.memory_space<hbm>> -> memref<3200xi32, #tpu.memory_space<hbm>>
      tpu.wait_dma2 semaphore(%arg12 : memref<!tpu.dma_semaphore, #tpu.memory_space<semaphore_mem>>) src(%dma_wait3A_504 : memref<3200xi32, #tpu.memory_space<hbm>>) dst(%arg10 : memref<3200xi32, #tpu.memory_space<vmem>>)
      %parallel_loop3A = arith.constant 0 : i32
      %parallel_loop3A_505 = arith.constant 200 : i32
      %parallel_loop3A_506 = arith.constant 1 : i32
      scf.for %parallel_loop3A_533 = %parallel_loop3A to %parallel_loop3A_505 step %parallel_loop3A_506  : i32 {
        %parallel_loop3A_534 = arith.constant 32 : i32
        %parallel_loop3A_535 = arith.muli %parallel_loop3A_533, %parallel_loop3A_534 : i32
        %parallel_loop3A_536 = arith.constant 16 : i32
        %parallel_loop3A_537 = arith.muli %parallel_loop3A_533, %parallel_loop3A_536 : i32
        %parallel_loop3A_538 = arith.index_cast %parallel_loop3A_537 : i32 to index
        %parallel_loop3A_539 = tpu.vector_load %arg10[%parallel_loop3A_538] {strides = array<i32>} : memref<3200xi32, #tpu.memory_space<vmem>>, vector<16xi32>,
        %parallel_loop3A_540 = arith.constant 16 : i32
        %parallel_loop3A_541 = vector.broadcast %parallel_loop3A_540 : i32 to vector<16xi32>
        %parallel_loop3A_542 = arith.shli %parallel_loop3A_539, %parallel_loop3A_541 : vector<16xi32>
        %parallel_loop3A_543 = vector.bitcast %parallel_loop3A_542 : vector<16xi32> to vector<16xf32>
        %parallel_loop3A_544 = arith.constant -65536 : i32
        %parallel_loop3A_545 = vector.broadcast %parallel_loop3A_544 : i32 to vector<16xi32>
        %parallel_loop3A_546 = arith.andi %parallel_loop3A_539, %parallel_loop3A_545 : vector<16xi32>
        %parallel_loop3A_547 = vector.bitcast %parallel_loop3A_546 : vector<16xi32> to vector<16xf32>
        %parallel_loop3A_548 = arith.constant 0 : i32
        %parallel_loop3A_549 = arith.addi %parallel_loop3A_535, %parallel_loop3A_548 : i32
        %parallel_loop3A_550 = arith.index_cast %parallel_loop3A_549 : i32 to index
        %parallel_loop3A_551 = tpu.vector_load %arg8[%parallel_loop3A_550] {strides = array<i32>} : memref<6400xi32, #tpu.memory_space<vmem>>, vector<16xi32>,
        %parallel_loop3A_552 = arith.constant 16 : i32
        %parallel_loop3A_553 = vector.broadcast %parallel_loop3A_552 : i32 to vector<16xi32>
        %parallel_loop3A_554 = arith.shrui %parallel_loop3A_551, %parallel_loop3A_553 : vector<16xi32>
        %parallel_loop3A_555 = vector.bitcast %parallel_loop3A_554 : vector<16xi32> to vector<16xi32>
        %parallel_loop3A_556 = arith.constant 65535 : i32
        %parallel_loop3A_557 = vector.broadcast %parallel_loop3A_556 : i32 to vector<16xi32>
        %parallel_loop3A_558 = arith.andi %parallel_loop3A_551, %parallel_loop3A_557 : vector<16xi32>
        %parallel_loop3A_559 = vector.bitcast %parallel_loop3A_558 : vector<16xi32> to vector<16xi32>
        %parallel_loop3A_560 = tpu.vector_load_idx %arg6[%parallel_loop3A_555] : memref<50000xf32, #tpu.memory_space<vmem>>[vector<16xi32>], vector<16xf32>,
        %parallel_loop3A_561 = arith.mulf %parallel_loop3A_560, %parallel_loop3A_543 : vector<16xf32>
        tpu.vector_store_idx %arg7[%parallel_loop3A_559], %parallel_loop3A_561 {add = true} : memref<50000xf32, #tpu.memory_space<vmem>>[vector<16xi32>], vector<16xf32>,
        %parallel_loop3A_562 = arith.constant 16 : i32
        %parallel_loop3A_563 = arith.addi %parallel_loop3A_535, %parallel_loop3A_562 : i32
        %parallel_loop3A_564 = arith.index_cast %parallel_loop3A_563 : i32 to index
        %parallel_loop3A_565 = tpu.vector_load %arg8[%parallel_loop3A_564] {strides = array<i32>} : memref<6400xi32, #tpu.memory_space<vmem>>, vector<16xi32>,
        %parallel_loop3A_566 = arith.constant 16 : i32
        %parallel_loop3A_567 = vector.broadcast %parallel_loop3A_566 : i32 to vector<16xi32>
        %parallel_loop3A_568 = arith.shrui %parallel_loop3A_565, %parallel_loop3A_567 : vector<16xi32>
        %parallel_loop3A_569 = vector.bitcast %parallel_loop3A_568 : vector<16xi32> to vector<16xi32>
        %parallel_loop3A_570 = arith.constant 65535 : i32
        %parallel_loop3A_571 = vector.broadcast %parallel_loop3A_570 : i32 to vector<16xi32>
        %parallel_loop3A_572 = arith.andi %parallel_loop3A_565, %parallel_loop3A_571 : vector<16xi32>
        %parallel_loop3A_573 = vector.bitcast %parallel_loop3A_572 : vector<16xi32> to vector<16xi32>
        %parallel_loop3A_574 = tpu.vector_load_idx %arg6[%parallel_loop3A_569] : memref<50000xf32, #tpu.memory_space<vmem>>[vector<16xi32>], vector<16xf32>,
        %parallel_loop3A_575 = arith.mulf %parallel_loop3A_574, %parallel_loop3A_547 : vector<16xf32>
        tpu.vector_store_idx %arg7[%parallel_loop3A_573], %parallel_loop3A_575 {add = true} : memref<50000xf32, #tpu.memory_space<vmem>>[vector<16xi32>], vector<16xf32>,
      } {sc.loop_unroll_factor = 4 : i64, sc.parallel_access}
      %add3A_507 = arith.constant 0 : i32
      %add3A_508 = arith.addi %add3A_497, %add3A_507 : i32
      %add3A_509 = arith.constant 2 : i32
      %add3A_510 = arith.addi %add3A_508, %add3A_509 : i32
      %lt3A = arith.constant 250 : i32
      %lt3A_511 = arith.cmpi slt, %add3A_510, %lt3A : i32
      %convert_element_type3A = arith.extui %lt3A_511 : i1 to i32
      %cond3A = arith.constant 0 : i32
      %cond3A_512 = arith.cmpi ne, %convert_element_type3A, %cond3A : i32
      scf.if %cond3A_512 {
        %mul3A_533 = arith.constant 6400 : i32
        %mul3A_534 = arith.muli %add3A_510, %mul3A_533 : i32
        %multiple_of3A_535 = tpu.assume_multiple %mul3A_534, 8 : i32
        %mul3A_536 = arith.constant 3200 : i32
        %mul3A_537 = arith.muli %add3A_510, %mul3A_536 : i32
        %multiple_of3A_538 = tpu.assume_multiple %mul3A_537, 8 : i32
        %dma_start3A_539 = tpu.memref_slice %arg3[%multiple_of3A_535] : memref<1600000xi32, #tpu.memory_space<hbm>> -> memref<6400xi32, #tpu.memory_space<hbm>>
        %dma_start3A_540 = tpu.memref_slice %arg3[%multiple_of3A_535] : memref<1600000xi32, #tpu.memory_space<hbm>> -> memref<6400xi32, #tpu.memory_space<hbm>>
        tpu.enqueue_dma source(%dma_start3A_540 : memref<6400xi32, #tpu.memory_space<hbm>>) target(%arg8 : memref<6400xi32, #tpu.memory_space<vmem>>) target_semaphore(%arg12 : memref<!tpu.dma_semaphore, #tpu.memory_space<semaphore_mem>>)
        %dma_start3A_541 = tpu.memref_slice %arg4[%multiple_of3A_538] : memref<800000xi32, #tpu.memory_space<hbm>> -> memref<3200xi32, #tpu.memory_space<hbm>>
        %dma_start3A_542 = tpu.memref_slice %arg4[%multiple_of3A_538] : memref<800000xi32, #tpu.memory_space<hbm>> -> memref<3200xi32, #tpu.memory_space<hbm>>
        tpu.enqueue_dma source(%dma_start3A_542 : memref<3200xi32, #tpu.memory_space<hbm>>) target(%arg10 : memref<3200xi32, #tpu.memory_space<vmem>>) target_semaphore(%arg12 : memref<!tpu.dma_semaphore, #tpu.memory_space<semaphore_mem>>)
      } else {
      }
      %dma_wait3A_513 = arith.constant 0 : i32
      %dma_wait3A_514 = tpu.memref_slice %arg3[%dma_wait3A_513] : memref<1600000xi32, #tpu.memory_space<hbm>> -> memref<6400xi32, #tpu.memory_space<hbm>>
      %dma_wait3A_515 = arith.constant 0 : i32
      %dma_wait3A_516 = tpu.memref_slice %arg3[%dma_wait3A_515] : memref<1600000xi32, #tpu.memory_space<hbm>> -> memref<6400xi32, #tpu.memory_space<hbm>>
      tpu.wait_dma2 semaphore(%arg13 : memref<!tpu.dma_semaphore, #tpu.memory_space<semaphore_mem>>) src(%dma_wait3A_516 : memref<6400xi32, #tpu.memory_space<hbm>>) dst(%arg9 : memref<6400xi32, #tpu.memory_space<vmem>>)
      %dma_wait3A_517 = arith.constant 0 : i32
      %dma_wait3A_518 = tpu.memref_slice %arg4[%dma_wait3A_517] : memref<800000xi32, #tpu.memory_space<hbm>> -> memref<3200xi32, #tpu.memory_space<hbm>>
      %dma_wait3A_519 = arith.constant 0 : i32
      %dma_wait3A_520 = tpu.memref_slice %arg4[%dma_wait3A_519] : memref<800000xi32, #tpu.memory_space<hbm>> -> memref<3200xi32, #tpu.memory_space<hbm>>
      tpu.wait_dma2 semaphore(%arg13 : memref<!tpu.dma_semaphore, #tpu.memory_space<semaphore_mem>>) src(%dma_wait3A_520 : memref<3200xi32, #tpu.memory_space<hbm>>) dst(%arg11 : memref<3200xi32, #tpu.memory_space<vmem>>)
      %parallel_loop3A_521 = arith.constant 0 : i32
      %parallel_loop3A_522 = arith.constant 200 : i32
      %parallel_loop3A_523 = arith.constant 1 : i32
      scf.for %parallel_loop3A_533 = %parallel_loop3A_521 to %parallel_loop3A_522 step %parallel_loop3A_523  : i32 {
        %parallel_loop3A_534 = arith.constant 32 : i32
        %parallel_loop3A_535 = arith.muli %parallel_loop3A_533, %parallel_loop3A_534 : i32
        %parallel_loop3A_536 = arith.constant 16 : i32
        %parallel_loop3A_537 = arith.muli %parallel_loop3A_533, %parallel_loop3A_536 : i32
        %parallel_loop3A_538 = arith.index_cast %parallel_loop3A_537 : i32 to index
        %parallel_loop3A_539 = tpu.vector_load %arg11[%parallel_loop3A_538] {strides = array<i32>} : memref<3200xi32, #tpu.memory_space<vmem>>, vector<16xi32>,
        %parallel_loop3A_540 = arith.constant 16 : i32
        %parallel_loop3A_541 = vector.broadcast %parallel_loop3A_540 : i32 to vector<16xi32>
        %parallel_loop3A_542 = arith.shli %parallel_loop3A_539, %parallel_loop3A_541 : vector<16xi32>
        %parallel_loop3A_543 = vector.bitcast %parallel_loop3A_542 : vector<16xi32> to vector<16xf32>
        %parallel_loop3A_544 = arith.constant -65536 : i32
        %parallel_loop3A_545 = vector.broadcast %parallel_loop3A_544 : i32 to vector<16xi32>
        %parallel_loop3A_546 = arith.andi %parallel_loop3A_539, %parallel_loop3A_545 : vector<16xi32>
        %parallel_loop3A_547 = vector.bitcast %parallel_loop3A_546 : vector<16xi32> to vector<16xf32>
        %parallel_loop3A_548 = arith.constant 0 : i32
        %parallel_loop3A_549 = arith.addi %parallel_loop3A_535, %parallel_loop3A_548 : i32
        %parallel_loop3A_550 = arith.index_cast %parallel_loop3A_549 : i32 to index
        %parallel_loop3A_551 = tpu.vector_load %arg9[%parallel_loop3A_550] {strides = array<i32>} : memref<6400xi32, #tpu.memory_space<vmem>>, vector<16xi32>,
        %parallel_loop3A_552 = arith.constant 16 : i32
        %parallel_loop3A_553 = vector.broadcast %parallel_loop3A_552 : i32 to vector<16xi32>
        %parallel_loop3A_554 = arith.shrui %parallel_loop3A_551, %parallel_loop3A_553 : vector<16xi32>
        %parallel_loop3A_555 = vector.bitcast %parallel_loop3A_554 : vector<16xi32> to vector<16xi32>
        %parallel_loop3A_556 = arith.constant 65535 : i32
        %parallel_loop3A_557 = vector.broadcast %parallel_loop3A_556 : i32 to vector<16xi32>
        %parallel_loop3A_558 = arith.andi %parallel_loop3A_551, %parallel_loop3A_557 : vector<16xi32>
        %parallel_loop3A_559 = vector.bitcast %parallel_loop3A_558 : vector<16xi32> to vector<16xi32>
        %parallel_loop3A_560 = tpu.vector_load_idx %arg6[%parallel_loop3A_555] : memref<50000xf32, #tpu.memory_space<vmem>>[vector<16xi32>], vector<16xf32>,
        %parallel_loop3A_561 = arith.mulf %parallel_loop3A_560, %parallel_loop3A_543 : vector<16xf32>
        tpu.vector_store_idx %arg7[%parallel_loop3A_559], %parallel_loop3A_561 {add = true} : memref<50000xf32, #tpu.memory_space<vmem>>[vector<16xi32>], vector<16xf32>,
        %parallel_loop3A_562 = arith.constant 16 : i32
        %parallel_loop3A_563 = arith.addi %parallel_loop3A_535, %parallel_loop3A_562 : i32
        %parallel_loop3A_564 = arith.index_cast %parallel_loop3A_563 : i32 to index
        %parallel_loop3A_565 = tpu.vector_load %arg9[%parallel_loop3A_564] {strides = array<i32>} : memref<6400xi32, #tpu.memory_space<vmem>>, vector<16xi32>,
        %parallel_loop3A_566 = arith.constant 16 : i32
        %parallel_loop3A_567 = vector.broadcast %parallel_loop3A_566 : i32 to vector<16xi32>
        %parallel_loop3A_568 = arith.shrui %parallel_loop3A_565, %parallel_loop3A_567 : vector<16xi32>
        %parallel_loop3A_569 = vector.bitcast %parallel_loop3A_568 : vector<16xi32> to vector<16xi32>
        %parallel_loop3A_570 = arith.constant 65535 : i32
        %parallel_loop3A_571 = vector.broadcast %parallel_loop3A_570 : i32 to vector<16xi32>
        %parallel_loop3A_572 = arith.andi %parallel_loop3A_565, %parallel_loop3A_571 : vector<16xi32>
        %parallel_loop3A_573 = vector.bitcast %parallel_loop3A_572 : vector<16xi32> to vector<16xi32>
        %parallel_loop3A_574 = tpu.vector_load_idx %arg6[%parallel_loop3A_569] : memref<50000xf32, #tpu.memory_space<vmem>>[vector<16xi32>], vector<16xf32>,
        %parallel_loop3A_575 = arith.mulf %parallel_loop3A_574, %parallel_loop3A_547 : vector<16xf32>
        tpu.vector_store_idx %arg7[%parallel_loop3A_573], %parallel_loop3A_575 {add = true} : memref<50000xf32, #tpu.memory_space<vmem>>[vector<16xi32>], vector<16xf32>,
      } {sc.loop_unroll_factor = 4 : i64, sc.parallel_access}
      %add3A_524 = arith.constant 1 : i32
      %add3A_525 = arith.addi %add3A_497, %add3A_524 : i32
      %add3A_526 = arith.constant 2 : i32
      %add3A_527 = arith.addi %add3A_525, %add3A_526 : i32
      %lt3A_528 = arith.constant 250 : i32
      %lt3A_529 = arith.cmpi slt, %add3A_527, %lt3A_528 : i32
      %convert_element_type3A_530 = arith.extui %lt3A_529 : i1 to i32
      %cond3A_531 = arith.constant 0 : i32
      %cond3A_532 = arith.cmpi ne, %convert_element_type3A_530, %cond3A_531 : i32
      scf.if %cond3A_532 {
        %mul3A_533 = arith.constant 6400 : i32
        %mul3A_534 = arith.muli %add3A_527, %mul3A_533 : i32
        %multiple_of3A_535 = tpu.assume_multiple %mul3A_534, 8 : i32
        %mul3A_536 = arith.constant 3200 : i32
        %mul3A_537 = arith.muli %add3A_527, %mul3A_536 : i32
        %multiple_of3A_538 = tpu.assume_multiple %mul3A_537, 8 : i32
        %dma_start3A_539 = tpu.memref_slice %arg3[%multiple_of3A_535] : memref<1600000xi32, #tpu.memory_space<hbm>> -> memref<6400xi32, #tpu.memory_space<hbm>>
        %dma_start3A_540 = tpu.memref_slice %arg3[%multiple_of3A_535] : memref<1600000xi32, #tpu.memory_space<hbm>> -> memref<6400xi32, #tpu.memory_space<hbm>>
        tpu.enqueue_dma source(%dma_start3A_540 : memref<6400xi32, #tpu.memory_space<hbm>>) target(%arg9 : memref<6400xi32, #tpu.memory_space<vmem>>) target_semaphore(%arg13 : memref<!tpu.dma_semaphore, #tpu.memory_space<semaphore_mem>>)
        %dma_start3A_541 = tpu.memref_slice %arg4[%multiple_of3A_538] : memref<800000xi32, #tpu.memory_space<hbm>> -> memref<3200xi32, #tpu.memory_space<hbm>>
        %dma_start3A_542 = tpu.memref_slice %arg4[%multiple_of3A_538] : memref<800000xi32, #tpu.memory_space<hbm>> -> memref<3200xi32, #tpu.memory_space<hbm>>
        tpu.enqueue_dma source(%dma_start3A_542 : memref<3200xi32, #tpu.memory_space<hbm>>) target(%arg11 : memref<3200xi32, #tpu.memory_space<vmem>>) target_semaphore(%arg13 : memref<!tpu.dma_semaphore, #tpu.memory_space<semaphore_mem>>)
      } else {
      }
    }
    %scan3A_81 = arith.constant 125 : i32
    %scan3A_82 = arith.constant 0 : i32
    %scan3A_83 = arith.constant 3120 : i32
    %scan3A_84 = arith.addi %scan3A_82, %scan3A_83 : i32
    %scan3A_85 = arith.constant 8 : i32
    scf.for %scan3A_493 = %scan3A_82 to %scan3A_84 step %scan3A_85  : i32 {
      %mul3A_494 = arith.constant 1 : i32
      %mul3A_495 = arith.muli %scan3A_493, %mul3A_494 : i32
      %add3A_496 = arith.constant 0 : i32
      %add3A_497 = arith.addi %add3A_496, %mul3A_495 : i32
      %mul3A_498 = arith.constant 16 : i32
      %mul3A_499 = arith.muli %add3A_497, %mul3A_498 : i32
      %get3A_500 = arith.index_cast %mul3A_499 : i32 to index
      %get3A_501 = tpu.vector_load %arg6[%get3A_500] {strides = array<i32>} : memref<50000xf32, #tpu.memory_space<vmem>>, vector<16xf32>,
      %get3A_502 = arith.index_cast %mul3A_499 : i32 to index
      %get3A_503 = tpu.vector_load %arg7[%get3A_502] {strides = array<i32>} : memref<50000xf32, #tpu.memory_space<vmem>>, vector<16xf32>,
      %add3A_504 = arith.addf %get3A_501, %get3A_503 : vector<16xf32>
      %swap3A_505 = arith.index_cast %mul3A_499 : i32 to index
      %swap3A_506 = tpu.vector_load %arg6[%swap3A_505] {strides = array<i32>} : memref<50000xf32, #tpu.memory_space<vmem>>, vector<16xf32>,
      tpu.vector_store %arg6[%swap3A_505], %add3A_504 {strides = array<i32>} : memref<50000xf32, #tpu.memory_space<vmem>>, vector<16xf32>,
      %scan3A_507 = arith.constant 1 : i32
      %scan3A_508 = arith.addi %scan3A_493, %scan3A_507 : i32
      %mul3A_509 = arith.constant 1 : i32
      %mul3A_510 = arith.muli %scan3A_508, %mul3A_509 : i32
      %add3A_511 = arith.constant 0 : i32
      %add3A_512 = arith.addi %add3A_511, %mul3A_510 : i32
      %mul3A_513 = arith.constant 16 : i32
      %mul3A_514 = arith.muli %add3A_512, %mul3A_513 : i32
      %get3A_515 = arith.index_cast %mul3A_514 : i32 to index
      %get3A_516 = tpu.vector_load %arg6[%get3A_515] {strides = array<i32>} : memref<50000xf32, #tpu.memory_space<vmem>>, vector<16xf32>,
      %get3A_517 = arith.index_cast %mul3A_514 : i32 to index
      %get3A_518 = tpu.vector_load %arg7[%get3A_517] {strides = array<i32>} : memref<50000xf32, #tpu.memory_space<vmem>>, vector<16xf32>,
      %add3A_519 = arith.addf %get3A_516, %get3A_518 : vector<16xf32>
      %swap3A_520 = arith.index_cast %mul3A_514 : i32 to index
      %swap3A_521 = tpu.vector_load %arg6[%swap3A_520] {strides = array<i32>} : memref<50000xf32, #tpu.memory_space<vmem>>, vector<16xf32>,
      tpu.vector_store %arg6[%swap3A_520], %add3A_519 {strides = array<i32>} : memref<50000xf32, #tpu.memory_space<vmem>>, vector<16xf32>,
      %scan3A_522 = arith.constant 2 : i32
      %scan3A_523 = arith.addi %scan3A_493, %scan3A_522 : i32
      %mul3A_524 = arith.constant 1 : i32
      %mul3A_525 = arith.muli %scan3A_523, %mul3A_524 : i32
      %add3A_526 = arith.constant 0 : i32
      %add3A_527 = arith.addi %add3A_526, %mul3A_525 : i32
      %mul3A_528 = arith.constant 16 : i32
      %mul3A_529 = arith.muli %add3A_527, %mul3A_528 : i32
      %get3A_530 = arith.index_cast %mul3A_529 : i32 to index
      %get3A_531 = tpu.vector_load %arg6[%get3A_530] {strides = array<i32>} : memref<50000xf32, #tpu.memory_space<vmem>>, vector<16xf32>,
      %get3A_532 = arith.index_cast %mul3A_529 : i32 to index
      %get3A_533 = tpu.vector_load %arg7[%get3A_532] {strides = array<i32>} : memref<50000xf32, #tpu.memory_space<vmem>>, vector<16xf32>,
      %add3A_534 = arith.addf %get3A_531, %get3A_533 : vector<16xf32>
      %swap3A_535 = arith.index_cast %mul3A_529 : i32 to index
      %swap3A_536 = tpu.vector_load %arg6[%swap3A_535] {strides = array<i32>} : memref<50000xf32, #tpu.memory_space<vmem>>, vector<16xf32>,
      tpu.vector_store %arg6[%swap3A_535], %add3A_534 {strides = array<i32>} : memref<50000xf32, #tpu.memory_space<vmem>>, vector<16xf32>,
      %scan3A_537 = arith.constant 3 : i32
      %scan3A_538 = arith.addi %scan3A_493, %scan3A_537 : i32
      %mul3A_539 = arith.constant 1 : i32
      %mul3A_540 = arith.muli %scan3A_538, %mul3A_539 : i32
      %add3A_541 = arith.constant 0 : i32
      %add3A_542 = arith.addi %add3A_541, %mul3A_540 : i32
      %mul3A_543 = arith.constant 16 : i32
      %mul3A_544 = arith.muli %add3A_542, %mul3A_543 : i32
      %get3A_545 = arith.index_cast %mul3A_544 : i32 to index
      %get3A_546 = tpu.vector_load %arg6[%get3A_545] {strides = array<i32>} : memref<50000xf32, #tpu.memory_space<vmem>>, vector<16xf32>,
      %get3A_547 = arith.index_cast %mul3A_544 : i32 to index
      %get3A_548 = tpu.vector_load %arg7[%get3A_547] {strides = array<i32>} : memref<50000xf32, #tpu.memory_space<vmem>>, vector<16xf32>,
      %add3A_549 = arith.addf %get3A_546, %get3A_548 : vector<16xf32>
      %swap3A_550 = arith.index_cast %mul3A_544 : i32 to index
      %swap3A_551 = tpu.vector_load %arg6[%swap3A_550] {strides = array<i32>} : memref<50000xf32, #tpu.memory_space<vmem>>, vector<16xf32>,
      tpu.vector_store %arg6[%swap3A_550], %add3A_549 {strides = array<i32>} : memref<50000xf32, #tpu.memory_space<vmem>>, vector<16xf32>,
      %scan3A_552 = arith.constant 4 : i32
      %scan3A_553 = arith.addi %scan3A_493, %scan3A_552 : i32
      %mul3A_554 = arith.constant 1 : i32
      %mul3A_555 = arith.muli %scan3A_553, %mul3A_554 : i32
      %add3A_556 = arith.constant 0 : i32
      %add3A_557 = arith.addi %add3A_556, %mul3A_555 : i32
      %mul3A_558 = arith.constant 16 : i32
      %mul3A_559 = arith.muli %add3A_557, %mul3A_558 : i32
      %get3A_560 = arith.index_cast %mul3A_559 : i32 to index
      %get3A_561 = tpu.vector_load %arg6[%get3A_560] {strides = array<i32>} : memref<50000xf32, #tpu.memory_space<vmem>>, vector<16xf32>,
      %get3A_562 = arith.index_cast %mul3A_559 : i32 to index
      %get3A_563 = tpu.vector_load %arg7[%get3A_562] {strides = array<i32>} : memref<50000xf32, #tpu.memory_space<vmem>>, vector<16xf32>,
      %add3A_564 = arith.addf %get3A_561, %get3A_563 : vector<16xf32>
      %swap3A_565 = arith.index_cast %mul3A_559 : i32 to index
      %swap3A_566 = tpu.vector_load %arg6[%swap3A_565] {strides = array<i32>} : memref<50000xf32, #tpu.memory_space<vmem>>, vector<16xf32>,
      tpu.vector_store %arg6[%swap3A_565], %add3A_564 {strides = array<i32>} : memref<50000xf32, #tpu.memory_space<vmem>>, vector<16xf32>,
      %scan3A_567 = arith.constant 5 : i32
      %scan3A_568 = arith.addi %scan3A_493, %scan3A_567 : i32
      %mul3A_569 = arith.constant 1 : i32
      %mul3A_570 = arith.muli %scan3A_568, %mul3A_569 : i32
      %add3A_571 = arith.constant 0 : i32
      %add3A_572 = arith.addi %add3A_571, %mul3A_570 : i32
      %mul3A_573 = arith.constant 16 : i32
      %mul3A_574 = arith.muli %add3A_572, %mul3A_573 : i32
      %get3A_575 = arith.index_cast %mul3A_574 : i32 to index
      %get3A_576 = tpu.vector_load %arg6[%get3A_575] {strides = array<i32>} : memref<50000xf32, #tpu.memory_space<vmem>>, vector<16xf32>,
      %get3A_577 = arith.index_cast %mul3A_574 : i32 to index
      %get3A_578 = tpu.vector_load %arg7[%get3A_577] {strides = array<i32>} : memref<50000xf32, #tpu.memory_space<vmem>>, vector<16xf32>,
      %add3A_579 = arith.addf %get3A_576, %get3A_578 : vector<16xf32>
      %swap3A_580 = arith.index_cast %mul3A_574 : i32 to index
      %swap3A_581 = tpu.vector_load %arg6[%swap3A_580] {strides = array<i32>} : memref<50000xf32, #tpu.memory_space<vmem>>, vector<16xf32>,
      tpu.vector_store %arg6[%swap3A_580], %add3A_579 {strides = array<i32>} : memref<50000xf32, #tpu.memory_space<vmem>>, vector<16xf32>,
      %scan3A_582 = arith.constant 6 : i32
      %scan3A_583 = arith.addi %scan3A_493, %scan3A_582 : i32
      %mul3A_584 = arith.constant 1 : i32
      %mul3A_585 = arith.muli %scan3A_583, %mul3A_584 : i32
      %add3A_586 = arith.constant 0 : i32
      %add3A_587 = arith.addi %add3A_586, %mul3A_585 : i32
      %mul3A_588 = arith.constant 16 : i32
      %mul3A_589 = arith.muli %add3A_587, %mul3A_588 : i32
      %get3A_590 = arith.index_cast %mul3A_589 : i32 to index
      %get3A_591 = tpu.vector_load %arg6[%get3A_590] {strides = array<i32>} : memref<50000xf32, #tpu.memory_space<vmem>>, vector<16xf32>,
      %get3A_592 = arith.index_cast %mul3A_589 : i32 to index
      %get3A_593 = tpu.vector_load %arg7[%get3A_592] {strides = array<i32>} : memref<50000xf32, #tpu.memory_space<vmem>>, vector<16xf32>,
      %add3A_594 = arith.addf %get3A_591, %get3A_593 : vector<16xf32>
      %swap3A_595 = arith.index_cast %mul3A_589 : i32 to index
      %swap3A_596 = tpu.vector_load %arg6[%swap3A_595] {strides = array<i32>} : memref<50000xf32, #tpu.memory_space<vmem>>, vector<16xf32>,
      tpu.vector_store %arg6[%swap3A_595], %add3A_594 {strides = array<i32>} : memref<50000xf32, #tpu.memory_space<vmem>>, vector<16xf32>,
      %scan3A_597 = arith.constant 7 : i32
      %scan3A_598 = arith.addi %scan3A_493, %scan3A_597 : i32
      %mul3A_599 = arith.constant 1 : i32
      %mul3A_600 = arith.muli %scan3A_598, %mul3A_599 : i32
      %add3A_601 = arith.constant 0 : i32
      %add3A_602 = arith.addi %add3A_601, %mul3A_600 : i32
      %mul3A_603 = arith.constant 16 : i32
      %mul3A_604 = arith.muli %add3A_602, %mul3A_603 : i32
      %get3A_605 = arith.index_cast %mul3A_604 : i32 to index
      %get3A_606 = tpu.vector_load %arg6[%get3A_605] {strides = array<i32>} : memref<50000xf32, #tpu.memory_space<vmem>>, vector<16xf32>,
      %get3A_607 = arith.index_cast %mul3A_604 : i32 to index
      %get3A_608 = tpu.vector_load %arg7[%get3A_607] {strides = array<i32>} : memref<50000xf32, #tpu.memory_space<vmem>>, vector<16xf32>,
      %add3A_609 = arith.addf %get3A_606, %get3A_608 : vector<16xf32>
      %swap3A_610 = arith.index_cast %mul3A_604 : i32 to index
      %swap3A_611 = tpu.vector_load %arg6[%swap3A_610] {strides = array<i32>} : memref<50000xf32, #tpu.memory_space<vmem>>, vector<16xf32>,
      tpu.vector_store %arg6[%swap3A_610], %add3A_609 {strides = array<i32>} : memref<50000xf32, #tpu.memory_space<vmem>>, vector<16xf32>,
    }
    %scan3A_86 = arith.constant 3120 : i32
    %scan3A_87 = arith.addi %scan3A_82, %scan3A_86 : i32
    %mul3A_88 = arith.constant 1 : i32
    %mul3A_89 = arith.muli %scan3A_87, %mul3A_88 : i32
    %add3A_90 = arith.constant 0 : i32
    %add3A_91 = arith.addi %add3A_90, %mul3A_89 : i32
    %mul3A_92 = arith.constant 16 : i32
    %mul3A_93 = arith.muli %add3A_91, %mul3A_92 : i32
    %get3A = arith.index_cast %mul3A_93 : i32 to index
    %get3A_94 = tpu.vector_load %arg6[%get3A] {strides = array<i32>} : memref<50000xf32, #tpu.memory_space<vmem>>, vector<16xf32>,
    %get3A_95 = arith.index_cast %mul3A_93 : i32 to index
    %get3A_96 = tpu.vector_load %arg7[%get3A_95] {strides = array<i32>} : memref<50000xf32, #tpu.memory_space<vmem>>, vector<16xf32>,
    %add3A_97 = arith.addf %get3A_94, %get3A_96 : vector<16xf32>
    %swap3A_98 = arith.index_cast %mul3A_93 : i32 to index
    %swap3A_99 = tpu.vector_load %arg6[%swap3A_98] {strides = array<i32>} : memref<50000xf32, #tpu.memory_space<vmem>>, vector<16xf32>,
    tpu.vector_store %arg6[%swap3A_98], %add3A_97 {strides = array<i32>} : memref<50000xf32, #tpu.memory_space<vmem>>, vector<16xf32>,
    %scan3A_100 = arith.constant 3121 : i32
    %scan3A_101 = arith.addi %scan3A_82, %scan3A_100 : i32
    %mul3A_102 = arith.constant 1 : i32
    %mul3A_103 = arith.muli %scan3A_101, %mul3A_102 : i32
    %add3A_104 = arith.constant 0 : i32
    %add3A_105 = arith.addi %add3A_104, %mul3A_103 : i32
    %mul3A_106 = arith.constant 16 : i32
    %mul3A_107 = arith.muli %add3A_105, %mul3A_106 : i32
    %get3A_108 = arith.index_cast %mul3A_107 : i32 to index
    %get3A_109 = tpu.vector_load %arg6[%get3A_108] {strides = array<i32>} : memref<50000xf32, #tpu.memory_space<vmem>>, vector<16xf32>,
    %get3A_110 = arith.index_cast %mul3A_107 : i32 to index
    %get3A_111 = tpu.vector_load %arg7[%get3A_110] {strides = array<i32>} : memref<50000xf32, #tpu.memory_space<vmem>>, vector<16xf32>,
    %add3A_112 = arith.addf %get3A_109, %get3A_111 : vector<16xf32>
    %swap3A_113 = arith.index_cast %mul3A_107 : i32 to index
    %swap3A_114 = tpu.vector_load %arg6[%swap3A_113] {strides = array<i32>} : memref<50000xf32, #tpu.memory_space<vmem>>, vector<16xf32>,
    tpu.vector_store %arg6[%swap3A_113], %add3A_112 {strides = array<i32>} : memref<50000xf32, #tpu.memory_space<vmem>>, vector<16xf32>,
    %scan3A_115 = arith.constant 3122 : i32
    %scan3A_116 = arith.addi %scan3A_82, %scan3A_115 : i32
    %mul3A_117 = arith.constant 1 : i32
    %mul3A_118 = arith.muli %scan3A_116, %mul3A_117 : i32
    %add3A_119 = arith.constant 0 : i32
    %add3A_120 = arith.addi %add3A_119, %mul3A_118 : i32
    %mul3A_121 = arith.constant 16 : i32
    %mul3A_122 = arith.muli %add3A_120, %mul3A_121 : i32
    %get3A_123 = arith.index_cast %mul3A_122 : i32 to index
    %get3A_124 = tpu.vector_load %arg6[%get3A_123] {strides = array<i32>} : memref<50000xf32, #tpu.memory_space<vmem>>, vector<16xf32>,
    %get3A_125 = arith.index_cast %mul3A_122 : i32 to index
    %get3A_126 = tpu.vector_load %arg7[%get3A_125] {strides = array<i32>} : memref<50000xf32, #tpu.memory_space<vmem>>, vector<16xf32>,
    %add3A_127 = arith.addf %get3A_124, %get3A_126 : vector<16xf32>
    %swap3A_128 = arith.index_cast %mul3A_122 : i32 to index
    %swap3A_129 = tpu.vector_load %arg6[%swap3A_128] {strides = array<i32>} : memref<50000xf32, #tpu.memory_space<vmem>>, vector<16xf32>,
    tpu.vector_store %arg6[%swap3A_128], %add3A_127 {strides = array<i32>} : memref<50000xf32, #tpu.memory_space<vmem>>, vector<16xf32>,
    %scan3A_130 = arith.constant 3123 : i32
    %scan3A_131 = arith.addi %scan3A_82, %scan3A_130 : i32
    %mul3A_132 = arith.constant 1 : i32
    %mul3A_133 = arith.muli %scan3A_131, %mul3A_132 : i32
    %add3A_134 = arith.constant 0 : i32
    %add3A_135 = arith.addi %add3A_134, %mul3A_133 : i32
    %mul3A_136 = arith.constant 16 : i32
    %mul3A_137 = arith.muli %add3A_135, %mul3A_136 : i32
    %get3A_138 = arith.index_cast %mul3A_137 : i32 to index
    %get3A_139 = tpu.vector_load %arg6[%get3A_138] {strides = array<i32>} : memref<50000xf32, #tpu.memory_space<vmem>>, vector<16xf32>,
    %get3A_140 = arith.index_cast %mul3A_137 : i32 to index
    %get3A_141 = tpu.vector_load %arg7[%get3A_140] {strides = array<i32>} : memref<50000xf32, #tpu.memory_space<vmem>>, vector<16xf32>,
    %add3A_142 = arith.addf %get3A_139, %get3A_141 : vector<16xf32>
    %swap3A_143 = arith.index_cast %mul3A_137 : i32 to index
    %swap3A_144 = tpu.vector_load %arg6[%swap3A_143] {strides = array<i32>} : memref<50000xf32, #tpu.memory_space<vmem>>, vector<16xf32>,
    tpu.vector_store %arg6[%swap3A_143], %add3A_142 {strides = array<i32>} : memref<50000xf32, #tpu.memory_space<vmem>>, vector<16xf32>,
    %scan3A_145 = arith.constant 3124 : i32
    %scan3A_146 = arith.addi %scan3A_82, %scan3A_145 : i32
    %mul3A_147 = arith.constant 1 : i32
    %mul3A_148 = arith.muli %scan3A_146, %mul3A_147 : i32
    %add3A_149 = arith.constant 0 : i32
    %add3A_150 = arith.addi %add3A_149, %mul3A_148 : i32
    %mul3A_151 = arith.constant 16 : i32
    %mul3A_152 = arith.muli %add3A_150, %mul3A_151 : i32
    %get3A_153 = arith.index_cast %mul3A_152 : i32 to index
    %get3A_154 = tpu.vector_load %arg6[%get3A_153] {strides = array<i32>} : memref<50000xf32, #tpu.memory_space<vmem>>, vector<16xf32>,
    %get3A_155 = arith.index_cast %mul3A_152 : i32 to index
    %get3A_156 = tpu.vector_load %arg7[%get3A_155] {strides = array<i32>} : memref<50000xf32, #tpu.memory_space<vmem>>, vector<16xf32>,
    %add3A_157 = arith.addf %get3A_154, %get3A_156 : vector<16xf32>
    %swap3A_158 = arith.index_cast %mul3A_152 : i32 to index
    %swap3A_159 = tpu.vector_load %arg6[%swap3A_158] {strides = array<i32>} : memref<50000xf32, #tpu.memory_space<vmem>>, vector<16xf32>,
    tpu.vector_store %arg6[%swap3A_158], %add3A_157 {strides = array<i32>} : memref<50000xf32, #tpu.memory_space<vmem>>, vector<16xf32>,
    %scan3A_160 = arith.constant 3125 : i32
    %scan3A_161 = arith.constant 0 : i32
    %scan3A_162 = arith.constant 3120 : i32
    %scan3A_163 = arith.addi %scan3A_161, %scan3A_162 : i32
    %scan3A_164 = arith.constant 8 : i32
    scf.for %scan3A_493 = %scan3A_161 to %scan3A_163 step %scan3A_164  : i32 {
      %mul3A_494 = arith.constant 1 : i32
      %mul3A_495 = arith.muli %scan3A_493, %mul3A_494 : i32
      %add3A_496 = arith.constant 0 : i32
      %add3A_497 = arith.addi %add3A_496, %mul3A_495 : i32
      %broadcast_in_dim3A_498 = arith.constant 0.000000e+00 : f32
      %broadcast_in_dim3A_499 = vector.broadcast %broadcast_in_dim3A_498 : f32 to vector<16xf32>
      %mul3A_500 = arith.constant 16 : i32
      %mul3A_501 = arith.muli %add3A_497, %mul3A_500 : i32
      %swap3A_502 = arith.index_cast %mul3A_501 : i32 to index
      %swap3A_503 = tpu.vector_load %arg7[%swap3A_502] {strides = array<i32>} : memref<50000xf32, #tpu.memory_space<vmem>>, vector<16xf32>,
      tpu.vector_store %arg7[%swap3A_502], %broadcast_in_dim3A_499 {strides = array<i32>} : memref<50000xf32, #tpu.memory_space<vmem>>, vector<16xf32>,
      %scan3A_504 = arith.constant 1 : i32
      %scan3A_505 = arith.addi %scan3A_493, %scan3A_504 : i32
      %mul3A_506 = arith.constant 1 : i32
      %mul3A_507 = arith.muli %scan3A_505, %mul3A_506 : i32
      %add3A_508 = arith.constant 0 : i32
      %add3A_509 = arith.addi %add3A_508, %mul3A_507 : i32
      %broadcast_in_dim3A_510 = arith.constant 0.000000e+00 : f32
      %broadcast_in_dim3A_511 = vector.broadcast %broadcast_in_dim3A_510 : f32 to vector<16xf32>
      %mul3A_512 = arith.constant 16 : i32
      %mul3A_513 = arith.muli %add3A_509, %mul3A_512 : i32
      %swap3A_514 = arith.index_cast %mul3A_513 : i32 to index
      %swap3A_515 = tpu.vector_load %arg7[%swap3A_514] {strides = array<i32>} : memref<50000xf32, #tpu.memory_space<vmem>>, vector<16xf32>,
      tpu.vector_store %arg7[%swap3A_514], %broadcast_in_dim3A_511 {strides = array<i32>} : memref<50000xf32, #tpu.memory_space<vmem>>, vector<16xf32>,
      %scan3A_516 = arith.constant 2 : i32
      %scan3A_517 = arith.addi %scan3A_493, %scan3A_516 : i32
      %mul3A_518 = arith.constant 1 : i32
      %mul3A_519 = arith.muli %scan3A_517, %mul3A_518 : i32
      %add3A_520 = arith.constant 0 : i32
      %add3A_521 = arith.addi %add3A_520, %mul3A_519 : i32
      %broadcast_in_dim3A_522 = arith.constant 0.000000e+00 : f32
      %broadcast_in_dim3A_523 = vector.broadcast %broadcast_in_dim3A_522 : f32 to vector<16xf32>
      %mul3A_524 = arith.constant 16 : i32
      %mul3A_525 = arith.muli %add3A_521, %mul3A_524 : i32
      %swap3A_526 = arith.index_cast %mul3A_525 : i32 to index
      %swap3A_527 = tpu.vector_load %arg7[%swap3A_526] {strides = array<i32>} : memref<50000xf32, #tpu.memory_space<vmem>>, vector<16xf32>,
      tpu.vector_store %arg7[%swap3A_526], %broadcast_in_dim3A_523 {strides = array<i32>} : memref<50000xf32, #tpu.memory_space<vmem>>, vector<16xf32>,
      %scan3A_528 = arith.constant 3 : i32
      %scan3A_529 = arith.addi %scan3A_493, %scan3A_528 : i32
      %mul3A_530 = arith.constant 1 : i32
      %mul3A_531 = arith.muli %scan3A_529, %mul3A_530 : i32
      %add3A_532 = arith.constant 0 : i32
      %add3A_533 = arith.addi %add3A_532, %mul3A_531 : i32
      %broadcast_in_dim3A_534 = arith.constant 0.000000e+00 : f32
      %broadcast_in_dim3A_535 = vector.broadcast %broadcast_in_dim3A_534 : f32 to vector<16xf32>
      %mul3A_536 = arith.constant 16 : i32
      %mul3A_537 = arith.muli %add3A_533, %mul3A_536 : i32
      %swap3A_538 = arith.index_cast %mul3A_537 : i32 to index
      %swap3A_539 = tpu.vector_load %arg7[%swap3A_538] {strides = array<i32>} : memref<50000xf32, #tpu.memory_space<vmem>>, vector<16xf32>,
      tpu.vector_store %arg7[%swap3A_538], %broadcast_in_dim3A_535 {strides = array<i32>} : memref<50000xf32, #tpu.memory_space<vmem>>, vector<16xf32>,
      %scan3A_540 = arith.constant 4 : i32
      %scan3A_541 = arith.addi %scan3A_493, %scan3A_540 : i32
      %mul3A_542 = arith.constant 1 : i32
      %mul3A_543 = arith.muli %scan3A_541, %mul3A_542 : i32
      %add3A_544 = arith.constant 0 : i32
      %add3A_545 = arith.addi %add3A_544, %mul3A_543 : i32
      %broadcast_in_dim3A_546 = arith.constant 0.000000e+00 : f32
      %broadcast_in_dim3A_547 = vector.broadcast %broadcast_in_dim3A_546 : f32 to vector<16xf32>
      %mul3A_548 = arith.constant 16 : i32
      %mul3A_549 = arith.muli %add3A_545, %mul3A_548 : i32
      %swap3A_550 = arith.index_cast %mul3A_549 : i32 to index
      %swap3A_551 = tpu.vector_load %arg7[%swap3A_550] {strides = array<i32>} : memref<50000xf32, #tpu.memory_space<vmem>>, vector<16xf32>,
      tpu.vector_store %arg7[%swap3A_550], %broadcast_in_dim3A_547 {strides = array<i32>} : memref<50000xf32, #tpu.memory_space<vmem>>, vector<16xf32>,
      %scan3A_552 = arith.constant 5 : i32
      %scan3A_553 = arith.addi %scan3A_493, %scan3A_552 : i32
      %mul3A_554 = arith.constant 1 : i32
      %mul3A_555 = arith.muli %scan3A_553, %mul3A_554 : i32
      %add3A_556 = arith.constant 0 : i32
      %add3A_557 = arith.addi %add3A_556, %mul3A_555 : i32
      %broadcast_in_dim3A_558 = arith.constant 0.000000e+00 : f32
      %broadcast_in_dim3A_559 = vector.broadcast %broadcast_in_dim3A_558 : f32 to vector<16xf32>
      %mul3A_560 = arith.constant 16 : i32
      %mul3A_561 = arith.muli %add3A_557, %mul3A_560 : i32
      %swap3A_562 = arith.index_cast %mul3A_561 : i32 to index
      %swap3A_563 = tpu.vector_load %arg7[%swap3A_562] {strides = array<i32>} : memref<50000xf32, #tpu.memory_space<vmem>>, vector<16xf32>,
      tpu.vector_store %arg7[%swap3A_562], %broadcast_in_dim3A_559 {strides = array<i32>} : memref<50000xf32, #tpu.memory_space<vmem>>, vector<16xf32>,
      %scan3A_564 = arith.constant 6 : i32
      %scan3A_565 = arith.addi %scan3A_493, %scan3A_564 : i32
      %mul3A_566 = arith.constant 1 : i32
      %mul3A_567 = arith.muli %scan3A_565, %mul3A_566 : i32
      %add3A_568 = arith.constant 0 : i32
      %add3A_569 = arith.addi %add3A_568, %mul3A_567 : i32
      %broadcast_in_dim3A_570 = arith.constant 0.000000e+00 : f32
      %broadcast_in_dim3A_571 = vector.broadcast %broadcast_in_dim3A_570 : f32 to vector<16xf32>
      %mul3A_572 = arith.constant 16 : i32
      %mul3A_573 = arith.muli %add3A_569, %mul3A_572 : i32
      %swap3A_574 = arith.index_cast %mul3A_573 : i32 to index
      %swap3A_575 = tpu.vector_load %arg7[%swap3A_574] {strides = array<i32>} : memref<50000xf32, #tpu.memory_space<vmem>>, vector<16xf32>,
      tpu.vector_store %arg7[%swap3A_574], %broadcast_in_dim3A_571 {strides = array<i32>} : memref<50000xf32, #tpu.memory_space<vmem>>, vector<16xf32>,
      %scan3A_576 = arith.constant 7 : i32
      %scan3A_577 = arith.addi %scan3A_493, %scan3A_576 : i32
      %mul3A_578 = arith.constant 1 : i32
      %mul3A_579 = arith.muli %scan3A_577, %mul3A_578 : i32
      %add3A_580 = arith.constant 0 : i32
      %add3A_581 = arith.addi %add3A_580, %mul3A_579 : i32
      %broadcast_in_dim3A_582 = arith.constant 0.000000e+00 : f32
      %broadcast_in_dim3A_583 = vector.broadcast %broadcast_in_dim3A_582 : f32 to vector<16xf32>
      %mul3A_584 = arith.constant 16 : i32
      %mul3A_585 = arith.muli %add3A_581, %mul3A_584 : i32
      %swap3A_586 = arith.index_cast %mul3A_585 : i32 to index
      %swap3A_587 = tpu.vector_load %arg7[%swap3A_586] {strides = array<i32>} : memref<50000xf32, #tpu.memory_space<vmem>>, vector<16xf32>,
      tpu.vector_store %arg7[%swap3A_586], %broadcast_in_dim3A_583 {strides = array<i32>} : memref<50000xf32, #tpu.memory_space<vmem>>, vector<16xf32>,
    }
    %scan3A_165 = arith.constant 3120 : i32
    %scan3A_166 = arith.addi %scan3A_161, %scan3A_165 : i32
    %mul3A_167 = arith.constant 1 : i32
    %mul3A_168 = arith.muli %scan3A_166, %mul3A_167 : i32
    %add3A_169 = arith.constant 0 : i32
    %add3A_170 = arith.addi %add3A_169, %mul3A_168 : i32
    %broadcast_in_dim3A_171 = arith.constant 0.000000e+00 : f32
    %broadcast_in_dim3A_172 = vector.broadcast %broadcast_in_dim3A_171 : f32 to vector<16xf32>
    %mul3A_173 = arith.constant 16 : i32
    %mul3A_174 = arith.muli %add3A_170, %mul3A_173 : i32
    %swap3A_175 = arith.index_cast %mul3A_174 : i32 to index
    %swap3A_176 = tpu.vector_load %arg7[%swap3A_175] {strides = array<i32>} : memref<50000xf32, #tpu.memory_space<vmem>>, vector<16xf32>,
    tpu.vector_store %arg7[%swap3A_175], %broadcast_in_dim3A_172 {strides = array<i32>} : memref<50000xf32, #tpu.memory_space<vmem>>, vector<16xf32>,
    %scan3A_177 = arith.constant 3121 : i32
    %scan3A_178 = arith.addi %scan3A_161, %scan3A_177 : i32
    %mul3A_179 = arith.constant 1 : i32
    %mul3A_180 = arith.muli %scan3A_178, %mul3A_179 : i32
    %add3A_181 = arith.constant 0 : i32
    %add3A_182 = arith.addi %add3A_181, %mul3A_180 : i32
    %broadcast_in_dim3A_183 = arith.constant 0.000000e+00 : f32
    %broadcast_in_dim3A_184 = vector.broadcast %broadcast_in_dim3A_183 : f32 to vector<16xf32>
    %mul3A_185 = arith.constant 16 : i32
    %mul3A_186 = arith.muli %add3A_182, %mul3A_185 : i32
    %swap3A_187 = arith.index_cast %mul3A_186 : i32 to index
    %swap3A_188 = tpu.vector_load %arg7[%swap3A_187] {strides = array<i32>} : memref<50000xf32, #tpu.memory_space<vmem>>, vector<16xf32>,
    tpu.vector_store %arg7[%swap3A_187], %broadcast_in_dim3A_184 {strides = array<i32>} : memref<50000xf32, #tpu.memory_space<vmem>>, vector<16xf32>,
    %scan3A_189 = arith.constant 3122 : i32
    %scan3A_190 = arith.addi %scan3A_161, %scan3A_189 : i32
    %mul3A_191 = arith.constant 1 : i32
    %mul3A_192 = arith.muli %scan3A_190, %mul3A_191 : i32
    %add3A_193 = arith.constant 0 : i32
    %add3A_194 = arith.addi %add3A_193, %mul3A_192 : i32
    %broadcast_in_dim3A_195 = arith.constant 0.000000e+00 : f32
    %broadcast_in_dim3A_196 = vector.broadcast %broadcast_in_dim3A_195 : f32 to vector<16xf32>
    %mul3A_197 = arith.constant 16 : i32
    %mul3A_198 = arith.muli %add3A_194, %mul3A_197 : i32
    %swap3A_199 = arith.index_cast %mul3A_198 : i32 to index
    %swap3A_200 = tpu.vector_load %arg7[%swap3A_199] {strides = array<i32>} : memref<50000xf32, #tpu.memory_space<vmem>>, vector<16xf32>,
    tpu.vector_store %arg7[%swap3A_199], %broadcast_in_dim3A_196 {strides = array<i32>} : memref<50000xf32, #tpu.memory_space<vmem>>, vector<16xf32>,
    %scan3A_201 = arith.constant 3123 : i32
    %scan3A_202 = arith.addi %scan3A_161, %scan3A_201 : i32
    %mul3A_203 = arith.constant 1 : i32
    %mul3A_204 = arith.muli %scan3A_202, %mul3A_203 : i32
    %add3A_205 = arith.constant 0 : i32
    %add3A_206 = arith.addi %add3A_205, %mul3A_204 : i32
    %broadcast_in_dim3A_207 = arith.constant 0.000000e+00 : f32
    %broadcast_in_dim3A_208 = vector.broadcast %broadcast_in_dim3A_207 : f32 to vector<16xf32>
    %mul3A_209 = arith.constant 16 : i32
    %mul3A_210 = arith.muli %add3A_206, %mul3A_209 : i32
    %swap3A_211 = arith.index_cast %mul3A_210 : i32 to index
    %swap3A_212 = tpu.vector_load %arg7[%swap3A_211] {strides = array<i32>} : memref<50000xf32, #tpu.memory_space<vmem>>, vector<16xf32>,
    tpu.vector_store %arg7[%swap3A_211], %broadcast_in_dim3A_208 {strides = array<i32>} : memref<50000xf32, #tpu.memory_space<vmem>>, vector<16xf32>,
    %scan3A_213 = arith.constant 3124 : i32
    %scan3A_214 = arith.addi %scan3A_161, %scan3A_213 : i32
    %mul3A_215 = arith.constant 1 : i32
    %mul3A_216 = arith.muli %scan3A_214, %mul3A_215 : i32
    %add3A_217 = arith.constant 0 : i32
    %add3A_218 = arith.addi %add3A_217, %mul3A_216 : i32
    %broadcast_in_dim3A_219 = arith.constant 0.000000e+00 : f32
    %broadcast_in_dim3A_220 = vector.broadcast %broadcast_in_dim3A_219 : f32 to vector<16xf32>
    %mul3A_221 = arith.constant 16 : i32
    %mul3A_222 = arith.muli %add3A_218, %mul3A_221 : i32
    %swap3A_223 = arith.index_cast %mul3A_222 : i32 to index
    %swap3A_224 = tpu.vector_load %arg7[%swap3A_223] {strides = array<i32>} : memref<50000xf32, #tpu.memory_space<vmem>>, vector<16xf32>,
    tpu.vector_store %arg7[%swap3A_223], %broadcast_in_dim3A_220 {strides = array<i32>} : memref<50000xf32, #tpu.memory_space<vmem>>, vector<16xf32>,
    %scan3A_225 = arith.constant 3125 : i32
    %multiple_of3A_226 = arith.constant 0 : i32
    %multiple_of3A_227 = tpu.assume_multiple %multiple_of3A_226, 8 : i32
    %multiple_of3A_228 = arith.constant 0 : i32
    %multiple_of3A_229 = tpu.assume_multiple %multiple_of3A_228, 8 : i32
    %dma_start3A_230 = tpu.memref_slice %arg3[%multiple_of3A_227] : memref<1600000xi32, #tpu.memory_space<hbm>> -> memref<6400xi32, #tpu.memory_space<hbm>>
    %dma_start3A_231 = tpu.memref_slice %arg3[%multiple_of3A_227] : memref<1600000xi32, #tpu.memory_space<hbm>> -> memref<6400xi32, #tpu.memory_space<hbm>>
    tpu.enqueue_dma source(%dma_start3A_231 : memref<6400xi32, #tpu.memory_space<hbm>>) target(%arg8 : memref<6400xi32, #tpu.memory_space<vmem>>) target_semaphore(%arg12 : memref<!tpu.dma_semaphore, #tpu.memory_space<semaphore_mem>>)
    %dma_start3A_232 = tpu.memref_slice %arg4[%multiple_of3A_229] : memref<800000xi32, #tpu.memory_space<hbm>> -> memref<3200xi32, #tpu.memory_space<hbm>>
    %dma_start3A_233 = tpu.memref_slice %arg4[%multiple_of3A_229] : memref<800000xi32, #tpu.memory_space<hbm>> -> memref<3200xi32, #tpu.memory_space<hbm>>
    tpu.enqueue_dma source(%dma_start3A_233 : memref<3200xi32, #tpu.memory_space<hbm>>) target(%arg10 : memref<3200xi32, #tpu.memory_space<vmem>>) target_semaphore(%arg12 : memref<!tpu.dma_semaphore, #tpu.memory_space<semaphore_mem>>)
    %multiple_of3A_234 = arith.constant 6400 : i32
    %multiple_of3A_235 = tpu.assume_multiple %multiple_of3A_234, 8 : i32
    %multiple_of3A_236 = arith.constant 3200 : i32
    %multiple_of3A_237 = tpu.assume_multiple %multiple_of3A_236, 8 : i32
    %dma_start3A_238 = tpu.memref_slice %arg3[%multiple_of3A_235] : memref<1600000xi32, #tpu.memory_space<hbm>> -> memref<6400xi32, #tpu.memory_space<hbm>>
    %dma_start3A_239 = tpu.memref_slice %arg3[%multiple_of3A_235] : memref<1600000xi32, #tpu.memory_space<hbm>> -> memref<6400xi32, #tpu.memory_space<hbm>>
    tpu.enqueue_dma source(%dma_start3A_239 : memref<6400xi32, #tpu.memory_space<hbm>>) target(%arg9 : memref<6400xi32, #tpu.memory_space<vmem>>) target_semaphore(%arg13 : memref<!tpu.dma_semaphore, #tpu.memory_space<semaphore_mem>>)
    %dma_start3A_240 = tpu.memref_slice %arg4[%multiple_of3A_237] : memref<800000xi32, #tpu.memory_space<hbm>> -> memref<3200xi32, #tpu.memory_space<hbm>>
    %dma_start3A_241 = tpu.memref_slice %arg4[%multiple_of3A_237] : memref<800000xi32, #tpu.memory_space<hbm>> -> memref<3200xi32, #tpu.memory_space<hbm>>
    tpu.enqueue_dma source(%dma_start3A_241 : memref<3200xi32, #tpu.memory_space<hbm>>) target(%arg11 : memref<3200xi32, #tpu.memory_space<vmem>>) target_semaphore(%arg13 : memref<!tpu.dma_semaphore, #tpu.memory_space<semaphore_mem>>)
    %scan3A_242 = arith.constant 0 : i32
    %scan3A_243 = arith.constant 125 : i32
    %scan3A_244 = arith.addi %scan3A_242, %scan3A_243 : i32
    %scan3A_245 = arith.constant 1 : i32
    scf.for %scan3A_493 = %scan3A_242 to %scan3A_244 step %scan3A_245  : i32 {
      %mul3A_494 = arith.constant 2 : i32
      %mul3A_495 = arith.muli %scan3A_493, %mul3A_494 : i32
      %add3A_496 = arith.constant 0 : i32
      %add3A_497 = arith.addi %add3A_496, %mul3A_495 : i32
      %dma_wait3A = arith.constant 0 : i32
      %dma_wait3A_498 = tpu.memref_slice %arg3[%dma_wait3A] : memref<1600000xi32, #tpu.memory_space<hbm>> -> memref<6400xi32, #tpu.memory_space<hbm>>
      %dma_wait3A_499 = arith.constant 0 : i32
      %dma_wait3A_500 = tpu.memref_slice %arg3[%dma_wait3A_499] : memref<1600000xi32, #tpu.memory_space<hbm>> -> memref<6400xi32, #tpu.memory_space<hbm>>
      tpu.wait_dma2 semaphore(%arg12 : memref<!tpu.dma_semaphore, #tpu.memory_space<semaphore_mem>>) src(%dma_wait3A_500 : memref<6400xi32, #tpu.memory_space<hbm>>) dst(%arg8 : memref<6400xi32, #tpu.memory_space<vmem>>)
      %dma_wait3A_501 = arith.constant 0 : i32
      %dma_wait3A_502 = tpu.memref_slice %arg4[%dma_wait3A_501] : memref<800000xi32, #tpu.memory_space<hbm>> -> memref<3200xi32, #tpu.memory_space<hbm>>
      %dma_wait3A_503 = arith.constant 0 : i32
      %dma_wait3A_504 = tpu.memref_slice %arg4[%dma_wait3A_503] : memref<800000xi32, #tpu.memory_space<hbm>> -> memref<3200xi32, #tpu.memory_space<hbm>>
      tpu.wait_dma2 semaphore(%arg12 : memref<!tpu.dma_semaphore, #tpu.memory_space<semaphore_mem>>) src(%dma_wait3A_504 : memref<3200xi32, #tpu.memory_space<hbm>>) dst(%arg10 : memref<3200xi32, #tpu.memory_space<vmem>>)
      %parallel_loop3A = arith.constant 0 : i32
      %parallel_loop3A_505 = arith.constant 200 : i32
      %parallel_loop3A_506 = arith.constant 1 : i32
      scf.for %parallel_loop3A_533 = %parallel_loop3A to %parallel_loop3A_505 step %parallel_loop3A_506  : i32 {
        %parallel_loop3A_534 = arith.constant 32 : i32
        %parallel_loop3A_535 = arith.muli %parallel_loop3A_533, %parallel_loop3A_534 : i32
        %parallel_loop3A_536 = arith.constant 16 : i32
        %parallel_loop3A_537 = arith.muli %parallel_loop3A_533, %parallel_loop3A_536 : i32
        %parallel_loop3A_538 = arith.index_cast %parallel_loop3A_537 : i32 to index
        %parallel_loop3A_539 = tpu.vector_load %arg10[%parallel_loop3A_538] {strides = array<i32>} : memref<3200xi32, #tpu.memory_space<vmem>>, vector<16xi32>,
        %parallel_loop3A_540 = arith.constant 16 : i32
        %parallel_loop3A_541 = vector.broadcast %parallel_loop3A_540 : i32 to vector<16xi32>
        %parallel_loop3A_542 = arith.shli %parallel_loop3A_539, %parallel_loop3A_541 : vector<16xi32>
        %parallel_loop3A_543 = vector.bitcast %parallel_loop3A_542 : vector<16xi32> to vector<16xf32>
        %parallel_loop3A_544 = arith.constant -65536 : i32
        %parallel_loop3A_545 = vector.broadcast %parallel_loop3A_544 : i32 to vector<16xi32>
        %parallel_loop3A_546 = arith.andi %parallel_loop3A_539, %parallel_loop3A_545 : vector<16xi32>
        %parallel_loop3A_547 = vector.bitcast %parallel_loop3A_546 : vector<16xi32> to vector<16xf32>
        %parallel_loop3A_548 = arith.constant 0 : i32
        %parallel_loop3A_549 = arith.addi %parallel_loop3A_535, %parallel_loop3A_548 : i32
        %parallel_loop3A_550 = arith.index_cast %parallel_loop3A_549 : i32 to index
        %parallel_loop3A_551 = tpu.vector_load %arg8[%parallel_loop3A_550] {strides = array<i32>} : memref<6400xi32, #tpu.memory_space<vmem>>, vector<16xi32>,
        %parallel_loop3A_552 = arith.constant 16 : i32
        %parallel_loop3A_553 = vector.broadcast %parallel_loop3A_552 : i32 to vector<16xi32>
        %parallel_loop3A_554 = arith.shrui %parallel_loop3A_551, %parallel_loop3A_553 : vector<16xi32>
        %parallel_loop3A_555 = vector.bitcast %parallel_loop3A_554 : vector<16xi32> to vector<16xi32>
        %parallel_loop3A_556 = arith.constant 65535 : i32
        %parallel_loop3A_557 = vector.broadcast %parallel_loop3A_556 : i32 to vector<16xi32>
        %parallel_loop3A_558 = arith.andi %parallel_loop3A_551, %parallel_loop3A_557 : vector<16xi32>
        %parallel_loop3A_559 = vector.bitcast %parallel_loop3A_558 : vector<16xi32> to vector<16xi32>
        %parallel_loop3A_560 = tpu.vector_load_idx %arg6[%parallel_loop3A_555] : memref<50000xf32, #tpu.memory_space<vmem>>[vector<16xi32>], vector<16xf32>,
        %parallel_loop3A_561 = arith.mulf %parallel_loop3A_560, %parallel_loop3A_543 : vector<16xf32>
        tpu.vector_store_idx %arg7[%parallel_loop3A_559], %parallel_loop3A_561 {add = true} : memref<50000xf32, #tpu.memory_space<vmem>>[vector<16xi32>], vector<16xf32>,
        %parallel_loop3A_562 = arith.constant 16 : i32
        %parallel_loop3A_563 = arith.addi %parallel_loop3A_535, %parallel_loop3A_562 : i32
        %parallel_loop3A_564 = arith.index_cast %parallel_loop3A_563 : i32 to index
        %parallel_loop3A_565 = tpu.vector_load %arg8[%parallel_loop3A_564] {strides = array<i32>} : memref<6400xi32, #tpu.memory_space<vmem>>, vector<16xi32>,
        %parallel_loop3A_566 = arith.constant 16 : i32
        %parallel_loop3A_567 = vector.broadcast %parallel_loop3A_566 : i32 to vector<16xi32>
        %parallel_loop3A_568 = arith.shrui %parallel_loop3A_565, %parallel_loop3A_567 : vector<16xi32>
        %parallel_loop3A_569 = vector.bitcast %parallel_loop3A_568 : vector<16xi32> to vector<16xi32>
        %parallel_loop3A_570 = arith.constant 65535 : i32
        %parallel_loop3A_571 = vector.broadcast %parallel_loop3A_570 : i32 to vector<16xi32>
        %parallel_loop3A_572 = arith.andi %parallel_loop3A_565, %parallel_loop3A_571 : vector<16xi32>
        %parallel_loop3A_573 = vector.bitcast %parallel_loop3A_572 : vector<16xi32> to vector<16xi32>
        %parallel_loop3A_574 = tpu.vector_load_idx %arg6[%parallel_loop3A_569] : memref<50000xf32, #tpu.memory_space<vmem>>[vector<16xi32>], vector<16xf32>,
        %parallel_loop3A_575 = arith.mulf %parallel_loop3A_574, %parallel_loop3A_547 : vector<16xf32>
        tpu.vector_store_idx %arg7[%parallel_loop3A_573], %parallel_loop3A_575 {add = true} : memref<50000xf32, #tpu.memory_space<vmem>>[vector<16xi32>], vector<16xf32>,
      } {sc.loop_unroll_factor = 4 : i64, sc.parallel_access}
      %add3A_507 = arith.constant 0 : i32
      %add3A_508 = arith.addi %add3A_497, %add3A_507 : i32
      %add3A_509 = arith.constant 2 : i32
      %add3A_510 = arith.addi %add3A_508, %add3A_509 : i32
      %lt3A = arith.constant 250 : i32
      %lt3A_511 = arith.cmpi slt, %add3A_510, %lt3A : i32
      %convert_element_type3A = arith.extui %lt3A_511 : i1 to i32
      %cond3A = arith.constant 0 : i32
      %cond3A_512 = arith.cmpi ne, %convert_element_type3A, %cond3A : i32
      scf.if %cond3A_512 {
        %mul3A_533 = arith.constant 6400 : i32
        %mul3A_534 = arith.muli %add3A_510, %mul3A_533 : i32
        %multiple_of3A_535 = tpu.assume_multiple %mul3A_534, 8 : i32
        %mul3A_536 = arith.constant 3200 : i32
        %mul3A_537 = arith.muli %add3A_510, %mul3A_536 : i32
        %multiple_of3A_538 = tpu.assume_multiple %mul3A_537, 8 : i32
        %dma_start3A_539 = tpu.memref_slice %arg3[%multiple_of3A_535] : memref<1600000xi32, #tpu.memory_space<hbm>> -> memref<6400xi32, #tpu.memory_space<hbm>>
        %dma_start3A_540 = tpu.memref_slice %arg3[%multiple_of3A_535] : memref<1600000xi32, #tpu.memory_space<hbm>> -> memref<6400xi32, #tpu.memory_space<hbm>>
        tpu.enqueue_dma source(%dma_start3A_540 : memref<6400xi32, #tpu.memory_space<hbm>>) target(%arg8 : memref<6400xi32, #tpu.memory_space<vmem>>) target_semaphore(%arg12 : memref<!tpu.dma_semaphore, #tpu.memory_space<semaphore_mem>>)
        %dma_start3A_541 = tpu.memref_slice %arg4[%multiple_of3A_538] : memref<800000xi32, #tpu.memory_space<hbm>> -> memref<3200xi32, #tpu.memory_space<hbm>>
        %dma_start3A_542 = tpu.memref_slice %arg4[%multiple_of3A_538] : memref<800000xi32, #tpu.memory_space<hbm>> -> memref<3200xi32, #tpu.memory_space<hbm>>
        tpu.enqueue_dma source(%dma_start3A_542 : memref<3200xi32, #tpu.memory_space<hbm>>) target(%arg10 : memref<3200xi32, #tpu.memory_space<vmem>>) target_semaphore(%arg12 : memref<!tpu.dma_semaphore, #tpu.memory_space<semaphore_mem>>)
      } else {
      }
      %dma_wait3A_513 = arith.constant 0 : i32
      %dma_wait3A_514 = tpu.memref_slice %arg3[%dma_wait3A_513] : memref<1600000xi32, #tpu.memory_space<hbm>> -> memref<6400xi32, #tpu.memory_space<hbm>>
      %dma_wait3A_515 = arith.constant 0 : i32
      %dma_wait3A_516 = tpu.memref_slice %arg3[%dma_wait3A_515] : memref<1600000xi32, #tpu.memory_space<hbm>> -> memref<6400xi32, #tpu.memory_space<hbm>>
      tpu.wait_dma2 semaphore(%arg13 : memref<!tpu.dma_semaphore, #tpu.memory_space<semaphore_mem>>) src(%dma_wait3A_516 : memref<6400xi32, #tpu.memory_space<hbm>>) dst(%arg9 : memref<6400xi32, #tpu.memory_space<vmem>>)
      %dma_wait3A_517 = arith.constant 0 : i32
      %dma_wait3A_518 = tpu.memref_slice %arg4[%dma_wait3A_517] : memref<800000xi32, #tpu.memory_space<hbm>> -> memref<3200xi32, #tpu.memory_space<hbm>>
      %dma_wait3A_519 = arith.constant 0 : i32
      %dma_wait3A_520 = tpu.memref_slice %arg4[%dma_wait3A_519] : memref<800000xi32, #tpu.memory_space<hbm>> -> memref<3200xi32, #tpu.memory_space<hbm>>
      tpu.wait_dma2 semaphore(%arg13 : memref<!tpu.dma_semaphore, #tpu.memory_space<semaphore_mem>>) src(%dma_wait3A_520 : memref<3200xi32, #tpu.memory_space<hbm>>) dst(%arg11 : memref<3200xi32, #tpu.memory_space<vmem>>)
      %parallel_loop3A_521 = arith.constant 0 : i32
      %parallel_loop3A_522 = arith.constant 200 : i32
      %parallel_loop3A_523 = arith.constant 1 : i32
      scf.for %parallel_loop3A_533 = %parallel_loop3A_521 to %parallel_loop3A_522 step %parallel_loop3A_523  : i32 {
        %parallel_loop3A_534 = arith.constant 32 : i32
        %parallel_loop3A_535 = arith.muli %parallel_loop3A_533, %parallel_loop3A_534 : i32
        %parallel_loop3A_536 = arith.constant 16 : i32
        %parallel_loop3A_537 = arith.muli %parallel_loop3A_533, %parallel_loop3A_536 : i32
        %parallel_loop3A_538 = arith.index_cast %parallel_loop3A_537 : i32 to index
        %parallel_loop3A_539 = tpu.vector_load %arg11[%parallel_loop3A_538] {strides = array<i32>} : memref<3200xi32, #tpu.memory_space<vmem>>, vector<16xi32>,
        %parallel_loop3A_540 = arith.constant 16 : i32
        %parallel_loop3A_541 = vector.broadcast %parallel_loop3A_540 : i32 to vector<16xi32>
        %parallel_loop3A_542 = arith.shli %parallel_loop3A_539, %parallel_loop3A_541 : vector<16xi32>
        %parallel_loop3A_543 = vector.bitcast %parallel_loop3A_542 : vector<16xi32> to vector<16xf32>
        %parallel_loop3A_544 = arith.constant -65536 : i32
        %parallel_loop3A_545 = vector.broadcast %parallel_loop3A_544 : i32 to vector<16xi32>
        %parallel_loop3A_546 = arith.andi %parallel_loop3A_539, %parallel_loop3A_545 : vector<16xi32>
        %parallel_loop3A_547 = vector.bitcast %parallel_loop3A_546 : vector<16xi32> to vector<16xf32>
        %parallel_loop3A_548 = arith.constant 0 : i32
        %parallel_loop3A_549 = arith.addi %parallel_loop3A_535, %parallel_loop3A_548 : i32
        %parallel_loop3A_550 = arith.index_cast %parallel_loop3A_549 : i32 to index
        %parallel_loop3A_551 = tpu.vector_load %arg9[%parallel_loop3A_550] {strides = array<i32>} : memref<6400xi32, #tpu.memory_space<vmem>>, vector<16xi32>,
        %parallel_loop3A_552 = arith.constant 16 : i32
        %parallel_loop3A_553 = vector.broadcast %parallel_loop3A_552 : i32 to vector<16xi32>
        %parallel_loop3A_554 = arith.shrui %parallel_loop3A_551, %parallel_loop3A_553 : vector<16xi32>
        %parallel_loop3A_555 = vector.bitcast %parallel_loop3A_554 : vector<16xi32> to vector<16xi32>
        %parallel_loop3A_556 = arith.constant 65535 : i32
        %parallel_loop3A_557 = vector.broadcast %parallel_loop3A_556 : i32 to vector<16xi32>
        %parallel_loop3A_558 = arith.andi %parallel_loop3A_551, %parallel_loop3A_557 : vector<16xi32>
        %parallel_loop3A_559 = vector.bitcast %parallel_loop3A_558 : vector<16xi32> to vector<16xi32>
        %parallel_loop3A_560 = tpu.vector_load_idx %arg6[%parallel_loop3A_555] : memref<50000xf32, #tpu.memory_space<vmem>>[vector<16xi32>], vector<16xf32>,
        %parallel_loop3A_561 = arith.mulf %parallel_loop3A_560, %parallel_loop3A_543 : vector<16xf32>
        tpu.vector_store_idx %arg7[%parallel_loop3A_559], %parallel_loop3A_561 {add = true} : memref<50000xf32, #tpu.memory_space<vmem>>[vector<16xi32>], vector<16xf32>,
        %parallel_loop3A_562 = arith.constant 16 : i32
        %parallel_loop3A_563 = arith.addi %parallel_loop3A_535, %parallel_loop3A_562 : i32
        %parallel_loop3A_564 = arith.index_cast %parallel_loop3A_563 : i32 to index
        %parallel_loop3A_565 = tpu.vector_load %arg9[%parallel_loop3A_564] {strides = array<i32>} : memref<6400xi32, #tpu.memory_space<vmem>>, vector<16xi32>,
        %parallel_loop3A_566 = arith.constant 16 : i32
        %parallel_loop3A_567 = vector.broadcast %parallel_loop3A_566 : i32 to vector<16xi32>
        %parallel_loop3A_568 = arith.shrui %parallel_loop3A_565, %parallel_loop3A_567 : vector<16xi32>
        %parallel_loop3A_569 = vector.bitcast %parallel_loop3A_568 : vector<16xi32> to vector<16xi32>
        %parallel_loop3A_570 = arith.constant 65535 : i32
        %parallel_loop3A_571 = vector.broadcast %parallel_loop3A_570 : i32 to vector<16xi32>
        %parallel_loop3A_572 = arith.andi %parallel_loop3A_565, %parallel_loop3A_571 : vector<16xi32>
        %parallel_loop3A_573 = vector.bitcast %parallel_loop3A_572 : vector<16xi32> to vector<16xi32>
        %parallel_loop3A_574 = tpu.vector_load_idx %arg6[%parallel_loop3A_569] : memref<50000xf32, #tpu.memory_space<vmem>>[vector<16xi32>], vector<16xf32>,
        %parallel_loop3A_575 = arith.mulf %parallel_loop3A_574, %parallel_loop3A_547 : vector<16xf32>
        tpu.vector_store_idx %arg7[%parallel_loop3A_573], %parallel_loop3A_575 {add = true} : memref<50000xf32, #tpu.memory_space<vmem>>[vector<16xi32>], vector<16xf32>,
      } {sc.loop_unroll_factor = 4 : i64, sc.parallel_access}
      %add3A_524 = arith.constant 1 : i32
      %add3A_525 = arith.addi %add3A_497, %add3A_524 : i32
      %add3A_526 = arith.constant 2 : i32
      %add3A_527 = arith.addi %add3A_525, %add3A_526 : i32
      %lt3A_528 = arith.constant 250 : i32
      %lt3A_529 = arith.cmpi slt, %add3A_527, %lt3A_528 : i32
      %convert_element_type3A_530 = arith.extui %lt3A_529 : i1 to i32
      %cond3A_531 = arith.constant 0 : i32
      %cond3A_532 = arith.cmpi ne, %convert_element_type3A_530, %cond3A_531 : i32
      scf.if %cond3A_532 {
        %mul3A_533 = arith.constant 6400 : i32
        %mul3A_534 = arith.muli %add3A_527, %mul3A_533 : i32
        %multiple_of3A_535 = tpu.assume_multiple %mul3A_534, 8 : i32
        %mul3A_536 = arith.constant 3200 : i32
        %mul3A_537 = arith.muli %add3A_527, %mul3A_536 : i32
        %multiple_of3A_538 = tpu.assume_multiple %mul3A_537, 8 : i32
        %dma_start3A_539 = tpu.memref_slice %arg3[%multiple_of3A_535] : memref<1600000xi32, #tpu.memory_space<hbm>> -> memref<6400xi32, #tpu.memory_space<hbm>>
        %dma_start3A_540 = tpu.memref_slice %arg3[%multiple_of3A_535] : memref<1600000xi32, #tpu.memory_space<hbm>> -> memref<6400xi32, #tpu.memory_space<hbm>>
        tpu.enqueue_dma source(%dma_start3A_540 : memref<6400xi32, #tpu.memory_space<hbm>>) target(%arg9 : memref<6400xi32, #tpu.memory_space<vmem>>) target_semaphore(%arg13 : memref<!tpu.dma_semaphore, #tpu.memory_space<semaphore_mem>>)
        %dma_start3A_541 = tpu.memref_slice %arg4[%multiple_of3A_538] : memref<800000xi32, #tpu.memory_space<hbm>> -> memref<3200xi32, #tpu.memory_space<hbm>>
        %dma_start3A_542 = tpu.memref_slice %arg4[%multiple_of3A_538] : memref<800000xi32, #tpu.memory_space<hbm>> -> memref<3200xi32, #tpu.memory_space<hbm>>
        tpu.enqueue_dma source(%dma_start3A_542 : memref<3200xi32, #tpu.memory_space<hbm>>) target(%arg11 : memref<3200xi32, #tpu.memory_space<vmem>>) target_semaphore(%arg13 : memref<!tpu.dma_semaphore, #tpu.memory_space<semaphore_mem>>)
      } else {
      }
    }
    %scan3A_246 = arith.constant 125 : i32
    %scan3A_247 = arith.constant 0 : i32
    %scan3A_248 = arith.constant 3120 : i32
    %scan3A_249 = arith.addi %scan3A_247, %scan3A_248 : i32
    %scan3A_250 = arith.constant 8 : i32
    scf.for %scan3A_493 = %scan3A_247 to %scan3A_249 step %scan3A_250  : i32 {
      %mul3A_494 = arith.constant 1 : i32
      %mul3A_495 = arith.muli %scan3A_493, %mul3A_494 : i32
      %add3A_496 = arith.constant 0 : i32
      %add3A_497 = arith.addi %add3A_496, %mul3A_495 : i32
      %mul3A_498 = arith.constant 16 : i32
      %mul3A_499 = arith.muli %add3A_497, %mul3A_498 : i32
      %get3A_500 = arith.index_cast %mul3A_499 : i32 to index
      %get3A_501 = tpu.vector_load %arg6[%get3A_500] {strides = array<i32>} : memref<50000xf32, #tpu.memory_space<vmem>>, vector<16xf32>,
      %get3A_502 = arith.index_cast %mul3A_499 : i32 to index
      %get3A_503 = tpu.vector_load %arg7[%get3A_502] {strides = array<i32>} : memref<50000xf32, #tpu.memory_space<vmem>>, vector<16xf32>,
      %add3A_504 = arith.addf %get3A_501, %get3A_503 : vector<16xf32>
      %swap3A_505 = arith.index_cast %mul3A_499 : i32 to index
      %swap3A_506 = tpu.vector_load %arg6[%swap3A_505] {strides = array<i32>} : memref<50000xf32, #tpu.memory_space<vmem>>, vector<16xf32>,
      tpu.vector_store %arg6[%swap3A_505], %add3A_504 {strides = array<i32>} : memref<50000xf32, #tpu.memory_space<vmem>>, vector<16xf32>,
      %scan3A_507 = arith.constant 1 : i32
      %scan3A_508 = arith.addi %scan3A_493, %scan3A_507 : i32
      %mul3A_509 = arith.constant 1 : i32
      %mul3A_510 = arith.muli %scan3A_508, %mul3A_509 : i32
      %add3A_511 = arith.constant 0 : i32
      %add3A_512 = arith.addi %add3A_511, %mul3A_510 : i32
      %mul3A_513 = arith.constant 16 : i32
      %mul3A_514 = arith.muli %add3A_512, %mul3A_513 : i32
      %get3A_515 = arith.index_cast %mul3A_514 : i32 to index
      %get3A_516 = tpu.vector_load %arg6[%get3A_515] {strides = array<i32>} : memref<50000xf32, #tpu.memory_space<vmem>>, vector<16xf32>,
      %get3A_517 = arith.index_cast %mul3A_514 : i32 to index
      %get3A_518 = tpu.vector_load %arg7[%get3A_517] {strides = array<i32>} : memref<50000xf32, #tpu.memory_space<vmem>>, vector<16xf32>,
      %add3A_519 = arith.addf %get3A_516, %get3A_518 : vector<16xf32>
      %swap3A_520 = arith.index_cast %mul3A_514 : i32 to index
      %swap3A_521 = tpu.vector_load %arg6[%swap3A_520] {strides = array<i32>} : memref<50000xf32, #tpu.memory_space<vmem>>, vector<16xf32>,
      tpu.vector_store %arg6[%swap3A_520], %add3A_519 {strides = array<i32>} : memref<50000xf32, #tpu.memory_space<vmem>>, vector<16xf32>,
      %scan3A_522 = arith.constant 2 : i32
      %scan3A_523 = arith.addi %scan3A_493, %scan3A_522 : i32
      %mul3A_524 = arith.constant 1 : i32
      %mul3A_525 = arith.muli %scan3A_523, %mul3A_524 : i32
      %add3A_526 = arith.constant 0 : i32
      %add3A_527 = arith.addi %add3A_526, %mul3A_525 : i32
      %mul3A_528 = arith.constant 16 : i32
      %mul3A_529 = arith.muli %add3A_527, %mul3A_528 : i32
      %get3A_530 = arith.index_cast %mul3A_529 : i32 to index
      %get3A_531 = tpu.vector_load %arg6[%get3A_530] {strides = array<i32>} : memref<50000xf32, #tpu.memory_space<vmem>>, vector<16xf32>,
      %get3A_532 = arith.index_cast %mul3A_529 : i32 to index
      %get3A_533 = tpu.vector_load %arg7[%get3A_532] {strides = array<i32>} : memref<50000xf32, #tpu.memory_space<vmem>>, vector<16xf32>,
      %add3A_534 = arith.addf %get3A_531, %get3A_533 : vector<16xf32>
      %swap3A_535 = arith.index_cast %mul3A_529 : i32 to index
      %swap3A_536 = tpu.vector_load %arg6[%swap3A_535] {strides = array<i32>} : memref<50000xf32, #tpu.memory_space<vmem>>, vector<16xf32>,
      tpu.vector_store %arg6[%swap3A_535], %add3A_534 {strides = array<i32>} : memref<50000xf32, #tpu.memory_space<vmem>>, vector<16xf32>,
      %scan3A_537 = arith.constant 3 : i32
      %scan3A_538 = arith.addi %scan3A_493, %scan3A_537 : i32
      %mul3A_539 = arith.constant 1 : i32
      %mul3A_540 = arith.muli %scan3A_538, %mul3A_539 : i32
      %add3A_541 = arith.constant 0 : i32
      %add3A_542 = arith.addi %add3A_541, %mul3A_540 : i32
      %mul3A_543 = arith.constant 16 : i32
      %mul3A_544 = arith.muli %add3A_542, %mul3A_543 : i32
      %get3A_545 = arith.index_cast %mul3A_544 : i32 to index
      %get3A_546 = tpu.vector_load %arg6[%get3A_545] {strides = array<i32>} : memref<50000xf32, #tpu.memory_space<vmem>>, vector<16xf32>,
      %get3A_547 = arith.index_cast %mul3A_544 : i32 to index
      %get3A_548 = tpu.vector_load %arg7[%get3A_547] {strides = array<i32>} : memref<50000xf32, #tpu.memory_space<vmem>>, vector<16xf32>,
      %add3A_549 = arith.addf %get3A_546, %get3A_548 : vector<16xf32>
      %swap3A_550 = arith.index_cast %mul3A_544 : i32 to index
      %swap3A_551 = tpu.vector_load %arg6[%swap3A_550] {strides = array<i32>} : memref<50000xf32, #tpu.memory_space<vmem>>, vector<16xf32>,
      tpu.vector_store %arg6[%swap3A_550], %add3A_549 {strides = array<i32>} : memref<50000xf32, #tpu.memory_space<vmem>>, vector<16xf32>,
      %scan3A_552 = arith.constant 4 : i32
      %scan3A_553 = arith.addi %scan3A_493, %scan3A_552 : i32
      %mul3A_554 = arith.constant 1 : i32
      %mul3A_555 = arith.muli %scan3A_553, %mul3A_554 : i32
      %add3A_556 = arith.constant 0 : i32
      %add3A_557 = arith.addi %add3A_556, %mul3A_555 : i32
      %mul3A_558 = arith.constant 16 : i32
      %mul3A_559 = arith.muli %add3A_557, %mul3A_558 : i32
      %get3A_560 = arith.index_cast %mul3A_559 : i32 to index
      %get3A_561 = tpu.vector_load %arg6[%get3A_560] {strides = array<i32>} : memref<50000xf32, #tpu.memory_space<vmem>>, vector<16xf32>,
      %get3A_562 = arith.index_cast %mul3A_559 : i32 to index
      %get3A_563 = tpu.vector_load %arg7[%get3A_562] {strides = array<i32>} : memref<50000xf32, #tpu.memory_space<vmem>>, vector<16xf32>,
      %add3A_564 = arith.addf %get3A_561, %get3A_563 : vector<16xf32>
      %swap3A_565 = arith.index_cast %mul3A_559 : i32 to index
      %swap3A_566 = tpu.vector_load %arg6[%swap3A_565] {strides = array<i32>} : memref<50000xf32, #tpu.memory_space<vmem>>, vector<16xf32>,
      tpu.vector_store %arg6[%swap3A_565], %add3A_564 {strides = array<i32>} : memref<50000xf32, #tpu.memory_space<vmem>>, vector<16xf32>,
      %scan3A_567 = arith.constant 5 : i32
      %scan3A_568 = arith.addi %scan3A_493, %scan3A_567 : i32
      %mul3A_569 = arith.constant 1 : i32
      %mul3A_570 = arith.muli %scan3A_568, %mul3A_569 : i32
      %add3A_571 = arith.constant 0 : i32
      %add3A_572 = arith.addi %add3A_571, %mul3A_570 : i32
      %mul3A_573 = arith.constant 16 : i32
      %mul3A_574 = arith.muli %add3A_572, %mul3A_573 : i32
      %get3A_575 = arith.index_cast %mul3A_574 : i32 to index
      %get3A_576 = tpu.vector_load %arg6[%get3A_575] {strides = array<i32>} : memref<50000xf32, #tpu.memory_space<vmem>>, vector<16xf32>,
      %get3A_577 = arith.index_cast %mul3A_574 : i32 to index
      %get3A_578 = tpu.vector_load %arg7[%get3A_577] {strides = array<i32>} : memref<50000xf32, #tpu.memory_space<vmem>>, vector<16xf32>,
      %add3A_579 = arith.addf %get3A_576, %get3A_578 : vector<16xf32>
      %swap3A_580 = arith.index_cast %mul3A_574 : i32 to index
      %swap3A_581 = tpu.vector_load %arg6[%swap3A_580] {strides = array<i32>} : memref<50000xf32, #tpu.memory_space<vmem>>, vector<16xf32>,
      tpu.vector_store %arg6[%swap3A_580], %add3A_579 {strides = array<i32>} : memref<50000xf32, #tpu.memory_space<vmem>>, vector<16xf32>,
      %scan3A_582 = arith.constant 6 : i32
      %scan3A_583 = arith.addi %scan3A_493, %scan3A_582 : i32
      %mul3A_584 = arith.constant 1 : i32
      %mul3A_585 = arith.muli %scan3A_583, %mul3A_584 : i32
      %add3A_586 = arith.constant 0 : i32
      %add3A_587 = arith.addi %add3A_586, %mul3A_585 : i32
      %mul3A_588 = arith.constant 16 : i32
      %mul3A_589 = arith.muli %add3A_587, %mul3A_588 : i32
      %get3A_590 = arith.index_cast %mul3A_589 : i32 to index
      %get3A_591 = tpu.vector_load %arg6[%get3A_590] {strides = array<i32>} : memref<50000xf32, #tpu.memory_space<vmem>>, vector<16xf32>,
      %get3A_592 = arith.index_cast %mul3A_589 : i32 to index
      %get3A_593 = tpu.vector_load %arg7[%get3A_592] {strides = array<i32>} : memref<50000xf32, #tpu.memory_space<vmem>>, vector<16xf32>,
      %add3A_594 = arith.addf %get3A_591, %get3A_593 : vector<16xf32>
      %swap3A_595 = arith.index_cast %mul3A_589 : i32 to index
      %swap3A_596 = tpu.vector_load %arg6[%swap3A_595] {strides = array<i32>} : memref<50000xf32, #tpu.memory_space<vmem>>, vector<16xf32>,
      tpu.vector_store %arg6[%swap3A_595], %add3A_594 {strides = array<i32>} : memref<50000xf32, #tpu.memory_space<vmem>>, vector<16xf32>,
      %scan3A_597 = arith.constant 7 : i32
      %scan3A_598 = arith.addi %scan3A_493, %scan3A_597 : i32
      %mul3A_599 = arith.constant 1 : i32
      %mul3A_600 = arith.muli %scan3A_598, %mul3A_599 : i32
      %add3A_601 = arith.constant 0 : i32
      %add3A_602 = arith.addi %add3A_601, %mul3A_600 : i32
      %mul3A_603 = arith.constant 16 : i32
      %mul3A_604 = arith.muli %add3A_602, %mul3A_603 : i32
      %get3A_605 = arith.index_cast %mul3A_604 : i32 to index
      %get3A_606 = tpu.vector_load %arg6[%get3A_605] {strides = array<i32>} : memref<50000xf32, #tpu.memory_space<vmem>>, vector<16xf32>,
      %get3A_607 = arith.index_cast %mul3A_604 : i32 to index
      %get3A_608 = tpu.vector_load %arg7[%get3A_607] {strides = array<i32>} : memref<50000xf32, #tpu.memory_space<vmem>>, vector<16xf32>,
      %add3A_609 = arith.addf %get3A_606, %get3A_608 : vector<16xf32>
      %swap3A_610 = arith.index_cast %mul3A_604 : i32 to index
      %swap3A_611 = tpu.vector_load %arg6[%swap3A_610] {strides = array<i32>} : memref<50000xf32, #tpu.memory_space<vmem>>, vector<16xf32>,
      tpu.vector_store %arg6[%swap3A_610], %add3A_609 {strides = array<i32>} : memref<50000xf32, #tpu.memory_space<vmem>>, vector<16xf32>,
    }
    %scan3A_251 = arith.constant 3120 : i32
    %scan3A_252 = arith.addi %scan3A_247, %scan3A_251 : i32
    %mul3A_253 = arith.constant 1 : i32
    %mul3A_254 = arith.muli %scan3A_252, %mul3A_253 : i32
    %add3A_255 = arith.constant 0 : i32
    %add3A_256 = arith.addi %add3A_255, %mul3A_254 : i32
    %mul3A_257 = arith.constant 16 : i32
    %mul3A_258 = arith.muli %add3A_256, %mul3A_257 : i32
    %get3A_259 = arith.index_cast %mul3A_258 : i32 to index
    %get3A_260 = tpu.vector_load %arg6[%get3A_259] {strides = array<i32>} : memref<50000xf32, #tpu.memory_space<vmem>>, vector<16xf32>,
    %get3A_261 = arith.index_cast %mul3A_258 : i32 to index
    %get3A_262 = tpu.vector_load %arg7[%get3A_261] {strides = array<i32>} : memref<50000xf32, #tpu.memory_space<vmem>>, vector<16xf32>,
    %add3A_263 = arith.addf %get3A_260, %get3A_262 : vector<16xf32>
    %swap3A_264 = arith.index_cast %mul3A_258 : i32 to index
    %swap3A_265 = tpu.vector_load %arg6[%swap3A_264] {strides = array<i32>} : memref<50000xf32, #tpu.memory_space<vmem>>, vector<16xf32>,
    tpu.vector_store %arg6[%swap3A_264], %add3A_263 {strides = array<i32>} : memref<50000xf32, #tpu.memory_space<vmem>>, vector<16xf32>,
    %scan3A_266 = arith.constant 3121 : i32
    %scan3A_267 = arith.addi %scan3A_247, %scan3A_266 : i32
    %mul3A_268 = arith.constant 1 : i32
    %mul3A_269 = arith.muli %scan3A_267, %mul3A_268 : i32
    %add3A_270 = arith.constant 0 : i32
    %add3A_271 = arith.addi %add3A_270, %mul3A_269 : i32
    %mul3A_272 = arith.constant 16 : i32
    %mul3A_273 = arith.muli %add3A_271, %mul3A_272 : i32
    %get3A_274 = arith.index_cast %mul3A_273 : i32 to index
    %get3A_275 = tpu.vector_load %arg6[%get3A_274] {strides = array<i32>} : memref<50000xf32, #tpu.memory_space<vmem>>, vector<16xf32>,
    %get3A_276 = arith.index_cast %mul3A_273 : i32 to index
    %get3A_277 = tpu.vector_load %arg7[%get3A_276] {strides = array<i32>} : memref<50000xf32, #tpu.memory_space<vmem>>, vector<16xf32>,
    %add3A_278 = arith.addf %get3A_275, %get3A_277 : vector<16xf32>
    %swap3A_279 = arith.index_cast %mul3A_273 : i32 to index
    %swap3A_280 = tpu.vector_load %arg6[%swap3A_279] {strides = array<i32>} : memref<50000xf32, #tpu.memory_space<vmem>>, vector<16xf32>,
    tpu.vector_store %arg6[%swap3A_279], %add3A_278 {strides = array<i32>} : memref<50000xf32, #tpu.memory_space<vmem>>, vector<16xf32>,
    %scan3A_281 = arith.constant 3122 : i32
    %scan3A_282 = arith.addi %scan3A_247, %scan3A_281 : i32
    %mul3A_283 = arith.constant 1 : i32
    %mul3A_284 = arith.muli %scan3A_282, %mul3A_283 : i32
    %add3A_285 = arith.constant 0 : i32
    %add3A_286 = arith.addi %add3A_285, %mul3A_284 : i32
    %mul3A_287 = arith.constant 16 : i32
    %mul3A_288 = arith.muli %add3A_286, %mul3A_287 : i32
    %get3A_289 = arith.index_cast %mul3A_288 : i32 to index
    %get3A_290 = tpu.vector_load %arg6[%get3A_289] {strides = array<i32>} : memref<50000xf32, #tpu.memory_space<vmem>>, vector<16xf32>,
    %get3A_291 = arith.index_cast %mul3A_288 : i32 to index
    %get3A_292 = tpu.vector_load %arg7[%get3A_291] {strides = array<i32>} : memref<50000xf32, #tpu.memory_space<vmem>>, vector<16xf32>,
    %add3A_293 = arith.addf %get3A_290, %get3A_292 : vector<16xf32>
    %swap3A_294 = arith.index_cast %mul3A_288 : i32 to index
    %swap3A_295 = tpu.vector_load %arg6[%swap3A_294] {strides = array<i32>} : memref<50000xf32, #tpu.memory_space<vmem>>, vector<16xf32>,
    tpu.vector_store %arg6[%swap3A_294], %add3A_293 {strides = array<i32>} : memref<50000xf32, #tpu.memory_space<vmem>>, vector<16xf32>,
    %scan3A_296 = arith.constant 3123 : i32
    %scan3A_297 = arith.addi %scan3A_247, %scan3A_296 : i32
    %mul3A_298 = arith.constant 1 : i32
    %mul3A_299 = arith.muli %scan3A_297, %mul3A_298 : i32
    %add3A_300 = arith.constant 0 : i32
    %add3A_301 = arith.addi %add3A_300, %mul3A_299 : i32
    %mul3A_302 = arith.constant 16 : i32
    %mul3A_303 = arith.muli %add3A_301, %mul3A_302 : i32
    %get3A_304 = arith.index_cast %mul3A_303 : i32 to index
    %get3A_305 = tpu.vector_load %arg6[%get3A_304] {strides = array<i32>} : memref<50000xf32, #tpu.memory_space<vmem>>, vector<16xf32>,
    %get3A_306 = arith.index_cast %mul3A_303 : i32 to index
    %get3A_307 = tpu.vector_load %arg7[%get3A_306] {strides = array<i32>} : memref<50000xf32, #tpu.memory_space<vmem>>, vector<16xf32>,
    %add3A_308 = arith.addf %get3A_305, %get3A_307 : vector<16xf32>
    %swap3A_309 = arith.index_cast %mul3A_303 : i32 to index
    %swap3A_310 = tpu.vector_load %arg6[%swap3A_309] {strides = array<i32>} : memref<50000xf32, #tpu.memory_space<vmem>>, vector<16xf32>,
    tpu.vector_store %arg6[%swap3A_309], %add3A_308 {strides = array<i32>} : memref<50000xf32, #tpu.memory_space<vmem>>, vector<16xf32>,
    %scan3A_311 = arith.constant 3124 : i32
    %scan3A_312 = arith.addi %scan3A_247, %scan3A_311 : i32
    %mul3A_313 = arith.constant 1 : i32
    %mul3A_314 = arith.muli %scan3A_312, %mul3A_313 : i32
    %add3A_315 = arith.constant 0 : i32
    %add3A_316 = arith.addi %add3A_315, %mul3A_314 : i32
    %mul3A_317 = arith.constant 16 : i32
    %mul3A_318 = arith.muli %add3A_316, %mul3A_317 : i32
    %get3A_319 = arith.index_cast %mul3A_318 : i32 to index
    %get3A_320 = tpu.vector_load %arg6[%get3A_319] {strides = array<i32>} : memref<50000xf32, #tpu.memory_space<vmem>>, vector<16xf32>,
    %get3A_321 = arith.index_cast %mul3A_318 : i32 to index
    %get3A_322 = tpu.vector_load %arg7[%get3A_321] {strides = array<i32>} : memref<50000xf32, #tpu.memory_space<vmem>>, vector<16xf32>,
    %add3A_323 = arith.addf %get3A_320, %get3A_322 : vector<16xf32>
    %swap3A_324 = arith.index_cast %mul3A_318 : i32 to index
    %swap3A_325 = tpu.vector_load %arg6[%swap3A_324] {strides = array<i32>} : memref<50000xf32, #tpu.memory_space<vmem>>, vector<16xf32>,
    tpu.vector_store %arg6[%swap3A_324], %add3A_323 {strides = array<i32>} : memref<50000xf32, #tpu.memory_space<vmem>>, vector<16xf32>,
    %scan3A_326 = arith.constant 3125 : i32
    %scan3A_327 = arith.constant 0 : i32
    %scan3A_328 = arith.constant 3120 : i32
    %scan3A_329 = arith.addi %scan3A_327, %scan3A_328 : i32
    %scan3A_330 = arith.constant 8 : i32
    scf.for %scan3A_493 = %scan3A_327 to %scan3A_329 step %scan3A_330  : i32 {
      %mul3A_494 = arith.constant 1 : i32
      %mul3A_495 = arith.muli %scan3A_493, %mul3A_494 : i32
      %add3A_496 = arith.constant 0 : i32
      %add3A_497 = arith.addi %add3A_496, %mul3A_495 : i32
      %broadcast_in_dim3A_498 = arith.constant 0.000000e+00 : f32
      %broadcast_in_dim3A_499 = vector.broadcast %broadcast_in_dim3A_498 : f32 to vector<16xf32>
      %mul3A_500 = arith.constant 16 : i32
      %mul3A_501 = arith.muli %add3A_497, %mul3A_500 : i32
      %swap3A_502 = arith.index_cast %mul3A_501 : i32 to index
      %swap3A_503 = tpu.vector_load %arg7[%swap3A_502] {strides = array<i32>} : memref<50000xf32, #tpu.memory_space<vmem>>, vector<16xf32>,
      tpu.vector_store %arg7[%swap3A_502], %broadcast_in_dim3A_499 {strides = array<i32>} : memref<50000xf32, #tpu.memory_space<vmem>>, vector<16xf32>,
      %scan3A_504 = arith.constant 1 : i32
      %scan3A_505 = arith.addi %scan3A_493, %scan3A_504 : i32
      %mul3A_506 = arith.constant 1 : i32
      %mul3A_507 = arith.muli %scan3A_505, %mul3A_506 : i32
      %add3A_508 = arith.constant 0 : i32
      %add3A_509 = arith.addi %add3A_508, %mul3A_507 : i32
      %broadcast_in_dim3A_510 = arith.constant 0.000000e+00 : f32
      %broadcast_in_dim3A_511 = vector.broadcast %broadcast_in_dim3A_510 : f32 to vector<16xf32>
      %mul3A_512 = arith.constant 16 : i32
      %mul3A_513 = arith.muli %add3A_509, %mul3A_512 : i32
      %swap3A_514 = arith.index_cast %mul3A_513 : i32 to index
      %swap3A_515 = tpu.vector_load %arg7[%swap3A_514] {strides = array<i32>} : memref<50000xf32, #tpu.memory_space<vmem>>, vector<16xf32>,
      tpu.vector_store %arg7[%swap3A_514], %broadcast_in_dim3A_511 {strides = array<i32>} : memref<50000xf32, #tpu.memory_space<vmem>>, vector<16xf32>,
      %scan3A_516 = arith.constant 2 : i32
      %scan3A_517 = arith.addi %scan3A_493, %scan3A_516 : i32
      %mul3A_518 = arith.constant 1 : i32
      %mul3A_519 = arith.muli %scan3A_517, %mul3A_518 : i32
      %add3A_520 = arith.constant 0 : i32
      %add3A_521 = arith.addi %add3A_520, %mul3A_519 : i32
      %broadcast_in_dim3A_522 = arith.constant 0.000000e+00 : f32
      %broadcast_in_dim3A_523 = vector.broadcast %broadcast_in_dim3A_522 : f32 to vector<16xf32>
      %mul3A_524 = arith.constant 16 : i32
      %mul3A_525 = arith.muli %add3A_521, %mul3A_524 : i32
      %swap3A_526 = arith.index_cast %mul3A_525 : i32 to index
      %swap3A_527 = tpu.vector_load %arg7[%swap3A_526] {strides = array<i32>} : memref<50000xf32, #tpu.memory_space<vmem>>, vector<16xf32>,
      tpu.vector_store %arg7[%swap3A_526], %broadcast_in_dim3A_523 {strides = array<i32>} : memref<50000xf32, #tpu.memory_space<vmem>>, vector<16xf32>,
      %scan3A_528 = arith.constant 3 : i32
      %scan3A_529 = arith.addi %scan3A_493, %scan3A_528 : i32
      %mul3A_530 = arith.constant 1 : i32
      %mul3A_531 = arith.muli %scan3A_529, %mul3A_530 : i32
      %add3A_532 = arith.constant 0 : i32
      %add3A_533 = arith.addi %add3A_532, %mul3A_531 : i32
      %broadcast_in_dim3A_534 = arith.constant 0.000000e+00 : f32
      %broadcast_in_dim3A_535 = vector.broadcast %broadcast_in_dim3A_534 : f32 to vector<16xf32>
      %mul3A_536 = arith.constant 16 : i32
      %mul3A_537 = arith.muli %add3A_533, %mul3A_536 : i32
      %swap3A_538 = arith.index_cast %mul3A_537 : i32 to index
      %swap3A_539 = tpu.vector_load %arg7[%swap3A_538] {strides = array<i32>} : memref<50000xf32, #tpu.memory_space<vmem>>, vector<16xf32>,
      tpu.vector_store %arg7[%swap3A_538], %broadcast_in_dim3A_535 {strides = array<i32>} : memref<50000xf32, #tpu.memory_space<vmem>>, vector<16xf32>,
      %scan3A_540 = arith.constant 4 : i32
      %scan3A_541 = arith.addi %scan3A_493, %scan3A_540 : i32
      %mul3A_542 = arith.constant 1 : i32
      %mul3A_543 = arith.muli %scan3A_541, %mul3A_542 : i32
      %add3A_544 = arith.constant 0 : i32
      %add3A_545 = arith.addi %add3A_544, %mul3A_543 : i32
      %broadcast_in_dim3A_546 = arith.constant 0.000000e+00 : f32
      %broadcast_in_dim3A_547 = vector.broadcast %broadcast_in_dim3A_546 : f32 to vector<16xf32>
      %mul3A_548 = arith.constant 16 : i32
      %mul3A_549 = arith.muli %add3A_545, %mul3A_548 : i32
      %swap3A_550 = arith.index_cast %mul3A_549 : i32 to index
      %swap3A_551 = tpu.vector_load %arg7[%swap3A_550] {strides = array<i32>} : memref<50000xf32, #tpu.memory_space<vmem>>, vector<16xf32>,
      tpu.vector_store %arg7[%swap3A_550], %broadcast_in_dim3A_547 {strides = array<i32>} : memref<50000xf32, #tpu.memory_space<vmem>>, vector<16xf32>,
      %scan3A_552 = arith.constant 5 : i32
      %scan3A_553 = arith.addi %scan3A_493, %scan3A_552 : i32
      %mul3A_554 = arith.constant 1 : i32
      %mul3A_555 = arith.muli %scan3A_553, %mul3A_554 : i32
      %add3A_556 = arith.constant 0 : i32
      %add3A_557 = arith.addi %add3A_556, %mul3A_555 : i32
      %broadcast_in_dim3A_558 = arith.constant 0.000000e+00 : f32
      %broadcast_in_dim3A_559 = vector.broadcast %broadcast_in_dim3A_558 : f32 to vector<16xf32>
      %mul3A_560 = arith.constant 16 : i32
      %mul3A_561 = arith.muli %add3A_557, %mul3A_560 : i32
      %swap3A_562 = arith.index_cast %mul3A_561 : i32 to index
      %swap3A_563 = tpu.vector_load %arg7[%swap3A_562] {strides = array<i32>} : memref<50000xf32, #tpu.memory_space<vmem>>, vector<16xf32>,
      tpu.vector_store %arg7[%swap3A_562], %broadcast_in_dim3A_559 {strides = array<i32>} : memref<50000xf32, #tpu.memory_space<vmem>>, vector<16xf32>,
      %scan3A_564 = arith.constant 6 : i32
      %scan3A_565 = arith.addi %scan3A_493, %scan3A_564 : i32
      %mul3A_566 = arith.constant 1 : i32
      %mul3A_567 = arith.muli %scan3A_565, %mul3A_566 : i32
      %add3A_568 = arith.constant 0 : i32
      %add3A_569 = arith.addi %add3A_568, %mul3A_567 : i32
      %broadcast_in_dim3A_570 = arith.constant 0.000000e+00 : f32
      %broadcast_in_dim3A_571 = vector.broadcast %broadcast_in_dim3A_570 : f32 to vector<16xf32>
      %mul3A_572 = arith.constant 16 : i32
      %mul3A_573 = arith.muli %add3A_569, %mul3A_572 : i32
      %swap3A_574 = arith.index_cast %mul3A_573 : i32 to index
      %swap3A_575 = tpu.vector_load %arg7[%swap3A_574] {strides = array<i32>} : memref<50000xf32, #tpu.memory_space<vmem>>, vector<16xf32>,
      tpu.vector_store %arg7[%swap3A_574], %broadcast_in_dim3A_571 {strides = array<i32>} : memref<50000xf32, #tpu.memory_space<vmem>>, vector<16xf32>,
      %scan3A_576 = arith.constant 7 : i32
      %scan3A_577 = arith.addi %scan3A_493, %scan3A_576 : i32
      %mul3A_578 = arith.constant 1 : i32
      %mul3A_579 = arith.muli %scan3A_577, %mul3A_578 : i32
      %add3A_580 = arith.constant 0 : i32
      %add3A_581 = arith.addi %add3A_580, %mul3A_579 : i32
      %broadcast_in_dim3A_582 = arith.constant 0.000000e+00 : f32
      %broadcast_in_dim3A_583 = vector.broadcast %broadcast_in_dim3A_582 : f32 to vector<16xf32>
      %mul3A_584 = arith.constant 16 : i32
      %mul3A_585 = arith.muli %add3A_581, %mul3A_584 : i32
      %swap3A_586 = arith.index_cast %mul3A_585 : i32 to index
      %swap3A_587 = tpu.vector_load %arg7[%swap3A_586] {strides = array<i32>} : memref<50000xf32, #tpu.memory_space<vmem>>, vector<16xf32>,
      tpu.vector_store %arg7[%swap3A_586], %broadcast_in_dim3A_583 {strides = array<i32>} : memref<50000xf32, #tpu.memory_space<vmem>>, vector<16xf32>,
    }
    %scan3A_331 = arith.constant 3120 : i32
    %scan3A_332 = arith.addi %scan3A_327, %scan3A_331 : i32
    %mul3A_333 = arith.constant 1 : i32
    %mul3A_334 = arith.muli %scan3A_332, %mul3A_333 : i32
    %add3A_335 = arith.constant 0 : i32
    %add3A_336 = arith.addi %add3A_335, %mul3A_334 : i32
    %broadcast_in_dim3A_337 = arith.constant 0.000000e+00 : f32
    %broadcast_in_dim3A_338 = vector.broadcast %broadcast_in_dim3A_337 : f32 to vector<16xf32>
    %mul3A_339 = arith.constant 16 : i32
    %mul3A_340 = arith.muli %add3A_336, %mul3A_339 : i32
    %swap3A_341 = arith.index_cast %mul3A_340 : i32 to index
    %swap3A_342 = tpu.vector_load %arg7[%swap3A_341] {strides = array<i32>} : memref<50000xf32, #tpu.memory_space<vmem>>, vector<16xf32>,
    tpu.vector_store %arg7[%swap3A_341], %broadcast_in_dim3A_338 {strides = array<i32>} : memref<50000xf32, #tpu.memory_space<vmem>>, vector<16xf32>,
    %scan3A_343 = arith.constant 3121 : i32
    %scan3A_344 = arith.addi %scan3A_327, %scan3A_343 : i32
    %mul3A_345 = arith.constant 1 : i32
    %mul3A_346 = arith.muli %scan3A_344, %mul3A_345 : i32
    %add3A_347 = arith.constant 0 : i32
    %add3A_348 = arith.addi %add3A_347, %mul3A_346 : i32
    %broadcast_in_dim3A_349 = arith.constant 0.000000e+00 : f32
    %broadcast_in_dim3A_350 = vector.broadcast %broadcast_in_dim3A_349 : f32 to vector<16xf32>
    %mul3A_351 = arith.constant 16 : i32
    %mul3A_352 = arith.muli %add3A_348, %mul3A_351 : i32
    %swap3A_353 = arith.index_cast %mul3A_352 : i32 to index
    %swap3A_354 = tpu.vector_load %arg7[%swap3A_353] {strides = array<i32>} : memref<50000xf32, #tpu.memory_space<vmem>>, vector<16xf32>,
    tpu.vector_store %arg7[%swap3A_353], %broadcast_in_dim3A_350 {strides = array<i32>} : memref<50000xf32, #tpu.memory_space<vmem>>, vector<16xf32>,
    %scan3A_355 = arith.constant 3122 : i32
    %scan3A_356 = arith.addi %scan3A_327, %scan3A_355 : i32
    %mul3A_357 = arith.constant 1 : i32
    %mul3A_358 = arith.muli %scan3A_356, %mul3A_357 : i32
    %add3A_359 = arith.constant 0 : i32
    %add3A_360 = arith.addi %add3A_359, %mul3A_358 : i32
    %broadcast_in_dim3A_361 = arith.constant 0.000000e+00 : f32
    %broadcast_in_dim3A_362 = vector.broadcast %broadcast_in_dim3A_361 : f32 to vector<16xf32>
    %mul3A_363 = arith.constant 16 : i32
    %mul3A_364 = arith.muli %add3A_360, %mul3A_363 : i32
    %swap3A_365 = arith.index_cast %mul3A_364 : i32 to index
    %swap3A_366 = tpu.vector_load %arg7[%swap3A_365] {strides = array<i32>} : memref<50000xf32, #tpu.memory_space<vmem>>, vector<16xf32>,
    tpu.vector_store %arg7[%swap3A_365], %broadcast_in_dim3A_362 {strides = array<i32>} : memref<50000xf32, #tpu.memory_space<vmem>>, vector<16xf32>,
    %scan3A_367 = arith.constant 3123 : i32
    %scan3A_368 = arith.addi %scan3A_327, %scan3A_367 : i32
    %mul3A_369 = arith.constant 1 : i32
    %mul3A_370 = arith.muli %scan3A_368, %mul3A_369 : i32
    %add3A_371 = arith.constant 0 : i32
    %add3A_372 = arith.addi %add3A_371, %mul3A_370 : i32
    %broadcast_in_dim3A_373 = arith.constant 0.000000e+00 : f32
    %broadcast_in_dim3A_374 = vector.broadcast %broadcast_in_dim3A_373 : f32 to vector<16xf32>
    %mul3A_375 = arith.constant 16 : i32
    %mul3A_376 = arith.muli %add3A_372, %mul3A_375 : i32
    %swap3A_377 = arith.index_cast %mul3A_376 : i32 to index
    %swap3A_378 = tpu.vector_load %arg7[%swap3A_377] {strides = array<i32>} : memref<50000xf32, #tpu.memory_space<vmem>>, vector<16xf32>,
    tpu.vector_store %arg7[%swap3A_377], %broadcast_in_dim3A_374 {strides = array<i32>} : memref<50000xf32, #tpu.memory_space<vmem>>, vector<16xf32>,
    %scan3A_379 = arith.constant 3124 : i32
    %scan3A_380 = arith.addi %scan3A_327, %scan3A_379 : i32
    %mul3A_381 = arith.constant 1 : i32
    %mul3A_382 = arith.muli %scan3A_380, %mul3A_381 : i32
    %add3A_383 = arith.constant 0 : i32
    %add3A_384 = arith.addi %add3A_383, %mul3A_382 : i32
    %broadcast_in_dim3A_385 = arith.constant 0.000000e+00 : f32
    %broadcast_in_dim3A_386 = vector.broadcast %broadcast_in_dim3A_385 : f32 to vector<16xf32>
    %mul3A_387 = arith.constant 16 : i32
    %mul3A_388 = arith.muli %add3A_384, %mul3A_387 : i32
    %swap3A_389 = arith.index_cast %mul3A_388 : i32 to index
    %swap3A_390 = tpu.vector_load %arg7[%swap3A_389] {strides = array<i32>} : memref<50000xf32, #tpu.memory_space<vmem>>, vector<16xf32>,
    tpu.vector_store %arg7[%swap3A_389], %broadcast_in_dim3A_386 {strides = array<i32>} : memref<50000xf32, #tpu.memory_space<vmem>>, vector<16xf32>,
    %scan3A_391 = arith.constant 3125 : i32
    %multiple_of3A_392 = arith.constant 0 : i32
    %multiple_of3A_393 = tpu.assume_multiple %multiple_of3A_392, 8 : i32
    %multiple_of3A_394 = arith.constant 0 : i32
    %multiple_of3A_395 = tpu.assume_multiple %multiple_of3A_394, 8 : i32
    %dma_start3A_396 = tpu.memref_slice %arg3[%multiple_of3A_393] : memref<1600000xi32, #tpu.memory_space<hbm>> -> memref<6400xi32, #tpu.memory_space<hbm>>
    %dma_start3A_397 = tpu.memref_slice %arg3[%multiple_of3A_393] : memref<1600000xi32, #tpu.memory_space<hbm>> -> memref<6400xi32, #tpu.memory_space<hbm>>
    tpu.enqueue_dma source(%dma_start3A_397 : memref<6400xi32, #tpu.memory_space<hbm>>) target(%arg8 : memref<6400xi32, #tpu.memory_space<vmem>>) target_semaphore(%arg12 : memref<!tpu.dma_semaphore, #tpu.memory_space<semaphore_mem>>)
    %dma_start3A_398 = tpu.memref_slice %arg4[%multiple_of3A_395] : memref<800000xi32, #tpu.memory_space<hbm>> -> memref<3200xi32, #tpu.memory_space<hbm>>
    %dma_start3A_399 = tpu.memref_slice %arg4[%multiple_of3A_395] : memref<800000xi32, #tpu.memory_space<hbm>> -> memref<3200xi32, #tpu.memory_space<hbm>>
    tpu.enqueue_dma source(%dma_start3A_399 : memref<3200xi32, #tpu.memory_space<hbm>>) target(%arg10 : memref<3200xi32, #tpu.memory_space<vmem>>) target_semaphore(%arg12 : memref<!tpu.dma_semaphore, #tpu.memory_space<semaphore_mem>>)
    %multiple_of3A_400 = arith.constant 6400 : i32
    %multiple_of3A_401 = tpu.assume_multiple %multiple_of3A_400, 8 : i32
    %multiple_of3A_402 = arith.constant 3200 : i32
    %multiple_of3A_403 = tpu.assume_multiple %multiple_of3A_402, 8 : i32
    %dma_start3A_404 = tpu.memref_slice %arg3[%multiple_of3A_401] : memref<1600000xi32, #tpu.memory_space<hbm>> -> memref<6400xi32, #tpu.memory_space<hbm>>
    %dma_start3A_405 = tpu.memref_slice %arg3[%multiple_of3A_401] : memref<1600000xi32, #tpu.memory_space<hbm>> -> memref<6400xi32, #tpu.memory_space<hbm>>
    tpu.enqueue_dma source(%dma_start3A_405 : memref<6400xi32, #tpu.memory_space<hbm>>) target(%arg9 : memref<6400xi32, #tpu.memory_space<vmem>>) target_semaphore(%arg13 : memref<!tpu.dma_semaphore, #tpu.memory_space<semaphore_mem>>)
    %dma_start3A_406 = tpu.memref_slice %arg4[%multiple_of3A_403] : memref<800000xi32, #tpu.memory_space<hbm>> -> memref<3200xi32, #tpu.memory_space<hbm>>
    %dma_start3A_407 = tpu.memref_slice %arg4[%multiple_of3A_403] : memref<800000xi32, #tpu.memory_space<hbm>> -> memref<3200xi32, #tpu.memory_space<hbm>>
    tpu.enqueue_dma source(%dma_start3A_407 : memref<3200xi32, #tpu.memory_space<hbm>>) target(%arg11 : memref<3200xi32, #tpu.memory_space<vmem>>) target_semaphore(%arg13 : memref<!tpu.dma_semaphore, #tpu.memory_space<semaphore_mem>>)
    %scan3A_408 = arith.constant 0 : i32
    %scan3A_409 = arith.constant 125 : i32
    %scan3A_410 = arith.addi %scan3A_408, %scan3A_409 : i32
    %scan3A_411 = arith.constant 1 : i32
    scf.for %scan3A_493 = %scan3A_408 to %scan3A_410 step %scan3A_411  : i32 {
      %mul3A_494 = arith.constant 2 : i32
      %mul3A_495 = arith.muli %scan3A_493, %mul3A_494 : i32
      %add3A_496 = arith.constant 0 : i32
      %add3A_497 = arith.addi %add3A_496, %mul3A_495 : i32
      %dma_wait3A = arith.constant 0 : i32
      %dma_wait3A_498 = tpu.memref_slice %arg3[%dma_wait3A] : memref<1600000xi32, #tpu.memory_space<hbm>> -> memref<6400xi32, #tpu.memory_space<hbm>>
      %dma_wait3A_499 = arith.constant 0 : i32
      %dma_wait3A_500 = tpu.memref_slice %arg3[%dma_wait3A_499] : memref<1600000xi32, #tpu.memory_space<hbm>> -> memref<6400xi32, #tpu.memory_space<hbm>>
      tpu.wait_dma2 semaphore(%arg12 : memref<!tpu.dma_semaphore, #tpu.memory_space<semaphore_mem>>) src(%dma_wait3A_500 : memref<6400xi32, #tpu.memory_space<hbm>>) dst(%arg8 : memref<6400xi32, #tpu.memory_space<vmem>>)
      %dma_wait3A_501 = arith.constant 0 : i32
      %dma_wait3A_502 = tpu.memref_slice %arg4[%dma_wait3A_501] : memref<800000xi32, #tpu.memory_space<hbm>> -> memref<3200xi32, #tpu.memory_space<hbm>>
      %dma_wait3A_503 = arith.constant 0 : i32
      %dma_wait3A_504 = tpu.memref_slice %arg4[%dma_wait3A_503] : memref<800000xi32, #tpu.memory_space<hbm>> -> memref<3200xi32, #tpu.memory_space<hbm>>
      tpu.wait_dma2 semaphore(%arg12 : memref<!tpu.dma_semaphore, #tpu.memory_space<semaphore_mem>>) src(%dma_wait3A_504 : memref<3200xi32, #tpu.memory_space<hbm>>) dst(%arg10 : memref<3200xi32, #tpu.memory_space<vmem>>)
      %parallel_loop3A = arith.constant 0 : i32
      %parallel_loop3A_505 = arith.constant 200 : i32
      %parallel_loop3A_506 = arith.constant 1 : i32
      scf.for %parallel_loop3A_533 = %parallel_loop3A to %parallel_loop3A_505 step %parallel_loop3A_506  : i32 {
        %parallel_loop3A_534 = arith.constant 32 : i32
        %parallel_loop3A_535 = arith.muli %parallel_loop3A_533, %parallel_loop3A_534 : i32
        %parallel_loop3A_536 = arith.constant 16 : i32
        %parallel_loop3A_537 = arith.muli %parallel_loop3A_533, %parallel_loop3A_536 : i32
        %parallel_loop3A_538 = arith.index_cast %parallel_loop3A_537 : i32 to index
        %parallel_loop3A_539 = tpu.vector_load %arg10[%parallel_loop3A_538] {strides = array<i32>} : memref<3200xi32, #tpu.memory_space<vmem>>, vector<16xi32>,
        %parallel_loop3A_540 = arith.constant 16 : i32
        %parallel_loop3A_541 = vector.broadcast %parallel_loop3A_540 : i32 to vector<16xi32>
        %parallel_loop3A_542 = arith.shli %parallel_loop3A_539, %parallel_loop3A_541 : vector<16xi32>
        %parallel_loop3A_543 = vector.bitcast %parallel_loop3A_542 : vector<16xi32> to vector<16xf32>
        %parallel_loop3A_544 = arith.constant -65536 : i32
        %parallel_loop3A_545 = vector.broadcast %parallel_loop3A_544 : i32 to vector<16xi32>
        %parallel_loop3A_546 = arith.andi %parallel_loop3A_539, %parallel_loop3A_545 : vector<16xi32>
        %parallel_loop3A_547 = vector.bitcast %parallel_loop3A_546 : vector<16xi32> to vector<16xf32>
        %parallel_loop3A_548 = arith.constant 0 : i32
        %parallel_loop3A_549 = arith.addi %parallel_loop3A_535, %parallel_loop3A_548 : i32
        %parallel_loop3A_550 = arith.index_cast %parallel_loop3A_549 : i32 to index
        %parallel_loop3A_551 = tpu.vector_load %arg8[%parallel_loop3A_550] {strides = array<i32>} : memref<6400xi32, #tpu.memory_space<vmem>>, vector<16xi32>,
        %parallel_loop3A_552 = arith.constant 16 : i32
        %parallel_loop3A_553 = vector.broadcast %parallel_loop3A_552 : i32 to vector<16xi32>
        %parallel_loop3A_554 = arith.shrui %parallel_loop3A_551, %parallel_loop3A_553 : vector<16xi32>
        %parallel_loop3A_555 = vector.bitcast %parallel_loop3A_554 : vector<16xi32> to vector<16xi32>
        %parallel_loop3A_556 = arith.constant 65535 : i32
        %parallel_loop3A_557 = vector.broadcast %parallel_loop3A_556 : i32 to vector<16xi32>
        %parallel_loop3A_558 = arith.andi %parallel_loop3A_551, %parallel_loop3A_557 : vector<16xi32>
        %parallel_loop3A_559 = vector.bitcast %parallel_loop3A_558 : vector<16xi32> to vector<16xi32>
        %parallel_loop3A_560 = tpu.vector_load_idx %arg6[%parallel_loop3A_555] : memref<50000xf32, #tpu.memory_space<vmem>>[vector<16xi32>], vector<16xf32>,
        %parallel_loop3A_561 = arith.mulf %parallel_loop3A_560, %parallel_loop3A_543 : vector<16xf32>
        tpu.vector_store_idx %arg7[%parallel_loop3A_559], %parallel_loop3A_561 {add = true} : memref<50000xf32, #tpu.memory_space<vmem>>[vector<16xi32>], vector<16xf32>,
        %parallel_loop3A_562 = arith.constant 16 : i32
        %parallel_loop3A_563 = arith.addi %parallel_loop3A_535, %parallel_loop3A_562 : i32
        %parallel_loop3A_564 = arith.index_cast %parallel_loop3A_563 : i32 to index
        %parallel_loop3A_565 = tpu.vector_load %arg8[%parallel_loop3A_564] {strides = array<i32>} : memref<6400xi32, #tpu.memory_space<vmem>>, vector<16xi32>,
        %parallel_loop3A_566 = arith.constant 16 : i32
        %parallel_loop3A_567 = vector.broadcast %parallel_loop3A_566 : i32 to vector<16xi32>
        %parallel_loop3A_568 = arith.shrui %parallel_loop3A_565, %parallel_loop3A_567 : vector<16xi32>
        %parallel_loop3A_569 = vector.bitcast %parallel_loop3A_568 : vector<16xi32> to vector<16xi32>
        %parallel_loop3A_570 = arith.constant 65535 : i32
        %parallel_loop3A_571 = vector.broadcast %parallel_loop3A_570 : i32 to vector<16xi32>
        %parallel_loop3A_572 = arith.andi %parallel_loop3A_565, %parallel_loop3A_571 : vector<16xi32>
        %parallel_loop3A_573 = vector.bitcast %parallel_loop3A_572 : vector<16xi32> to vector<16xi32>
        %parallel_loop3A_574 = tpu.vector_load_idx %arg6[%parallel_loop3A_569] : memref<50000xf32, #tpu.memory_space<vmem>>[vector<16xi32>], vector<16xf32>,
        %parallel_loop3A_575 = arith.mulf %parallel_loop3A_574, %parallel_loop3A_547 : vector<16xf32>
        tpu.vector_store_idx %arg7[%parallel_loop3A_573], %parallel_loop3A_575 {add = true} : memref<50000xf32, #tpu.memory_space<vmem>>[vector<16xi32>], vector<16xf32>,
      } {sc.loop_unroll_factor = 4 : i64, sc.parallel_access}
      %add3A_507 = arith.constant 0 : i32
      %add3A_508 = arith.addi %add3A_497, %add3A_507 : i32
      %add3A_509 = arith.constant 2 : i32
      %add3A_510 = arith.addi %add3A_508, %add3A_509 : i32
      %lt3A = arith.constant 250 : i32
      %lt3A_511 = arith.cmpi slt, %add3A_510, %lt3A : i32
      %convert_element_type3A = arith.extui %lt3A_511 : i1 to i32
      %cond3A = arith.constant 0 : i32
      %cond3A_512 = arith.cmpi ne, %convert_element_type3A, %cond3A : i32
      scf.if %cond3A_512 {
        %mul3A_533 = arith.constant 6400 : i32
        %mul3A_534 = arith.muli %add3A_510, %mul3A_533 : i32
        %multiple_of3A_535 = tpu.assume_multiple %mul3A_534, 8 : i32
        %mul3A_536 = arith.constant 3200 : i32
        %mul3A_537 = arith.muli %add3A_510, %mul3A_536 : i32
        %multiple_of3A_538 = tpu.assume_multiple %mul3A_537, 8 : i32
        %dma_start3A_539 = tpu.memref_slice %arg3[%multiple_of3A_535] : memref<1600000xi32, #tpu.memory_space<hbm>> -> memref<6400xi32, #tpu.memory_space<hbm>>
        %dma_start3A_540 = tpu.memref_slice %arg3[%multiple_of3A_535] : memref<1600000xi32, #tpu.memory_space<hbm>> -> memref<6400xi32, #tpu.memory_space<hbm>>
        tpu.enqueue_dma source(%dma_start3A_540 : memref<6400xi32, #tpu.memory_space<hbm>>) target(%arg8 : memref<6400xi32, #tpu.memory_space<vmem>>) target_semaphore(%arg12 : memref<!tpu.dma_semaphore, #tpu.memory_space<semaphore_mem>>)
        %dma_start3A_541 = tpu.memref_slice %arg4[%multiple_of3A_538] : memref<800000xi32, #tpu.memory_space<hbm>> -> memref<3200xi32, #tpu.memory_space<hbm>>
        %dma_start3A_542 = tpu.memref_slice %arg4[%multiple_of3A_538] : memref<800000xi32, #tpu.memory_space<hbm>> -> memref<3200xi32, #tpu.memory_space<hbm>>
        tpu.enqueue_dma source(%dma_start3A_542 : memref<3200xi32, #tpu.memory_space<hbm>>) target(%arg10 : memref<3200xi32, #tpu.memory_space<vmem>>) target_semaphore(%arg12 : memref<!tpu.dma_semaphore, #tpu.memory_space<semaphore_mem>>)
      } else {
      }
      %dma_wait3A_513 = arith.constant 0 : i32
      %dma_wait3A_514 = tpu.memref_slice %arg3[%dma_wait3A_513] : memref<1600000xi32, #tpu.memory_space<hbm>> -> memref<6400xi32, #tpu.memory_space<hbm>>
      %dma_wait3A_515 = arith.constant 0 : i32
      %dma_wait3A_516 = tpu.memref_slice %arg3[%dma_wait3A_515] : memref<1600000xi32, #tpu.memory_space<hbm>> -> memref<6400xi32, #tpu.memory_space<hbm>>
      tpu.wait_dma2 semaphore(%arg13 : memref<!tpu.dma_semaphore, #tpu.memory_space<semaphore_mem>>) src(%dma_wait3A_516 : memref<6400xi32, #tpu.memory_space<hbm>>) dst(%arg9 : memref<6400xi32, #tpu.memory_space<vmem>>)
      %dma_wait3A_517 = arith.constant 0 : i32
      %dma_wait3A_518 = tpu.memref_slice %arg4[%dma_wait3A_517] : memref<800000xi32, #tpu.memory_space<hbm>> -> memref<3200xi32, #tpu.memory_space<hbm>>
      %dma_wait3A_519 = arith.constant 0 : i32
      %dma_wait3A_520 = tpu.memref_slice %arg4[%dma_wait3A_519] : memref<800000xi32, #tpu.memory_space<hbm>> -> memref<3200xi32, #tpu.memory_space<hbm>>
      tpu.wait_dma2 semaphore(%arg13 : memref<!tpu.dma_semaphore, #tpu.memory_space<semaphore_mem>>) src(%dma_wait3A_520 : memref<3200xi32, #tpu.memory_space<hbm>>) dst(%arg11 : memref<3200xi32, #tpu.memory_space<vmem>>)
      %parallel_loop3A_521 = arith.constant 0 : i32
      %parallel_loop3A_522 = arith.constant 200 : i32
      %parallel_loop3A_523 = arith.constant 1 : i32
      scf.for %parallel_loop3A_533 = %parallel_loop3A_521 to %parallel_loop3A_522 step %parallel_loop3A_523  : i32 {
        %parallel_loop3A_534 = arith.constant 32 : i32
        %parallel_loop3A_535 = arith.muli %parallel_loop3A_533, %parallel_loop3A_534 : i32
        %parallel_loop3A_536 = arith.constant 16 : i32
        %parallel_loop3A_537 = arith.muli %parallel_loop3A_533, %parallel_loop3A_536 : i32
        %parallel_loop3A_538 = arith.index_cast %parallel_loop3A_537 : i32 to index
        %parallel_loop3A_539 = tpu.vector_load %arg11[%parallel_loop3A_538] {strides = array<i32>} : memref<3200xi32, #tpu.memory_space<vmem>>, vector<16xi32>,
        %parallel_loop3A_540 = arith.constant 16 : i32
        %parallel_loop3A_541 = vector.broadcast %parallel_loop3A_540 : i32 to vector<16xi32>
        %parallel_loop3A_542 = arith.shli %parallel_loop3A_539, %parallel_loop3A_541 : vector<16xi32>
        %parallel_loop3A_543 = vector.bitcast %parallel_loop3A_542 : vector<16xi32> to vector<16xf32>
        %parallel_loop3A_544 = arith.constant -65536 : i32
        %parallel_loop3A_545 = vector.broadcast %parallel_loop3A_544 : i32 to vector<16xi32>
        %parallel_loop3A_546 = arith.andi %parallel_loop3A_539, %parallel_loop3A_545 : vector<16xi32>
        %parallel_loop3A_547 = vector.bitcast %parallel_loop3A_546 : vector<16xi32> to vector<16xf32>
        %parallel_loop3A_548 = arith.constant 0 : i32
        %parallel_loop3A_549 = arith.addi %parallel_loop3A_535, %parallel_loop3A_548 : i32
        %parallel_loop3A_550 = arith.index_cast %parallel_loop3A_549 : i32 to index
        %parallel_loop3A_551 = tpu.vector_load %arg9[%parallel_loop3A_550] {strides = array<i32>} : memref<6400xi32, #tpu.memory_space<vmem>>, vector<16xi32>,
        %parallel_loop3A_552 = arith.constant 16 : i32
        %parallel_loop3A_553 = vector.broadcast %parallel_loop3A_552 : i32 to vector<16xi32>
        %parallel_loop3A_554 = arith.shrui %parallel_loop3A_551, %parallel_loop3A_553 : vector<16xi32>
        %parallel_loop3A_555 = vector.bitcast %parallel_loop3A_554 : vector<16xi32> to vector<16xi32>
        %parallel_loop3A_556 = arith.constant 65535 : i32
        %parallel_loop3A_557 = vector.broadcast %parallel_loop3A_556 : i32 to vector<16xi32>
        %parallel_loop3A_558 = arith.andi %parallel_loop3A_551, %parallel_loop3A_557 : vector<16xi32>
        %parallel_loop3A_559 = vector.bitcast %parallel_loop3A_558 : vector<16xi32> to vector<16xi32>
        %parallel_loop3A_560 = tpu.vector_load_idx %arg6[%parallel_loop3A_555] : memref<50000xf32, #tpu.memory_space<vmem>>[vector<16xi32>], vector<16xf32>,
        %parallel_loop3A_561 = arith.mulf %parallel_loop3A_560, %parallel_loop3A_543 : vector<16xf32>
        tpu.vector_store_idx %arg7[%parallel_loop3A_559], %parallel_loop3A_561 {add = true} : memref<50000xf32, #tpu.memory_space<vmem>>[vector<16xi32>], vector<16xf32>,
        %parallel_loop3A_562 = arith.constant 16 : i32
        %parallel_loop3A_563 = arith.addi %parallel_loop3A_535, %parallel_loop3A_562 : i32
        %parallel_loop3A_564 = arith.index_cast %parallel_loop3A_563 : i32 to index
        %parallel_loop3A_565 = tpu.vector_load %arg9[%parallel_loop3A_564] {strides = array<i32>} : memref<6400xi32, #tpu.memory_space<vmem>>, vector<16xi32>,
        %parallel_loop3A_566 = arith.constant 16 : i32
        %parallel_loop3A_567 = vector.broadcast %parallel_loop3A_566 : i32 to vector<16xi32>
        %parallel_loop3A_568 = arith.shrui %parallel_loop3A_565, %parallel_loop3A_567 : vector<16xi32>
        %parallel_loop3A_569 = vector.bitcast %parallel_loop3A_568 : vector<16xi32> to vector<16xi32>
        %parallel_loop3A_570 = arith.constant 65535 : i32
        %parallel_loop3A_571 = vector.broadcast %parallel_loop3A_570 : i32 to vector<16xi32>
        %parallel_loop3A_572 = arith.andi %parallel_loop3A_565, %parallel_loop3A_571 : vector<16xi32>
        %parallel_loop3A_573 = vector.bitcast %parallel_loop3A_572 : vector<16xi32> to vector<16xi32>
        %parallel_loop3A_574 = tpu.vector_load_idx %arg6[%parallel_loop3A_569] : memref<50000xf32, #tpu.memory_space<vmem>>[vector<16xi32>], vector<16xf32>,
        %parallel_loop3A_575 = arith.mulf %parallel_loop3A_574, %parallel_loop3A_547 : vector<16xf32>
        tpu.vector_store_idx %arg7[%parallel_loop3A_573], %parallel_loop3A_575 {add = true} : memref<50000xf32, #tpu.memory_space<vmem>>[vector<16xi32>], vector<16xf32>,
      } {sc.loop_unroll_factor = 4 : i64, sc.parallel_access}
      %add3A_524 = arith.constant 1 : i32
      %add3A_525 = arith.addi %add3A_497, %add3A_524 : i32
      %add3A_526 = arith.constant 2 : i32
      %add3A_527 = arith.addi %add3A_525, %add3A_526 : i32
      %lt3A_528 = arith.constant 250 : i32
      %lt3A_529 = arith.cmpi slt, %add3A_527, %lt3A_528 : i32
      %convert_element_type3A_530 = arith.extui %lt3A_529 : i1 to i32
      %cond3A_531 = arith.constant 0 : i32
      %cond3A_532 = arith.cmpi ne, %convert_element_type3A_530, %cond3A_531 : i32
      scf.if %cond3A_532 {
        %mul3A_533 = arith.constant 6400 : i32
        %mul3A_534 = arith.muli %add3A_527, %mul3A_533 : i32
        %multiple_of3A_535 = tpu.assume_multiple %mul3A_534, 8 : i32
        %mul3A_536 = arith.constant 3200 : i32
        %mul3A_537 = arith.muli %add3A_527, %mul3A_536 : i32
        %multiple_of3A_538 = tpu.assume_multiple %mul3A_537, 8 : i32
        %dma_start3A_539 = tpu.memref_slice %arg3[%multiple_of3A_535] : memref<1600000xi32, #tpu.memory_space<hbm>> -> memref<6400xi32, #tpu.memory_space<hbm>>
        %dma_start3A_540 = tpu.memref_slice %arg3[%multiple_of3A_535] : memref<1600000xi32, #tpu.memory_space<hbm>> -> memref<6400xi32, #tpu.memory_space<hbm>>
        tpu.enqueue_dma source(%dma_start3A_540 : memref<6400xi32, #tpu.memory_space<hbm>>) target(%arg9 : memref<6400xi32, #tpu.memory_space<vmem>>) target_semaphore(%arg13 : memref<!tpu.dma_semaphore, #tpu.memory_space<semaphore_mem>>)
        %dma_start3A_541 = tpu.memref_slice %arg4[%multiple_of3A_538] : memref<800000xi32, #tpu.memory_space<hbm>> -> memref<3200xi32, #tpu.memory_space<hbm>>
        %dma_start3A_542 = tpu.memref_slice %arg4[%multiple_of3A_538] : memref<800000xi32, #tpu.memory_space<hbm>> -> memref<3200xi32, #tpu.memory_space<hbm>>
        tpu.enqueue_dma source(%dma_start3A_542 : memref<3200xi32, #tpu.memory_space<hbm>>) target(%arg11 : memref<3200xi32, #tpu.memory_space<vmem>>) target_semaphore(%arg13 : memref<!tpu.dma_semaphore, #tpu.memory_space<semaphore_mem>>)
      } else {
      }
    }
    %scan3A_412 = arith.constant 125 : i32
    %scan3A_413 = arith.constant 0 : i32
    %scan3A_414 = arith.constant 3120 : i32
    %scan3A_415 = arith.addi %scan3A_413, %scan3A_414 : i32
    %scan3A_416 = arith.constant 8 : i32
    scf.for %scan3A_493 = %scan3A_413 to %scan3A_415 step %scan3A_416  : i32 {
      %mul3A_494 = arith.constant 1 : i32
      %mul3A_495 = arith.muli %scan3A_493, %mul3A_494 : i32
      %add3A_496 = arith.constant 0 : i32
      %add3A_497 = arith.addi %add3A_496, %mul3A_495 : i32
      %mul3A_498 = arith.constant 16 : i32
      %mul3A_499 = arith.muli %add3A_497, %mul3A_498 : i32
      %get3A_500 = arith.index_cast %mul3A_499 : i32 to index
      %get3A_501 = tpu.vector_load %arg6[%get3A_500] {strides = array<i32>} : memref<50000xf32, #tpu.memory_space<vmem>>, vector<16xf32>,
      %get3A_502 = arith.index_cast %mul3A_499 : i32 to index
      %get3A_503 = tpu.vector_load %arg7[%get3A_502] {strides = array<i32>} : memref<50000xf32, #tpu.memory_space<vmem>>, vector<16xf32>,
      %add3A_504 = arith.addf %get3A_501, %get3A_503 : vector<16xf32>
      %swap3A_505 = arith.index_cast %mul3A_499 : i32 to index
      %swap3A_506 = tpu.vector_load %arg6[%swap3A_505] {strides = array<i32>} : memref<50000xf32, #tpu.memory_space<vmem>>, vector<16xf32>,
      tpu.vector_store %arg6[%swap3A_505], %add3A_504 {strides = array<i32>} : memref<50000xf32, #tpu.memory_space<vmem>>, vector<16xf32>,
      %scan3A_507 = arith.constant 1 : i32
      %scan3A_508 = arith.addi %scan3A_493, %scan3A_507 : i32
      %mul3A_509 = arith.constant 1 : i32
      %mul3A_510 = arith.muli %scan3A_508, %mul3A_509 : i32
      %add3A_511 = arith.constant 0 : i32
      %add3A_512 = arith.addi %add3A_511, %mul3A_510 : i32
      %mul3A_513 = arith.constant 16 : i32
      %mul3A_514 = arith.muli %add3A_512, %mul3A_513 : i32
      %get3A_515 = arith.index_cast %mul3A_514 : i32 to index
      %get3A_516 = tpu.vector_load %arg6[%get3A_515] {strides = array<i32>} : memref<50000xf32, #tpu.memory_space<vmem>>, vector<16xf32>,
      %get3A_517 = arith.index_cast %mul3A_514 : i32 to index
      %get3A_518 = tpu.vector_load %arg7[%get3A_517] {strides = array<i32>} : memref<50000xf32, #tpu.memory_space<vmem>>, vector<16xf32>,
      %add3A_519 = arith.addf %get3A_516, %get3A_518 : vector<16xf32>
      %swap3A_520 = arith.index_cast %mul3A_514 : i32 to index
      %swap3A_521 = tpu.vector_load %arg6[%swap3A_520] {strides = array<i32>} : memref<50000xf32, #tpu.memory_space<vmem>>, vector<16xf32>,
      tpu.vector_store %arg6[%swap3A_520], %add3A_519 {strides = array<i32>} : memref<50000xf32, #tpu.memory_space<vmem>>, vector<16xf32>,
      %scan3A_522 = arith.constant 2 : i32
      %scan3A_523 = arith.addi %scan3A_493, %scan3A_522 : i32
      %mul3A_524 = arith.constant 1 : i32
      %mul3A_525 = arith.muli %scan3A_523, %mul3A_524 : i32
      %add3A_526 = arith.constant 0 : i32
      %add3A_527 = arith.addi %add3A_526, %mul3A_525 : i32
      %mul3A_528 = arith.constant 16 : i32
      %mul3A_529 = arith.muli %add3A_527, %mul3A_528 : i32
      %get3A_530 = arith.index_cast %mul3A_529 : i32 to index
      %get3A_531 = tpu.vector_load %arg6[%get3A_530] {strides = array<i32>} : memref<50000xf32, #tpu.memory_space<vmem>>, vector<16xf32>,
      %get3A_532 = arith.index_cast %mul3A_529 : i32 to index
      %get3A_533 = tpu.vector_load %arg7[%get3A_532] {strides = array<i32>} : memref<50000xf32, #tpu.memory_space<vmem>>, vector<16xf32>,
      %add3A_534 = arith.addf %get3A_531, %get3A_533 : vector<16xf32>
      %swap3A_535 = arith.index_cast %mul3A_529 : i32 to index
      %swap3A_536 = tpu.vector_load %arg6[%swap3A_535] {strides = array<i32>} : memref<50000xf32, #tpu.memory_space<vmem>>, vector<16xf32>,
      tpu.vector_store %arg6[%swap3A_535], %add3A_534 {strides = array<i32>} : memref<50000xf32, #tpu.memory_space<vmem>>, vector<16xf32>,
      %scan3A_537 = arith.constant 3 : i32
      %scan3A_538 = arith.addi %scan3A_493, %scan3A_537 : i32
      %mul3A_539 = arith.constant 1 : i32
      %mul3A_540 = arith.muli %scan3A_538, %mul3A_539 : i32
      %add3A_541 = arith.constant 0 : i32
      %add3A_542 = arith.addi %add3A_541, %mul3A_540 : i32
      %mul3A_543 = arith.constant 16 : i32
      %mul3A_544 = arith.muli %add3A_542, %mul3A_543 : i32
      %get3A_545 = arith.index_cast %mul3A_544 : i32 to index
      %get3A_546 = tpu.vector_load %arg6[%get3A_545] {strides = array<i32>} : memref<50000xf32, #tpu.memory_space<vmem>>, vector<16xf32>,
      %get3A_547 = arith.index_cast %mul3A_544 : i32 to index
      %get3A_548 = tpu.vector_load %arg7[%get3A_547] {strides = array<i32>} : memref<50000xf32, #tpu.memory_space<vmem>>, vector<16xf32>,
      %add3A_549 = arith.addf %get3A_546, %get3A_548 : vector<16xf32>
      %swap3A_550 = arith.index_cast %mul3A_544 : i32 to index
      %swap3A_551 = tpu.vector_load %arg6[%swap3A_550] {strides = array<i32>} : memref<50000xf32, #tpu.memory_space<vmem>>, vector<16xf32>,
      tpu.vector_store %arg6[%swap3A_550], %add3A_549 {strides = array<i32>} : memref<50000xf32, #tpu.memory_space<vmem>>, vector<16xf32>,
      %scan3A_552 = arith.constant 4 : i32
      %scan3A_553 = arith.addi %scan3A_493, %scan3A_552 : i32
      %mul3A_554 = arith.constant 1 : i32
      %mul3A_555 = arith.muli %scan3A_553, %mul3A_554 : i32
      %add3A_556 = arith.constant 0 : i32
      %add3A_557 = arith.addi %add3A_556, %mul3A_555 : i32
      %mul3A_558 = arith.constant 16 : i32
      %mul3A_559 = arith.muli %add3A_557, %mul3A_558 : i32
      %get3A_560 = arith.index_cast %mul3A_559 : i32 to index
      %get3A_561 = tpu.vector_load %arg6[%get3A_560] {strides = array<i32>} : memref<50000xf32, #tpu.memory_space<vmem>>, vector<16xf32>,
      %get3A_562 = arith.index_cast %mul3A_559 : i32 to index
      %get3A_563 = tpu.vector_load %arg7[%get3A_562] {strides = array<i32>} : memref<50000xf32, #tpu.memory_space<vmem>>, vector<16xf32>,
      %add3A_564 = arith.addf %get3A_561, %get3A_563 : vector<16xf32>
      %swap3A_565 = arith.index_cast %mul3A_559 : i32 to index
      %swap3A_566 = tpu.vector_load %arg6[%swap3A_565] {strides = array<i32>} : memref<50000xf32, #tpu.memory_space<vmem>>, vector<16xf32>,
      tpu.vector_store %arg6[%swap3A_565], %add3A_564 {strides = array<i32>} : memref<50000xf32, #tpu.memory_space<vmem>>, vector<16xf32>,
      %scan3A_567 = arith.constant 5 : i32
      %scan3A_568 = arith.addi %scan3A_493, %scan3A_567 : i32
      %mul3A_569 = arith.constant 1 : i32
      %mul3A_570 = arith.muli %scan3A_568, %mul3A_569 : i32
      %add3A_571 = arith.constant 0 : i32
      %add3A_572 = arith.addi %add3A_571, %mul3A_570 : i32
      %mul3A_573 = arith.constant 16 : i32
      %mul3A_574 = arith.muli %add3A_572, %mul3A_573 : i32
      %get3A_575 = arith.index_cast %mul3A_574 : i32 to index
      %get3A_576 = tpu.vector_load %arg6[%get3A_575] {strides = array<i32>} : memref<50000xf32, #tpu.memory_space<vmem>>, vector<16xf32>,
      %get3A_577 = arith.index_cast %mul3A_574 : i32 to index
      %get3A_578 = tpu.vector_load %arg7[%get3A_577] {strides = array<i32>} : memref<50000xf32, #tpu.memory_space<vmem>>, vector<16xf32>,
      %add3A_579 = arith.addf %get3A_576, %get3A_578 : vector<16xf32>
      %swap3A_580 = arith.index_cast %mul3A_574 : i32 to index
      %swap3A_581 = tpu.vector_load %arg6[%swap3A_580] {strides = array<i32>} : memref<50000xf32, #tpu.memory_space<vmem>>, vector<16xf32>,
      tpu.vector_store %arg6[%swap3A_580], %add3A_579 {strides = array<i32>} : memref<50000xf32, #tpu.memory_space<vmem>>, vector<16xf32>,
      %scan3A_582 = arith.constant 6 : i32
      %scan3A_583 = arith.addi %scan3A_493, %scan3A_582 : i32
      %mul3A_584 = arith.constant 1 : i32
      %mul3A_585 = arith.muli %scan3A_583, %mul3A_584 : i32
      %add3A_586 = arith.constant 0 : i32
      %add3A_587 = arith.addi %add3A_586, %mul3A_585 : i32
      %mul3A_588 = arith.constant 16 : i32
      %mul3A_589 = arith.muli %add3A_587, %mul3A_588 : i32
      %get3A_590 = arith.index_cast %mul3A_589 : i32 to index
      %get3A_591 = tpu.vector_load %arg6[%get3A_590] {strides = array<i32>} : memref<50000xf32, #tpu.memory_space<vmem>>, vector<16xf32>,
      %get3A_592 = arith.index_cast %mul3A_589 : i32 to index
      %get3A_593 = tpu.vector_load %arg7[%get3A_592] {strides = array<i32>} : memref<50000xf32, #tpu.memory_space<vmem>>, vector<16xf32>,
      %add3A_594 = arith.addf %get3A_591, %get3A_593 : vector<16xf32>
      %swap3A_595 = arith.index_cast %mul3A_589 : i32 to index
      %swap3A_596 = tpu.vector_load %arg6[%swap3A_595] {strides = array<i32>} : memref<50000xf32, #tpu.memory_space<vmem>>, vector<16xf32>,
      tpu.vector_store %arg6[%swap3A_595], %add3A_594 {strides = array<i32>} : memref<50000xf32, #tpu.memory_space<vmem>>, vector<16xf32>,
      %scan3A_597 = arith.constant 7 : i32
      %scan3A_598 = arith.addi %scan3A_493, %scan3A_597 : i32
      %mul3A_599 = arith.constant 1 : i32
      %mul3A_600 = arith.muli %scan3A_598, %mul3A_599 : i32
      %add3A_601 = arith.constant 0 : i32
      %add3A_602 = arith.addi %add3A_601, %mul3A_600 : i32
      %mul3A_603 = arith.constant 16 : i32
      %mul3A_604 = arith.muli %add3A_602, %mul3A_603 : i32
      %get3A_605 = arith.index_cast %mul3A_604 : i32 to index
      %get3A_606 = tpu.vector_load %arg6[%get3A_605] {strides = array<i32>} : memref<50000xf32, #tpu.memory_space<vmem>>, vector<16xf32>,
      %get3A_607 = arith.index_cast %mul3A_604 : i32 to index
      %get3A_608 = tpu.vector_load %arg7[%get3A_607] {strides = array<i32>} : memref<50000xf32, #tpu.memory_space<vmem>>, vector<16xf32>,
      %add3A_609 = arith.addf %get3A_606, %get3A_608 : vector<16xf32>
      %swap3A_610 = arith.index_cast %mul3A_604 : i32 to index
      %swap3A_611 = tpu.vector_load %arg6[%swap3A_610] {strides = array<i32>} : memref<50000xf32, #tpu.memory_space<vmem>>, vector<16xf32>,
      tpu.vector_store %arg6[%swap3A_610], %add3A_609 {strides = array<i32>} : memref<50000xf32, #tpu.memory_space<vmem>>, vector<16xf32>,
    }
    %scan3A_417 = arith.constant 3120 : i32
    %scan3A_418 = arith.addi %scan3A_413, %scan3A_417 : i32
    %mul3A_419 = arith.constant 1 : i32
    %mul3A_420 = arith.muli %scan3A_418, %mul3A_419 : i32
    %add3A_421 = arith.constant 0 : i32
    %add3A_422 = arith.addi %add3A_421, %mul3A_420 : i32
    %mul3A_423 = arith.constant 16 : i32
    %mul3A_424 = arith.muli %add3A_422, %mul3A_423 : i32
    %get3A_425 = arith.index_cast %mul3A_424 : i32 to index
    %get3A_426 = tpu.vector_load %arg6[%get3A_425] {strides = array<i32>} : memref<50000xf32, #tpu.memory_space<vmem>>, vector<16xf32>,
    %get3A_427 = arith.index_cast %mul3A_424 : i32 to index
    %get3A_428 = tpu.vector_load %arg7[%get3A_427] {strides = array<i32>} : memref<50000xf32, #tpu.memory_space<vmem>>, vector<16xf32>,
    %add3A_429 = arith.addf %get3A_426, %get3A_428 : vector<16xf32>
    %swap3A_430 = arith.index_cast %mul3A_424 : i32 to index
    %swap3A_431 = tpu.vector_load %arg6[%swap3A_430] {strides = array<i32>} : memref<50000xf32, #tpu.memory_space<vmem>>, vector<16xf32>,
    tpu.vector_store %arg6[%swap3A_430], %add3A_429 {strides = array<i32>} : memref<50000xf32, #tpu.memory_space<vmem>>, vector<16xf32>,
    %scan3A_432 = arith.constant 3121 : i32
    %scan3A_433 = arith.addi %scan3A_413, %scan3A_432 : i32
    %mul3A_434 = arith.constant 1 : i32
    %mul3A_435 = arith.muli %scan3A_433, %mul3A_434 : i32
    %add3A_436 = arith.constant 0 : i32
    %add3A_437 = arith.addi %add3A_436, %mul3A_435 : i32
    %mul3A_438 = arith.constant 16 : i32
    %mul3A_439 = arith.muli %add3A_437, %mul3A_438 : i32
    %get3A_440 = arith.index_cast %mul3A_439 : i32 to index
    %get3A_441 = tpu.vector_load %arg6[%get3A_440] {strides = array<i32>} : memref<50000xf32, #tpu.memory_space<vmem>>, vector<16xf32>,
    %get3A_442 = arith.index_cast %mul3A_439 : i32 to index
    %get3A_443 = tpu.vector_load %arg7[%get3A_442] {strides = array<i32>} : memref<50000xf32, #tpu.memory_space<vmem>>, vector<16xf32>,
    %add3A_444 = arith.addf %get3A_441, %get3A_443 : vector<16xf32>
    %swap3A_445 = arith.index_cast %mul3A_439 : i32 to index
    %swap3A_446 = tpu.vector_load %arg6[%swap3A_445] {strides = array<i32>} : memref<50000xf32, #tpu.memory_space<vmem>>, vector<16xf32>,
    tpu.vector_store %arg6[%swap3A_445], %add3A_444 {strides = array<i32>} : memref<50000xf32, #tpu.memory_space<vmem>>, vector<16xf32>,
    %scan3A_447 = arith.constant 3122 : i32
    %scan3A_448 = arith.addi %scan3A_413, %scan3A_447 : i32
    %mul3A_449 = arith.constant 1 : i32
    %mul3A_450 = arith.muli %scan3A_448, %mul3A_449 : i32
    %add3A_451 = arith.constant 0 : i32
    %add3A_452 = arith.addi %add3A_451, %mul3A_450 : i32
    %mul3A_453 = arith.constant 16 : i32
    %mul3A_454 = arith.muli %add3A_452, %mul3A_453 : i32
    %get3A_455 = arith.index_cast %mul3A_454 : i32 to index
    %get3A_456 = tpu.vector_load %arg6[%get3A_455] {strides = array<i32>} : memref<50000xf32, #tpu.memory_space<vmem>>, vector<16xf32>,
    %get3A_457 = arith.index_cast %mul3A_454 : i32 to index
    %get3A_458 = tpu.vector_load %arg7[%get3A_457] {strides = array<i32>} : memref<50000xf32, #tpu.memory_space<vmem>>, vector<16xf32>,
    %add3A_459 = arith.addf %get3A_456, %get3A_458 : vector<16xf32>
    %swap3A_460 = arith.index_cast %mul3A_454 : i32 to index
    %swap3A_461 = tpu.vector_load %arg6[%swap3A_460] {strides = array<i32>} : memref<50000xf32, #tpu.memory_space<vmem>>, vector<16xf32>,
    tpu.vector_store %arg6[%swap3A_460], %add3A_459 {strides = array<i32>} : memref<50000xf32, #tpu.memory_space<vmem>>, vector<16xf32>,
    %scan3A_462 = arith.constant 3123 : i32
    %scan3A_463 = arith.addi %scan3A_413, %scan3A_462 : i32
    %mul3A_464 = arith.constant 1 : i32
    %mul3A_465 = arith.muli %scan3A_463, %mul3A_464 : i32
    %add3A_466 = arith.constant 0 : i32
    %add3A_467 = arith.addi %add3A_466, %mul3A_465 : i32
    %mul3A_468 = arith.constant 16 : i32
    %mul3A_469 = arith.muli %add3A_467, %mul3A_468 : i32
    %get3A_470 = arith.index_cast %mul3A_469 : i32 to index
    %get3A_471 = tpu.vector_load %arg6[%get3A_470] {strides = array<i32>} : memref<50000xf32, #tpu.memory_space<vmem>>, vector<16xf32>,
    %get3A_472 = arith.index_cast %mul3A_469 : i32 to index
    %get3A_473 = tpu.vector_load %arg7[%get3A_472] {strides = array<i32>} : memref<50000xf32, #tpu.memory_space<vmem>>, vector<16xf32>,
    %add3A_474 = arith.addf %get3A_471, %get3A_473 : vector<16xf32>
    %swap3A_475 = arith.index_cast %mul3A_469 : i32 to index
    %swap3A_476 = tpu.vector_load %arg6[%swap3A_475] {strides = array<i32>} : memref<50000xf32, #tpu.memory_space<vmem>>, vector<16xf32>,
    tpu.vector_store %arg6[%swap3A_475], %add3A_474 {strides = array<i32>} : memref<50000xf32, #tpu.memory_space<vmem>>, vector<16xf32>,
    %scan3A_477 = arith.constant 3124 : i32
    %scan3A_478 = arith.addi %scan3A_413, %scan3A_477 : i32
    %mul3A_479 = arith.constant 1 : i32
    %mul3A_480 = arith.muli %scan3A_478, %mul3A_479 : i32
    %add3A_481 = arith.constant 0 : i32
    %add3A_482 = arith.addi %add3A_481, %mul3A_480 : i32
    %mul3A_483 = arith.constant 16 : i32
    %mul3A_484 = arith.muli %add3A_482, %mul3A_483 : i32
    %get3A_485 = arith.index_cast %mul3A_484 : i32 to index
    %get3A_486 = tpu.vector_load %arg6[%get3A_485] {strides = array<i32>} : memref<50000xf32, #tpu.memory_space<vmem>>, vector<16xf32>,
    %get3A_487 = arith.index_cast %mul3A_484 : i32 to index
    %get3A_488 = tpu.vector_load %arg7[%get3A_487] {strides = array<i32>} : memref<50000xf32, #tpu.memory_space<vmem>>, vector<16xf32>,
    %add3A_489 = arith.addf %get3A_486, %get3A_488 : vector<16xf32>
    %swap3A_490 = arith.index_cast %mul3A_484 : i32 to index
    %swap3A_491 = tpu.vector_load %arg6[%swap3A_490] {strides = array<i32>} : memref<50000xf32, #tpu.memory_space<vmem>>, vector<16xf32>,
    tpu.vector_store %arg6[%swap3A_490], %add3A_489 {strides = array<i32>} : memref<50000xf32, #tpu.memory_space<vmem>>, vector<16xf32>,
    %scan3A_492 = arith.constant 3125 : i32
    "tpu.region"() ({
      %run_scoped3A = tpu.sem_alloc : memref<!tpu.dma_semaphore, #tpu.memory_space<semaphore_mem>>
      %dma_start3A_493 = arith.constant 0 : i32
      %dma_start3A_494 = tpu.memref_slice %arg5[%add3A, %dma_start3A_493] : memref<32x50000xf32, #tpu.memory_space<hbm>> -> memref<1x50000xf32, #tpu.memory_space<hbm>>
      %dma_start3A_495 = tpu.memref_squeeze %dma_start3A_494 : memref<1x50000xf32, #tpu.memory_space<hbm>> -> memref<50000xf32, #tpu.memory_space<hbm>>
      %dma_start3A_496 = arith.constant 0 : i32
      %dma_start3A_497 = tpu.memref_slice %arg5[%add3A, %dma_start3A_496] : memref<32x50000xf32, #tpu.memory_space<hbm>> -> memref<1x50000xf32, #tpu.memory_space<hbm>>
      %dma_start3A_498 = tpu.memref_squeeze %dma_start3A_497 : memref<1x50000xf32, #tpu.memory_space<hbm>> -> memref<50000xf32, #tpu.memory_space<hbm>>
      tpu.enqueue_dma source(%arg6 : memref<50000xf32, #tpu.memory_space<vmem>>) target(%dma_start3A_498 : memref<50000xf32, #tpu.memory_space<hbm>>) target_semaphore(%run_scoped3A : memref<!tpu.dma_semaphore, #tpu.memory_space<semaphore_mem>>)
      %dma_wait3A = arith.constant 0 : i32
      %dma_wait3A_499 = tpu.memref_slice %arg5[%add3A, %dma_wait3A] : memref<32x50000xf32, #tpu.memory_space<hbm>> -> memref<1x50000xf32, #tpu.memory_space<hbm>>
      %dma_wait3A_500 = tpu.memref_squeeze %dma_wait3A_499 : memref<1x50000xf32, #tpu.memory_space<hbm>> -> memref<50000xf32, #tpu.memory_space<hbm>>
      %dma_wait3A_501 = arith.constant 0 : i32
      %dma_wait3A_502 = tpu.memref_slice %arg5[%add3A, %dma_wait3A_501] : memref<32x50000xf32, #tpu.memory_space<hbm>> -> memref<1x50000xf32, #tpu.memory_space<hbm>>
      %dma_wait3A_503 = tpu.memref_squeeze %dma_wait3A_502 : memref<1x50000xf32, #tpu.memory_space<hbm>> -> memref<50000xf32, #tpu.memory_space<hbm>>
      tpu.wait_dma2 semaphore(%run_scoped3A : memref<!tpu.dma_semaphore, #tpu.memory_space<semaphore_mem>>) src(%arg6 : memref<50000xf32, #tpu.memory_space<vmem>>) dst(%dma_wait3A_503 : memref<50000xf32, #tpu.memory_space<hbm>>)
      tpu.yield
    }) : () -> ()
    return
  }
}

</mosaic_0001>

<sc_bundles>
// kernel: _run.3.cloned.1.call-start
scs
__scs_entry_jumppad:
0x0: {  	(pc) =	sbr.rel $0x88, $3  }
0x1: {  	(tag) =	ssettag $0x0;
	lr =	simm.s32 $0x1  }
0x2: {  	[smem:$0x3F9E] =	sst lr;
	_ =	strace $0xD0000000  }
0x3: {  	_ = 	snop  }
0x4: {  	_ = 	snop  }
0x5: {  	_ = 	snop  }
0x6: {  	_ = 	snop  }
0x7: {  	_ = 	snop  }
__scs_overlays_trampoline_lowered:
0x8: {  	[smem:$0x3FAD] =	sst s0  }
0x9: {  	[smem:$0x3FAE] =	sst s1  }
0xa: {  	[smem:$0x3FAF] =	sst s2  }
0xb: {  	[smem:$0x3FB0] =	sst s3  }
0xc: {  	[smem:$0x3FB1] =	sst s4  }
0xd: {  	[smem:$0x3FB2] =	sst s5  }
0xe: {  	[smem:$0x3FB3] =	sst s6  }
0xf: {  	[smem:$0x3FB4] =	sst s7  }
0x10: {  	[smem:$0x3FB5] =	sst s8  }
0x11: {  	[smem:$0x3FB6] =	sst s9;
	s0 =	simm.s32 @!p0 $0x0  }
0x12: {  	s1 =	sld [smem:$0x3F9C];
	s0 =	simm.s32 @p0 $0x1  }
0x13: {  	[smem:$0x3FB7] =	sst s0;
	s0 =	simm.s32 @!p1 $0x0  }
0x14: {  	s2 =	sld [smem:$0x3F9B];
	s0 =	simm.s32 @p1 $0x1  }
0x15: {  	[smem:$0x3FB8] =	sst s0;
	s0 =	simm.s32 @!p2 $0x0  }
0x16: {  	s3 =	sld [smem:$0x3FDB];
	s0 =	simm.s32 @p2 $0x1  }
0x17: {  	s4 =	simm.s32 $0x1BF5;
	[smem:$0x3FBA] =	sst s0  }
0x18: {  	s0 =	sld [smem:$0x3F9D];
	_ =	swait.ge [sflag:s4], $0x0  }
0x19: {  	s7 =	sld [smem:$0x3F9E]  }
0x1a: {  	s8 =	sadd.s32 $0xFFFFE003, lr  }
0x1b: {  	s9 =	sadd.s32 $0xFFFFFEF7, lr;
	s5 =	simm.s32 $0xFFFFFFFF;
	p2 =	slt.u32 s8, $0xFFFFF086  }
0x1c: {  	p1 =	slt.u32 s9, $0xF7A;
	s5 =	simm.s32 @!p2 $0x0  }
0x1d: {  	s5 =	simm.s32 @p1 $0x1;
	p0 =	seq.s32 s7, s2  }
0x1e: {  	s7 =	smul.u32 @!p0 $0xF7A, s2;
	p2 =	seq.s32 @!p0 s5, $0x0  }
0x1f: {  	s9 =	smul.u32 $0xF7A, s1;
	s8 =	simm.s32 @!p0 $0x1BF5;
	p2 =	por !p2, p0  }
0x20: {  	[sflag:s8] =	ssyncset.s32 @!p0 $0xFFFFF086;
	s6 =	sadd.s32 @!p0 s3, s7;
	s7 =	simm.s32 @!p0 $0x108  }
0x21: {  	s3 =	sadd.s32 s3, s9;
	s6 =	sadd.s32 @!p0 $0x88, s6;
	s7 =	simm.s32 @p2 $0x1082  }
0x22: {  	[simem:s7], [sflag:s8] =	dma.local @!p0 [hbm:s6], $0xF7A  }
0x23: {  	s9 =	sor.u32 $0xD0000000, s2;
	s6 =	simm.s32 $0x108;
	_ =	swait.ge @!p0 [sflag:s8], $0x0  }
0x24: {  	s3 =	sadd.s32 $0x88, s3;
	s6 =	simm.s32 @!p1 $0x1082;
	[sflag:s4] =	ssyncset.s32 $0xFFFFF086  }
0x25: {  	[simem:s6], [sflag:s4] =	dma.local [hbm:s3], $0xF7A  }
0x26: {  	[smem:$0x3F9E] =	sst s1;
	(tag) =	ssettag s2;
	_ =	strace s9  }
0x27: {  	s1 =	sld [smem:$0x3FAE]  }
0x28: {  	s2 =	sld [smem:$0x3FAF]  }
0x29: {  	s4 =	sld [smem:$0x3FB1]  }
0x2a: {  	p0 =	seq.s32 s5, $0x0;
	s5 =	sld [smem:$0x3FB2]  }
0x2b: {  	s6 =	sld [smem:$0x3FB3]  }
0x2c: {  	s7 =	sld [smem:$0x3FB4]  }
0x2d: {  	s3 =	simm.s32 $0x108;
	s8 =	sld [smem:$0x3FB5]  }
0x2e: {  	s3 =	simm.s32 @!p0 $0x1082;
	s9 =	sld [smem:$0x3FB6]  }
0x2f: {  	lr =	sadd.s32 s0, s3;
	s0 =	sld [smem:$0x3FAD]  }
0x30: {  	s3 =	sld [smem:$0x3FB0]  }
0x31: {  	[smem:$0x3FB9] =	sst s10  }
0x32: {  	s10 =	sld [smem:$0x3FB7];
	_ =	sdelay $0x3  }
0x33: {  	p0 =	seq.s32 s10, $0x1;
	s10 =	sld [smem:$0x3FB9];
	_ =	sdelay $0x3  }
0x34: {  	[smem:$0x3FB9] =	sst s10  }
0x35: {  	s10 =	sld [smem:$0x3FB8];
	_ =	sdelay $0x3  }
0x36: {  	p1 =	seq.s32 s10, $0x1;
	s10 =	sld [smem:$0x3FB9];
	_ =	sdelay $0x3  }
0x37: {  	[smem:$0x3FB9] =	sst s10  }
0x38: {  	s10 =	sld [smem:$0x3FBA]  }
0x39: {  	_ = 	snop;
	(pc) =	sbr.ind lr, $3  }
0x3a: {  	_ = 	snop  }
0x3b: {  	_ = 	snop  }
0x3c: {  	p2 =	seq.s32 s10, $0x1;
	s10 =	sld [smem:$0x3FB9]  }
0x3d: {  	_ =	shalt  }
0x3e: {  	_ =	shalt  }
0x3f: {  	_ =	shalt  }
0x40: {  	_ =	shalt  }
0x41: {  	_ =	shalt  }
0x42: {  	_ =	shalt  }
0x43: {  	_ =	shalt  }
0x44: {  	_ =	shalt  }
0x45: {  	_ =	shalt  }
0x46: {  	_ =	shalt  }
0x47: {  	_ =	shalt  }
0x48: {  	_ =	shalt  }
0x49: {  	_ =	shalt  }
0x4a: {  	_ =	shalt  }
0x4b: {  	_ =	shalt  }
0x4c: {  	_ =	shalt  }
0x4d: {  	_ =	shalt  }
0x4e: {  	_ =	shalt  }
0x4f: {  	_ =	shalt  }
0x50: {  	_ =	shalt  }
0x51: {  	_ =	shalt  }
0x52: {  	_ =	shalt  }
0x53: {  	_ =	shalt  }
0x54: {  	_ =	shalt  }
0x55: {  	_ =	shalt  }
0x56: {  	_ =	shalt  }
0x57: {  	_ =	shalt  }
0x58: {  	_ =	shalt  }
0x59: {  	_ =	shalt  }
0x5a: {  	_ =	shalt  }
0x5b: {  	_ =	shalt  }
0x5c: {  	_ =	shalt  }
0x5d: {  	_ =	shalt  }
0x5e: {  	_ =	shalt  }
0x5f: {  	_ =	shalt  }
0x60: {  	_ =	shalt  }
0x61: {  	_ =	shalt  }
0x62: {  	_ =	shalt  }
0x63: {  	_ =	shalt  }
0x64: {  	_ =	shalt  }
0x65: {  	_ =	shalt  }
0x66: {  	_ =	shalt  }
0x67: {  	_ =	shalt  }
0x68: {  	_ =	shalt  }
0x69: {  	_ =	shalt  }
0x6a: {  	_ =	shalt  }
0x6b: {  	_ =	shalt  }
0x6c: {  	_ =	shalt  }
0x6d: {  	_ =	shalt  }
0x6e: {  	_ =	shalt  }
0x6f: {  	_ =	shalt  }
0x70: {  	_ =	shalt  }
0x71: {  	_ =	shalt  }
0x72: {  	_ =	shalt  }
0x73: {  	_ =	shalt  }
0x74: {  	_ =	shalt  }
0x75: {  	_ =	shalt  }
0x76: {  	_ =	shalt  }
0x77: {  	_ =	shalt  }
0x78: {  	_ =	shalt  }
0x79: {  	_ =	shalt  }
0x7a: {  	_ =	shalt  }
0x7b: {  	_ =	shalt  }
0x7c: {  	_ =	shalt  }
0x7d: {  	_ =	shalt  }
0x7e: {  	_ =	shalt  }
0x7f: {  	_ =	shalt  }
0x80: {  	_ =	shalt  }
0x81: {  	_ =	shalt  }
0x82: {  	_ =	shalt  }
0x83: {  	_ =	shalt  }
0x84: {  	_ =	shalt  }
0x85: {  	_ =	shalt  }
0x86: {  	_ =	shalt  }
0x87: {  	_ =	shalt  }
.Lfunc_end0:
.L_simem_size_0:
called_computation_lowered:
.L_overlay_start_0:
0x88: {  	s2 =	sld [smem:$0x3FD9]  }
0x89: {  	s3 =	sld [smem:$0x3FFE];
	_ =	sdelay $0x1  }
0x8a: {  	s1 =	srdreg.scid  }
0x8b: {  	s0 =	sand.u32 $0x1, s1  }
0x8c: {  	s18 =	sshll.u32 s0, $0xA;
	s2 =	sadd.s32 s3, s2  }
0x8d: {  	s2 =	sadd.s32 s2, s18  }
0x8e: {  	[smem:$0x3FC5] =	sst s2  }
0x8f: {  	_ = 	snop  }
0x90: {  	s2 =	sld [smem:$0x3FC9]  }
0x91: {  	s19 =	sld [smem:$0x3FC8]  }
0x92: {  	s4 =	sld [smem:$0x3FC7]  }
0x93: {  	s5 =	sld [smem:$0x3FD0];
	(tm) =	ssettm $0x1  }
0x94: {  	s6 =	sld [smem:$0x3FFB];
	_ =	sdelay $0x3  }
0x95: {  	_ =	strace s6  }
0x96: {  	s6 =	sld [smem:$0x3FFC];
	_ =	sdelay $0x3  }
0x97: {  	_ =	strace s6  }
0x98: {  	s6 =	sld [smem:$0x3FFD];
	_ =	sdelay $0x3  }
0x99: {  	_ =	strace s6  }
0x9a: {  	_ =	strace $0x8FFFFFFF  }
0x9b: {  	s20 =	sld [smem:$0x3FDB];
	_ =	sdelay $0x1  }
0x9c: {  	s7 =	simm.s32 $_scs_section_size  }
0x9d: {  	s8 =	simm.s32 $_size__tile_overlayer_lowered;
	s9 =	simm.s32 $_tile_overlayer_lowered  }
0x9e: {  	s23 =	simm.s32 $0x1BFF;
	s22 =	sshll.u32 s9, $0x1;
	s6 =	sadd.s32 s7, s20  }
0x9f: {  	s10 =	simm.s32 $0x0;
	s21 =	sshll.u32 s8, $0x1;
	s8 =	sadd.s32 s22, s6  }
0xa0: {  	[timem:s10], [sflag:s23] =	dma.local [hbm:s8], s21  }
0xa1: {  	_ =	swait.ge [sflag:s23], s21  }
0xa2: {  	s7 =	ssub.s32 $0x0, s21;
	[sflag:s23] =	ssyncset.done $0x0  }
0xa3: {  	[sflag:s23] =	ssyncadd.s32 s7;
	_ =	sdelay $0x1  }
0xa4: {  	s24 =	simm.s32 $0x1B8B  }
0xa5: {  	_ =	swait.ge [sflag:s24], $0x1  }
0xa6: {  	[sflag:s24] =	ssyncset.done $0x0  }
0xa7: {  	s25 =	simm.s32 $0x1B8E;
	[sflag:s24] =	ssyncadd.s32 $0xFFFFFFFF  }
0xa8: {  	s26 =	simm.s32 $execute0_lowered;
	[smem:$0x3FD2] =	sst s25  }
0xa9: {  	s7 =	sshll.u32 s26, $0x1;
	_ =	strace $0x80000046;
	[dreg:$0x1] =	wrdreg $0xFFFFFFFF  }
0xaa: {  	s28 =	simm.s32 $_size_execute0_lowered;
	s6 =	sadd.s32 s6, s7;
	[dreg:$0x0] =	wrdreg $0x0  }
0xab: {  	s7 =	sshll.u32 s28, $0x1;
	[dreg:$0x2] =	wrdreg s6  }
0xac: {  	[dreg:$0x3] =	wrdreg s7  }
0xad: {  	[dreg:$0x4] =	wrdreg $0xC0  }
0xae: {  	_ =	task [dreg:s10], $0x5FFFF  }
0xaf: {  	[dreg:$0x1] =	wrdreg $0xFFFFFFFF  }
0xb0: {  	[dreg:$0x0] =	wrdreg $0x60  }
0xb1: {  	[dreg:$0x2] =	wrdreg s2  }
0xb2: {  	[dreg:$0x3] =	wrdreg s19  }
0xb3: {  	[dreg:$0x4] =	wrdreg s4  }
0xb4: {  	[dreg:$0x5] =	wrdreg s5  }
0xb5: {  	[dreg:$0x6] =	wrdreg $0x9  }
0xb6: {  	_ =	task.clear_ibuf [dreg:s10], $0x7FFFF;
	_ =	strace $0x90000046  }
0xb7: {  	s29 =	simm.s32 $0x9;
	_ =	strace $0x80000048  }
0xb8: {  	_ =	swait.ge [sflag:s29], $0x1  }
0xb9: {  	[sflag:s29] =	ssyncadd.s32 $0xFFFFFFFF  }
0xba: {  	_ =	strace $0x90000048  }
0xbb: {  	_ =	sfence  }
0xbc: {  	s30 =	sld [smem:$0x0];
	_ =	sdelay $0x2  }
0xbd: {  	s31 =	sshll.u32 s1, $0xD;
	s1 =	sshrl.u32 s1, $0x2  }
0xbe: {  	s3 =	sand.u32 $0x4000, s31;
	s1 =	sadd.s32 s1, s30  }
0xbf: {  	s0 =	sor.u32 s3, s0;
	s1 =	sshll.u32 s1, $0x11  }
0xc0: {  	s0 =	sor.u32 s1, s0  }
0xc1: {  	s0 =	sadd.s32 $0x8F2B, s0  }
0xc2: {  	[sflag:s0] =	ssyncadd.remote.s32 $0x1  }
0xc3: {  	_ =	sfence.sel $0xFFFF  }
0xc4: {  	[dreg:$0x0] =	wrdreg $0xFFFFFFFF;
	(pc) =	sbr.abs _section_cstart, $3  }
0xc5: {  	[dreg:$0x1] =	wrdreg $0xFFFFFFFF  }
0xc6: {  	_ =	task.clear_ibuf [dreg:s10], $0x2FFFF;
	_ =	strace $0x9FFFFFFF  }
0xc7: {  	(tm) =	ssettm $0x7FFFFFFF  }
tec
execute0_lowered:
.L_overlay_start_1:
0x0: {  	(tag) =	ssettag $0x1  }
0x1: {  	s5 =	rddreg [dreg:$0x0]  }
0x2: {  	s1 =	rddreg [dreg:$0x1]  }
0x3: {  	s2 =	rddreg [dreg:$0x2]  }
0x4: {  	s8 =	rddreg [dreg:$0x3];
	s3 =	srdreg.scid  }
0x5: {  	s0 =	stileid.u32;
	s11 =	simm.s32 $0x400;
	s12 =	simm.s32 $0x3  }
0x6: {  	s13 =	simm.s32 $0x18700;
	s14 =	simm.s32 $0x1B900;
	s15 =	simm.s32 $0x1A000  }
0x7: {  	s16 =	simm.s32 $0x1C580;
	s17 =	simm.s32 $0x1;
	s18 =	simm.s32 $0xC380  }
0x8: {  	s19 =	simm.s32 $0x2;
	s20 =	simm.s32 $0x0;
	s6 =	sand.u32 $0x1, s3  }
0x9: {  	s30 =	sshrl.u32 s0, $0x2;
	s4 =	sshll.u32 s0, $0x8;
	s3 =	rddreg [dreg:$0x4]  }
0xa: {  	s7 =	smul.u32 $0x61C00, s30;
	s9 =	sshll.u32 s6, $0x7;
	s4 =	sand.u32 $0x300, s4  }
0xb: {  	s6 =	ssub.s32 $0x2, s6;
	s9 =	sor.u32 s9, s4;
	s4 =	simm.s32 $0x0  }
0xc: {  	s31 =	sshrl.u32 s6, $0x1;
	s7 =	sor.u32 s7, s9;
	[smem:$0x7FF] =	sst s4  }
0xd: {  	s9 =	ssub.s32 s6, s31;
	s6 =	sadd.s32 $0x320, s1;
	s10 =	sshrl.u32 s7, $0x3  }
0xe: {  	_ =	strace $0x80000047;
	s7 =	sadd.s32 $0x190, s2;
	s9 =	smax.u32 s9, $0x1  }
0xf: {  	v0 =	vimm.f32 $0.0e+00;
	s5 =	sadd.s32 s5, s10;
	s8 =	sadd.s32 s8, s10;
	s10 =	simm.s32 $0x80  }
.LBB2_1:
0x10: {  	[tilespmem:s4], [sflag:$0x3] =	stream.strided.gather [hbm4b:s5+s10], $0xC380, s11, s10, $0x38;
	[tilespmem:$0x1D200] =	vst v63  }
0x11: {  	_ =	swait.ge [sflag:s12], $0xC380  }
0x12: {  	[sflag:s12] =	ssyncset.done $0x0  }
0x13: {  	s21 =	simm.s32 $0xC3C0;
	[sflag:s12] =	ssyncadd.s32 $0xFFFF3C80  }
0x14: {  	[tilespmem:s21+$0xFFFFFFC0] =	vst v0  }
0x15: {  	[tilespmem:s21+$0x30] =	vst v0  }
0x16: {  	[tilespmem:s21+$0x20] =	vst v0  }
0x17: {  	[tilespmem:s21+$0x10] =	vst v0  }
0x18: {  	[tilespmem:s21+$0x0] =	vst v0  }
0x19: {  	[tilespmem:s21+$0xFFFFFFF0] =	vst v0  }
0x1a: {  	s22 =	simm.s32 $0x0;
	[tilespmem:s21+$0xFFFFFFE0] =	vst v0  }
.LBB2_2:
0x1b: {  	s22 =	sadd.s32 $0x8, s22;
	[tilespmem:s21+$0xFFFFFFD0] =	vst v0;
	s21 =	sadd.s32 $0x80, s21  }
0x1c: {  	[tilespmem:s21+$0xFFFFFFC0] =	vst v0;
	p0 =	slt.u32 s22, $0xC28  }
0x1d: {  	[tilespmem:s21+$0x30] =	vst v0  }
.Ltmp0:
0x1e: {  	[tilespmem:s21+$0x20] =	vst v0;
	(pc) =	sbr.rel @p0 .LBB2_2-.Ltmp0, $4  }
0x1f: {  	[tilespmem:s21+$0x10] =	vst v0  }
0x20: {  	[tilespmem:s21+$0x0] =	vst v0  }
0x21: {  	[tilespmem:s21+$0xFFFFFFF0] =	vst v0  }
0x22: {  	[tilespmem:s21+$0xFFFFFFE0] =	vst v0  }
0x23: {  	[tilespmem:s21+$0xFFFFFFD0] =	vst v0  }
0x24: {  	[tilespmem:$0x18680] =	vst v0  }
0x25: {  	[tilespmem:$0x18690] =	vst v0  }
0x26: {  	[tilespmem:$0x186A0] =	vst v0  }
0x27: {  	[tilespmem:$0x186B0] =	vst v0  }
0x28: {  	s21 =	simm.s32 $0x0;
	[tilespmem:$0x186C0] =	vst v0  }
0x29: {  	[tilespmem:s13], [sflag:$0x1] =	stream.linear.gather [hbm4b:s1+s21], $0x1900, $0x38;
	[tilespmem:$0x1D200] =	vst v63  }
0x2a: {  	_ = 	snop  }
0x2b: {  	[tilespmem:s14], [sflag:$0x1] =	stream.linear.gather [hbm4b:s2+s21], $0xC80, $0x38;
	[tilespmem:$0x1D200] =	vst v63  }
0x2c: {  	_ = 	snop  }
0x2d: {  	[tilespmem:s15], [sflag:$0x2] =	stream.linear.gather [hbm4b:s6+s21], $0x1900, $0x38;
	[tilespmem:$0x1D200] =	vst v63  }
0x2e: {  	_ = 	snop  }
0x2f: {  	[tilespmem:s16], [sflag:$0x2] =	stream.linear.gather [hbm4b:s7+s21], $0xC80, $0x38;
	[tilespmem:$0x1D200] =	vst v63  }
.LBB2_4:
0x30: {  	_ =	swait.ge [sflag:s17], $0x1900  }
0x31: {  	[sflag:s17] =	ssyncset.done $0x0  }
0x32: {  	[sflag:s17] =	ssyncadd.s32 $0xFFFFE700  }
0x33: {  	_ =	swait.ge [sflag:s17], $0xC80  }
0x34: {  	[sflag:s17] =	ssyncset.done $0x0  }
0x35: {  	s22 =	simm.s32 $0x18740;
	[sflag:s17] =	ssyncadd.s32 $0xFFFFF380  }
0x36: {  	v1 =	vld [tilespmem:s22+$0x20];
	_ =	sdelay $0x4  }
0x37: {  	v2 =	vld [tilespmem:s22+$0xFFFFFFC0];
	v4 =	vshrl.u32 v1, $0x10  }
0x38: {  	v5 =	vld [tilespmem:s22+$0x0];
	_ =	sdelay $0x1  }
0x39: {  	s23 =	simm.s32 $0x1B920  }
0x3a: {  	v7 =	vld [tilespmem:s23+$0x10]  }
0x3b: {  	v6 =	vshrl.u32 v2, $0x10;
	v4 =	vld.idx.msk [tilespmem:v4+s4+$0x0], $0xffff  }
0x3c: {  	v3 =	vld [tilespmem:s22+$0xFFFFFFE0];
	v9 =	vshrl.u32 v5, $0x10  }
0x3d: {  	v10 =	vld [tilespmem:s23+$0xFFFFFFF0];
	v1 =	vand.u32 $0xFFFF, v1  }
0x3e: {  	v11 =	vld [tilespmem:s23+$0x0]  }
0x3f: {  	v12 =	vld [tilespmem:s23+$0xFFFFFFE0];
	v13 =	vshll.u32 v7, $0x10  }
0x40: {  	v6 =	vld.idx.msk [tilespmem:v6+s4+$0x0], $0xffff;
	v4 =	vmul.f32 v13, v4  }
0x41: {  	s26 =	simm.s32 $0x60;
	v9 =	vld.idx.msk [tilespmem:v9+s4+$0x0], $0xffff  }
0x42: {  	s23 =	sor.u32 $0x70, s26;
	v8 =	vshrl.u32 v3, $0x10;
	[tilespmem:v1+s18+$0x0] =	vst.idx.add.f32.msk $0xffff, v4  }
0x43: {  	v2 =	vand.u32 $0xFFFF, v2;
	v1 =	vld [tilespmem:s23+$0x18700]  }
0x44: {  	s24 =	simm.s32 $0x187C0  }
0x45: {  	v14 =	vld [tilespmem:s24+$0xFFFFFFE0];
	v5 =	vand.u32 $0xFFFF, v5;
	v4 =	vshll.u32 v12, $0x10  }
0x46: {  	v16 =	vld [tilespmem:s24+$0x0];
	v4 =	vmul.f32 v4, v6  }
0x47: {  	v8 =	vld.idx.msk [tilespmem:v8+s4+$0x0], $0xffff;
	v13 =	vshll.u32 v11, $0x10  }
0x48: {  	[tilespmem:v2+s18+$0x0] =	vst.idx.add.f32.msk $0xffff, v4;
	v2 =	vmul.f32 v13, v9;
	v4 =	vshrl.u32 v1, $0x10  }
0x49: {  	v3 =	vand.u32 $0xFFFF, v3;
	v9 =	vld [tilespmem:s24+$0xFFFFFFC0]  }
0x4a: {  	[tilespmem:v5+s18+$0x0] =	vst.idx.add.f32.msk $0xffff, v2  }
0x4b: {  	v6 =	vshll.u32 v10, $0x10;
	v2 =	vld [tilespmem:s24+$0x20]  }
0x4c: {  	v6 =	vmul.f32 v6, v8;
	v8 =	vld [tilespmem:s22+$0xFFFFFFD0]  }
0x4d: {  	s28 =	simm.s32 $0x20;
	v4 =	vld.idx.msk [tilespmem:v4+s4+$0x0], $0xffff  }
0x4e: {  	s29 =	simm.s32 $0x40;
	[tilespmem:v3+s18+$0x0] =	vst.idx.add.f32.msk $0xffff, v6;
	s22 =	sor.u32 $0x30, s28  }
0x4f: {  	s30 =	sor.u32 $0x50, s29;
	v3 =	vld [tilespmem:s22+$0x18700];
	v13 =	vand.u32 $0xFFFF, v1  }
0x50: {  	s22 =	simm.s32 $0x1B960;
	v6 =	vld [tilespmem:s30+$0x18700];
	v15 =	vshrl.u32 v2, $0x10  }
0x51: {  	v1 =	vand.u32 $0xFFFF0000, v7;
	v17 =	vld [tilespmem:s22+$0xFFFFFFF0]  }
0x52: {  	v19 =	vld [tilespmem:s22+$0x0];
	v7 =	vshrl.u32 v9, $0x10;
	v4 =	vmul.f32 v1, v4  }
0x53: {  	v5 =	vshrl.u32 v8, $0x10;
	v1 =	vld [tilespmem:s22+$0x10]  }
0x54: {  	[tilespmem:v13+s18+$0x0] =	vst.idx.add.f32.msk $0xffff, v4;
	v4 =	vshrl.u32 v14, $0x10  }
0x55: {  	v13 =	vld.idx.msk [tilespmem:v15+s4+$0x0], $0xffff;
	v15 =	vshrl.u32 v16, $0x10  }
0x56: {  	v20 =	vld [tilespmem:s22+$0xFFFFFFE0];
	v18 =	vshrl.u32 v3, $0x10  }
0x57: {  	v2 =	vand.u32 $0xFFFF, v2;
	v21 =	vld.idx.msk [tilespmem:v7+s4+$0x0], $0xffff  }
0x58: {  	v5 =	vld.idx.msk [tilespmem:v5+s4+$0x0], $0xffff  }
0x59: {  	v22 =	vshrl.u32 v6, $0x10;
	v7 =	vshll.u32 v1, $0x10;
	v4 =	vld.idx.msk [tilespmem:v4+s4+$0x0], $0xffff  }
0x5a: {  	v8 =	vand.u32 $0xFFFF, v8;
	v15 =	vld.idx.msk [tilespmem:v15+s4+$0x0], $0xffff;
	v7 =	vmul.f32 v7, v13  }
0x5b: {  	s23 =	simm.s32 $0xE0;
	v9 =	vand.u32 $0xFFFF, v9;
	v13 =	vld.idx.msk [tilespmem:v18+s4+$0x0], $0xffff  }
0x5c: {  	v12 =	vand.u32 $0xFFFF0000, v12;
	s25 =	sor.u32 $0x70, s23;
	[tilespmem:v2+s18+$0x0] =	vst.idx.add.f32.msk $0xffff, v7  }
0x5d: {  	v14 =	vand.u32 $0xFFFF, v14;
	v5 =	vmul.f32 v12, v5;
	v12 =	vshll.u32 v20, $0x10;
	v7 =	vld [tilespmem:s25+$0x18700]  }
0x5e: {  	v62 =	vld.idx.msk [tilespmem:v22+s4+$0x0], $0xffff;
	v12 =	vmul.f32 v12, v21;
	v2 =	vand.u32 $0xFFFF, v16  }
0x5f: {  	v61 =	vshll.u32 v17, $0x10;
	[tilespmem:v8+s18+$0x0] =	vst.idx.add.f32.msk $0xffff, v5  }
0x60: {  	v63 =	vshll.u32 v19, $0x10;
	[tilespmem:v9+s18+$0x0] =	vst.idx.add.f32.msk $0xffff, v12;
	v4 =	vmul.f32 v61, v4  }
0x61: {  	v8 =	vand.u32 $0xFFFF0000, v10;
	v10 =	vld [tilespmem:s24+$0xFFFFFFD0];
	v5 =	vmul.f32 v63, v15  }
0x62: {  	s31 =	simm.s32 $0xA0;
	v8 =	vmul.f32 v8, v13;
	[tilespmem:v14+s18+$0x0] =	vst.idx.add.f32.msk $0xffff, v4;
	v13 =	vshrl.u32 v7, $0x10  }
0x63: {  	s26 =	simm.s32 $0xC0;
	v9 =	vand.u32 $0xFFFF0000, v11;
	s25 =	sor.u32 $0x30, s31;
	[tilespmem:v2+s18+$0x0] =	vst.idx.add.f32.msk $0xffff, v5  }
0x64: {  	s26 =	sor.u32 $0x50, s26;
	v9 =	vmul.f32 v9, v62;
	v5 =	vand.u32 $0xFFFF, v3;
	v3 =	vand.u32 $0xFFFF, v6;
	v11 =	vld [tilespmem:s25+$0x18700]  }
0x65: {  	s24 =	simm.s32 $0x4;
	v4 =	vand.u32 $0xFFFF0000, v17;
	v2 =	vand.u32 $0xFFFF0000, v19;
	v6 =	vand.u32 $0xFFFF0000, v20;
	v12 =	vld [tilespmem:s26+$0x18700];
	s25 =	simm.s32 $0x18840  }
.LBB2_5:
0x66: {  	v14 =	vld [tilespmem:s25+$0x20];
	s24 =	sadd.s32 $0x4, s24  }
0x67: {  	p0 =	slt.u32 s24, $0xC4;
	v13 =	vld.idx.msk [tilespmem:v13+s4+$0x0], $0xffff  }
0x68: {  	v15 =	vld [tilespmem:s25+$0xFFFFFFC0];
	v16 =	vshrl.u32 v10, $0x10;
	v10 =	vand.u32 $0xFFFF, v10  }
0x69: {  	v17 =	vld [tilespmem:s25+$0xFFFFFFE0];
	v18 =	vshrl.u32 v11, $0x10;
	v11 =	vand.u32 $0xFFFF, v11  }
0x6a: {  	v7 =	vand.u32 $0xFFFF, v7;
	v19 =	vld [tilespmem:s25+$0x0];
	v20 =	vshrl.u32 v12, $0x10;
	v12 =	vand.u32 $0xFFFF, v12  }
0x6b: {  	v21 =	vshrl.u32 v14, $0x10;
	[tilespmem:v5+s18+$0x0] =	vst.idx.add.f32.msk $0xffff, v8;
	v5 =	vmov v11  }
0x6c: {  	v1 =	vand.u32 $0xFFFF0000, v1;
	[tilespmem:v3+s18+$0x0] =	vst.idx.add.f32.msk $0xffff, v9;
	v3 =	vmov v12  }
0x6d: {  	s22 =	sadd.s32 $0x40, s22;
	v12 =	vmul.f32 v1, v13;
	v8 =	vshrl.u32 v15, $0x10;
	v9 =	vand.u32 $0xFFFF, v15;
	v11 =	vld.idx.msk [tilespmem:v16+s4+$0x0], $0xffff  }
0x6e: {  	v13 =	vshrl.u32 v17, $0x10;
	v15 =	vand.u32 $0xFFFF, v17;
	v1 =	vld [tilespmem:s22+$0x10]  }
0x6f: {  	v16 =	vshrl.u32 v19, $0x10;
	v17 =	vand.u32 $0xFFFF, v19;
	[tilespmem:v7+s18+$0x0] =	vst.idx.add.f32.msk $0xffff, v12  }
0x70: {  	v7 =	vld.idx.msk [tilespmem:v21+s4+$0x0], $0xffff  }
0x71: {  	v12 =	vld [tilespmem:s22+$0xFFFFFFF0]  }
0x72: {  	v19 =	vld [tilespmem:s22+$0x0]  }
0x73: {  	v14 =	vand.u32 $0xFFFF, v14;
	v11 =	vmul.f32 v6, v11;
	v21 =	vld [tilespmem:s22+$0xFFFFFFE0]  }
0x74: {  	v8 =	vld.idx.msk [tilespmem:v8+s4+$0x0], $0xffff  }
0x75: {  	v6 =	vshll.u32 v1, $0x10;
	v13 =	vld.idx.msk [tilespmem:v13+s4+$0x0], $0xffff  }
0x76: {  	v7 =	vmul.f32 v6, v7;
	v22 =	vshll.u32 v12, $0x10;
	v12 =	vand.u32 $0xFFFF0000, v12;
	v16 =	vld.idx.msk [tilespmem:v16+s4+$0x0], $0xffff  }
0x77: {  	s23 =	sadd.s32 $0x80, s23;
	v23 =	vshll.u32 v19, $0x10;
	v19 =	vand.u32 $0xFFFF0000, v19;
	v18 =	vld.idx.msk [tilespmem:v18+s4+$0x0], $0xffff  }
0x78: {  	s26 =	sadd.s32 $0xFFFFFFC0, s23;
	s28 =	sadd.s32 $0xFFFFFFE0, s23;
	s29 =	sor.u32 $0x70, s23;
	v24 =	vshll.u32 v21, $0x10;
	v6 =	vand.u32 $0xFFFF0000, v21;
	[tilespmem:v14+s18+$0x0] =	vst.idx.add.f32.msk $0xffff, v7  }
0x79: {  	s26 =	sor.u32 $0x30, s26;
	s28 =	sor.u32 $0x50, s28;
	v7 =	vld [tilespmem:s29+$0x18700]  }
0x7a: {  	v8 =	vmul.f32 v24, v8;
	v14 =	vld.idx.msk [tilespmem:v20+s4+$0x0], $0xffff  }
0x7b: {  	v13 =	vmul.f32 v22, v13;
	[tilespmem:v10+s18+$0x0] =	vst.idx.add.f32.msk $0xffff, v11  }
0x7c: {  	[tilespmem:v9+s18+$0x0] =	vst.idx.add.f32.msk $0xffff, v8;
	v9 =	vmul.f32 v23, v16  }
.Ltmp1:
0x7d: {  	v8 =	vmul.f32 v4, v18;
	v4 =	vmov v12;
	[tilespmem:v15+s18+$0x0] =	vst.idx.add.f32.msk $0xffff, v13;
	(pc) =	sbr.rel @p0 .LBB2_5-.Ltmp1, $4  }
0x7e: {  	[tilespmem:v17+s18+$0x0] =	vst.idx.add.f32.msk $0xffff, v9;
	v13 =	vshrl.u32 v7, $0x10  }
0x7f: {  	v10 =	vld [tilespmem:s25+$0xFFFFFFD0]  }
0x80: {  	v9 =	vmul.f32 v2, v14;
	v2 =	vmov v19;
	v11 =	vld [tilespmem:s26+$0x18700]  }
0x81: {  	s25 =	sadd.s32 $0x80, s25;
	v12 =	vld [tilespmem:s28+$0x18700]  }
0x82: {  	_ =	sdelay $0x1  }
0x83: {  	v14 =	vshrl.u32 v10, $0x10  }
0x84: {  	v15 =	vshrl.u32 v11, $0x10  }
0x85: {  	v16 =	vshrl.u32 v12, $0x10;
	_ =	sdelay $0x1  }
0x86: {  	v13 =	vld.idx.msk [tilespmem:v13+s4+$0x0], $0xffff  }
0x87: {  	v14 =	vld.idx.msk [tilespmem:v14+s4+$0x0], $0xffff  }
0x88: {  	v7 =	vand.u32 $0xFFFF, v7;
	v15 =	vld.idx.msk [tilespmem:v15+s4+$0x0], $0xffff  }
0x89: {  	v10 =	vand.u32 $0xFFFF, v10;
	v16 =	vld.idx.msk [tilespmem:v16+s4+$0x0], $0xffff  }
0x8a: {  	v1 =	vand.u32 $0xFFFF0000, v1;
	v11 =	vand.u32 $0xFFFF, v11  }
0x8b: {  	[tilespmem:v5+s18+$0x0] =	vst.idx.add.f32.msk $0xffff, v8;
	v12 =	vand.u32 $0xFFFF, v12;
	v1 =	vmul.f32 v1, v13  }
0x8c: {  	s22 =	sshll.u32 s21, $0x1;
	p0 =	seq.s32 s21, $0x7C;
	[tilespmem:v3+s18+$0x0] =	vst.idx.add.f32.msk $0xffff, v9;
	v3 =	vmul.f32 v6, v14  }
0x8d: {  	s23 =	sadd.s32 @!p0 $0x2, s22;
	[tilespmem:v7+s18+$0x0] =	vst.idx.add.f32.msk $0xffff, v1;
	v1 =	vmul.f32 v4, v15  }
0x8e: {  	s24 =	smul.u32 @!p0 $0x320, s23;
	[tilespmem:v10+s18+$0x0] =	vst.idx.add.f32.msk $0xffff, v3;
	v2 =	vmul.f32 v2, v16  }
0x8f: {  	s25 =	simm.s32 @!p0 $0x0;
	[tilespmem:v11+s18+$0x0] =	vst.idx.add.f32.msk $0xffff, v1  }
0x90: {  	s26 =	simm.s32 @!p0 $0x18700;
	s23 =	smul.u32 @!p0 $0x190, s23;
	s24 =	sadd.s32 @!p0 s1, s24;
	[tilespmem:v12+s18+$0x0] =	vst.idx.add.f32.msk $0xffff, v2  }
0x91: {  	[tilespmem:s26], [sflag:$0x1] =	stream.linear.gather @!p0 [hbm4b:s24+s25], $0x1900, $0x38;
	[tilespmem:$0x1D200] =	vst v63  }
0x92: {  	s23 =	sadd.s32 @!p0 s2, s23;
	s24 =	simm.s32 @!p0 $0x1B900  }
0x93: {  	[tilespmem:s24], [sflag:$0x1] =	stream.linear.gather @!p0 [hbm4b:s23+s25], $0xC80, $0x38;
	[tilespmem:$0x1D200] =	vst v63  }
0x94: {  	_ =	swait.ge [sflag:s19], $0x1900  }
0x95: {  	[sflag:s19] =	ssyncset.done $0x0  }
0x96: {  	[sflag:s19] =	ssyncadd.s32 $0xFFFFE700  }
0x97: {  	_ =	swait.ge [sflag:s19], $0xC80  }
0x98: {  	[sflag:s19] =	ssyncset.done $0x0  }
0x99: {  	s30 =	simm.s32 $0x1A040;
	[sflag:s19] =	ssyncadd.s32 $0xFFFFF380  }
0x9a: {  	v1 =	vld [tilespmem:s30+$0x20];
	_ =	sdelay $0x4  }
0x9b: {  	v2 =	vld [tilespmem:s30+$0xFFFFFFC0];
	v4 =	vshrl.u32 v1, $0x10  }
0x9c: {  	v5 =	vld [tilespmem:s30+$0x0];
	_ =	sdelay $0x1  }
0x9d: {  	s31 =	simm.s32 $0x1C5A0  }
0x9e: {  	v7 =	vld [tilespmem:s31+$0x10]  }
0x9f: {  	v6 =	vshrl.u32 v2, $0x10;
	v4 =	vld.idx.msk [tilespmem:v4+s4+$0x0], $0xffff  }
0xa0: {  	v9 =	vshrl.u32 v5, $0x10  }
0xa1: {  	v3 =	vld [tilespmem:s30+$0xFFFFFFE0];
	v1 =	vand.u32 $0xFFFF, v1  }
0xa2: {  	v11 =	vld [tilespmem:s31+$0x0]  }
0xa3: {  	v12 =	vld [tilespmem:s31+$0xFFFFFFE0];
	v13 =	vshll.u32 v7, $0x10  }
0xa4: {  	v6 =	vld.idx.msk [tilespmem:v6+s4+$0x0], $0xffff;
	v4 =	vmul.f32 v13, v4  }
0xa5: {  	s25 =	simm.s32 $0x60;
	v9 =	vld.idx.msk [tilespmem:v9+s4+$0x0], $0xffff  }
0xa6: {  	s24 =	sor.u32 $0x70, s25;
	v8 =	vshrl.u32 v3, $0x10;
	[tilespmem:v1+s18+$0x0] =	vst.idx.add.f32.msk $0xffff, v4  }
0xa7: {  	v2 =	vand.u32 $0xFFFF, v2;
	v1 =	vld [tilespmem:s24+$0x1A000]  }
0xa8: {  	s25 =	simm.s32 $0x1A0C0;
	v10 =	vld [tilespmem:s31+$0xFFFFFFF0]  }
0xa9: {  	v14 =	vld [tilespmem:s25+$0xFFFFFFE0];
	v5 =	vand.u32 $0xFFFF, v5;
	v4 =	vshll.u32 v12, $0x10  }
0xaa: {  	v60 =	vld [tilespmem:s25+$0x0];
	v4 =	vmul.f32 v4, v6  }
0xab: {  	v8 =	vld.idx.msk [tilespmem:v8+s4+$0x0], $0xffff;
	v13 =	vshll.u32 v11, $0x10  }
0xac: {  	[tilespmem:v2+s18+$0x0] =	vst.idx.add.f32.msk $0xffff, v4;
	v2 =	vmul.f32 v13, v9;
	v4 =	vshrl.u32 v1, $0x10  }
0xad: {  	v3 =	vand.u32 $0xFFFF, v3;
	v9 =	vld [tilespmem:s25+$0xFFFFFFC0]  }
0xae: {  	[tilespmem:v5+s18+$0x0] =	vst.idx.add.f32.msk $0xffff, v2  }
0xaf: {  	v6 =	vshll.u32 v10, $0x10;
	v2 =	vld [tilespmem:s25+$0x20]  }
0xb0: {  	v6 =	vmul.f32 v6, v8;
	v8 =	vld [tilespmem:s30+$0xFFFFFFD0]  }
0xb1: {  	s26 =	simm.s32 $0x20;
	v4 =	vld.idx.msk [tilespmem:v4+s4+$0x0], $0xffff  }
0xb2: {  	s28 =	simm.s32 $0x40;
	s23 =	sor.u32 $0x30, s26;
	[tilespmem:v3+s18+$0x0] =	vst.idx.add.f32.msk $0xffff, v6  }
0xb3: {  	s29 =	sor.u32 $0x50, s28;
	v3 =	vld [tilespmem:s23+$0x1A000];
	v13 =	vand.u32 $0xFFFF, v1  }
0xb4: {  	s23 =	simm.s32 $0x1C5E0;
	v6 =	vld [tilespmem:s29+$0x1A000];
	v15 =	vshrl.u32 v2, $0x10  }
0xb5: {  	v1 =	vand.u32 $0xFFFF0000, v7;
	v17 =	vld [tilespmem:s23+$0xFFFFFFF0]  }
0xb6: {  	v19 =	vld [tilespmem:s23+$0x0];
	v7 =	vshrl.u32 v9, $0x10;
	v4 =	vmul.f32 v1, v4  }
0xb7: {  	v5 =	vshrl.u32 v8, $0x10;
	v1 =	vld [tilespmem:s23+$0x10]  }
0xb8: {  	[tilespmem:v13+s18+$0x0] =	vst.idx.add.f32.msk $0xffff, v4;
	v4 =	vshrl.u32 v14, $0x10  }
0xb9: {  	v13 =	vld.idx.msk [tilespmem:v15+s4+$0x0], $0xffff;
	v15 =	vshrl.u32 v60, $0x10  }
0xba: {  	v20 =	vld [tilespmem:s23+$0xFFFFFFE0];
	v18 =	vshrl.u32 v3, $0x10  }
0xbb: {  	v2 =	vand.u32 $0xFFFF, v2;
	v21 =	vld.idx.msk [tilespmem:v7+s4+$0x0], $0xffff  }
0xbc: {  	v5 =	vld.idx.msk [tilespmem:v5+s4+$0x0], $0xffff  }
0xbd: {  	v22 =	vshrl.u32 v6, $0x10;
	v7 =	vshll.u32 v1, $0x10;
	v4 =	vld.idx.msk [tilespmem:v4+s4+$0x0], $0xffff  }
0xbe: {  	v8 =	vand.u32 $0xFFFF, v8;
	v15 =	vld.idx.msk [tilespmem:v15+s4+$0x0], $0xffff;
	v7 =	vmul.f32 v7, v13  }
0xbf: {  	s24 =	simm.s32 $0xE0;
	v9 =	vand.u32 $0xFFFF, v9;
	v13 =	vld.idx.msk [tilespmem:v18+s4+$0x0], $0xffff  }
0xc0: {  	v12 =	vand.u32 $0xFFFF0000, v12;
	s30 =	sor.u32 $0x70, s24;
	[tilespmem:v2+s18+$0x0] =	vst.idx.add.f32.msk $0xffff, v7  }
0xc1: {  	v14 =	vand.u32 $0xFFFF, v14;
	v5 =	vmul.f32 v12, v5;
	v12 =	vshll.u32 v20, $0x10;
	v7 =	vld [tilespmem:s30+$0x1A000]  }
0xc2: {  	v62 =	vld.idx.msk [tilespmem:v22+s4+$0x0], $0xffff;
	v12 =	vmul.f32 v12, v21;
	v2 =	vand.u32 $0xFFFF, v60  }
0xc3: {  	v61 =	vshll.u32 v17, $0x10;
	[tilespmem:v8+s18+$0x0] =	vst.idx.add.f32.msk $0xffff, v5  }
0xc4: {  	v63 =	vshll.u32 v19, $0x10;
	[tilespmem:v9+s18+$0x0] =	vst.idx.add.f32.msk $0xffff, v12;
	v4 =	vmul.f32 v61, v4  }
0xc5: {  	v8 =	vand.u32 $0xFFFF0000, v10;
	v10 =	vld [tilespmem:s25+$0xFFFFFFD0];
	v5 =	vmul.f32 v63, v15  }
0xc6: {  	s31 =	simm.s32 $0xA0;
	v8 =	vmul.f32 v8, v13;
	[tilespmem:v14+s18+$0x0] =	vst.idx.add.f32.msk $0xffff, v4;
	v13 =	vshrl.u32 v7, $0x10  }
0xc7: {  	s28 =	simm.s32 $0xC0;
	s26 =	sor.u32 $0x30, s31;
	v9 =	vand.u32 $0xFFFF0000, v11;
	[tilespmem:v2+s18+$0x0] =	vst.idx.add.f32.msk $0xffff, v5  }
0xc8: {  	s28 =	sor.u32 $0x50, s28;
	v9 =	vmul.f32 v9, v62;
	v4 =	vand.u32 $0xFFFF, v3;
	v2 =	vand.u32 $0xFFFF, v6;
	v11 =	vld [tilespmem:s26+$0x1A000]  }
0xc9: {  	s25 =	simm.s32 $0x4;
	v5 =	vand.u32 $0xFFFF0000, v17;
	v3 =	vand.u32 $0xFFFF0000, v19;
	v6 =	vand.u32 $0xFFFF0000, v20;
	v12 =	vld [tilespmem:s28+$0x1A000];
	s26 =	simm.s32 $0x1A140  }
.LBB2_7:
0xca: {  	v14 =	vld [tilespmem:s26+$0x20];
	s25 =	sadd.s32 $0x4, s25  }
0xcb: {  	p1 =	slt.u32 s25, $0xC4;
	v13 =	vld.idx.msk [tilespmem:v13+s4+$0x0], $0xffff  }
0xcc: {  	v15 =	vld [tilespmem:s26+$0xFFFFFFC0];
	v16 =	vshrl.u32 v10, $0x10;
	v10 =	vand.u32 $0xFFFF, v10  }
0xcd: {  	v17 =	vld [tilespmem:s26+$0xFFFFFFE0];
	v18 =	vshrl.u32 v11, $0x10;
	v11 =	vand.u32 $0xFFFF, v11  }
0xce: {  	v7 =	vand.u32 $0xFFFF, v7;
	v19 =	vld [tilespmem:s26+$0x0];
	v20 =	vshrl.u32 v12, $0x10;
	v12 =	vand.u32 $0xFFFF, v12  }
0xcf: {  	v21 =	vshrl.u32 v14, $0x10;
	[tilespmem:v4+s18+$0x0] =	vst.idx.add.f32.msk $0xffff, v8;
	v4 =	vmov v11  }
0xd0: {  	v1 =	vand.u32 $0xFFFF0000, v1;
	[tilespmem:v2+s18+$0x0] =	vst.idx.add.f32.msk $0xffff, v9;
	v2 =	vmov v12  }
0xd1: {  	s23 =	sadd.s32 $0x40, s23;
	v12 =	vmul.f32 v1, v13;
	v8 =	vshrl.u32 v15, $0x10;
	v9 =	vand.u32 $0xFFFF, v15;
	v11 =	vld.idx.msk [tilespmem:v16+s4+$0x0], $0xffff  }
0xd2: {  	v13 =	vshrl.u32 v17, $0x10;
	v15 =	vand.u32 $0xFFFF, v17;
	v1 =	vld [tilespmem:s23+$0x10]  }
0xd3: {  	v16 =	vshrl.u32 v19, $0x10;
	v17 =	vand.u32 $0xFFFF, v19;
	[tilespmem:v7+s18+$0x0] =	vst.idx.add.f32.msk $0xffff, v12  }
0xd4: {  	v7 =	vld.idx.msk [tilespmem:v21+s4+$0x0], $0xffff  }
0xd5: {  	v12 =	vld [tilespmem:s23+$0xFFFFFFF0]  }
0xd6: {  	v19 =	vld [tilespmem:s23+$0x0]  }
0xd7: {  	v14 =	vand.u32 $0xFFFF, v14;
	v11 =	vmul.f32 v6, v11;
	v21 =	vld [tilespmem:s23+$0xFFFFFFE0]  }
0xd8: {  	v8 =	vld.idx.msk [tilespmem:v8+s4+$0x0], $0xffff  }
0xd9: {  	v6 =	vshll.u32 v1, $0x10;
	v13 =	vld.idx.msk [tilespmem:v13+s4+$0x0], $0xffff  }
0xda: {  	v7 =	vmul.f32 v6, v7;
	v22 =	vshll.u32 v12, $0x10;
	v12 =	vand.u32 $0xFFFF0000, v12;
	v16 =	vld.idx.msk [tilespmem:v16+s4+$0x0], $0xffff  }
0xdb: {  	s24 =	sadd.s32 $0x80, s24;
	v23 =	vshll.u32 v19, $0x10;
	v19 =	vand.u32 $0xFFFF0000, v19;
	v18 =	vld.idx.msk [tilespmem:v18+s4+$0x0], $0xffff  }
0xdc: {  	s28 =	sadd.s32 $0xFFFFFFC0, s24;
	s29 =	sadd.s32 $0xFFFFFFE0, s24;
	s30 =	sor.u32 $0x70, s24;
	v24 =	vshll.u32 v21, $0x10;
	v6 =	vand.u32 $0xFFFF0000, v21;
	[tilespmem:v14+s18+$0x0] =	vst.idx.add.f32.msk $0xffff, v7  }
0xdd: {  	s28 =	sor.u32 $0x30, s28;
	s29 =	sor.u32 $0x50, s29;
	v7 =	vld [tilespmem:s30+$0x1A000]  }
0xde: {  	v8 =	vmul.f32 v24, v8;
	v14 =	vld.idx.msk [tilespmem:v20+s4+$0x0], $0xffff  }
0xdf: {  	v13 =	vmul.f32 v22, v13;
	[tilespmem:v10+s18+$0x0] =	vst.idx.add.f32.msk $0xffff, v11  }
0xe0: {  	[tilespmem:v9+s18+$0x0] =	vst.idx.add.f32.msk $0xffff, v8;
	v9 =	vmul.f32 v23, v16  }
.Ltmp2:
0xe1: {  	v8 =	vmul.f32 v5, v18;
	v5 =	vmov v12;
	[tilespmem:v15+s18+$0x0] =	vst.idx.add.f32.msk $0xffff, v13;
	(pc) =	sbr.rel @p1 .LBB2_7-.Ltmp2, $4  }
0xe2: {  	[tilespmem:v17+s18+$0x0] =	vst.idx.add.f32.msk $0xffff, v9;
	v13 =	vshrl.u32 v7, $0x10  }
0xe3: {  	v10 =	vld [tilespmem:s26+$0xFFFFFFD0]  }
0xe4: {  	v9 =	vmul.f32 v3, v14;
	v3 =	vmov v19;
	v11 =	vld [tilespmem:s28+$0x1A000]  }
0xe5: {  	s26 =	sadd.s32 $0x80, s26;
	v12 =	vld [tilespmem:s29+$0x1A000]  }
0xe6: {  	_ =	sdelay $0x1  }
0xe7: {  	v14 =	vshrl.u32 v10, $0x10  }
0xe8: {  	v15 =	vshrl.u32 v11, $0x10  }
0xe9: {  	v16 =	vshrl.u32 v12, $0x10;
	_ =	sdelay $0x1  }
0xea: {  	v13 =	vld.idx.msk [tilespmem:v13+s4+$0x0], $0xffff  }
0xeb: {  	v14 =	vld.idx.msk [tilespmem:v14+s4+$0x0], $0xffff  }
0xec: {  	v7 =	vand.u32 $0xFFFF, v7;
	v15 =	vld.idx.msk [tilespmem:v15+s4+$0x0], $0xffff  }
0xed: {  	v61 =	vand.u32 $0xFFFF, v10;
	v16 =	vld.idx.msk [tilespmem:v16+s4+$0x0], $0xffff  }
0xee: {  	v1 =	vand.u32 $0xFFFF0000, v1;
	v62 =	vand.u32 $0xFFFF, v11  }
0xef: {  	[tilespmem:v4+s18+$0x0] =	vst.idx.add.f32.msk $0xffff, v8;
	v63 =	vand.u32 $0xFFFF, v12;
	v1 =	vmul.f32 v1, v13  }
.Ltmp3:
0xf0: {  	[tilespmem:v2+s18+$0x0] =	vst.idx.add.f32.msk $0xffff, v9;
	v2 =	vmul.f32 v6, v14;
	(pc) =	sbr.rel @p0 .LBB2_9-.Ltmp3, $4  }
0xf1: {  	[tilespmem:v7+s18+$0x0] =	vst.idx.add.f32.msk $0xffff, v1;
	v1 =	vmul.f32 v5, v15  }
0xf2: {  	[tilespmem:v61+s18+$0x0] =	vst.idx.add.f32.msk $0xffff, v2;
	v2 =	vmul.f32 v3, v16  }
0xf3: {  	[tilespmem:v62+s18+$0x0] =	vst.idx.add.f32.msk $0xffff, v1  }
0xf4: {  	[tilespmem:v63+s18+$0x0] =	vst.idx.add.f32.msk $0xffff, v2  }
0xf5: {  	s22 =	sadd.s32 $0x3, s22  }
0xf6: {  	s23 =	smul.u32 $0x320, s22  }
.Ltmp4:
0xf7: {  	_ = 	snop;
	(pc) =	sbr.rel .LBB2_4-.Ltmp4, $4  }
0xf8: {  	s22 =	smul.u32 $0x190, s22;
	s23 =	sadd.s32 s1, s23  }
0xf9: {  	[tilespmem:s15], [sflag:$0x2] =	stream.linear.gather [hbm4b:s23+s4], $0x1900, $0x38;
	[tilespmem:$0x1D200] =	vst v63  }
0xfa: {  	s21 =	sadd.s32 $0x1, s21;
	s22 =	sadd.s32 s2, s22  }
0xfb: {  	[tilespmem:s16], [sflag:$0x2] =	stream.linear.gather [hbm4b:s22+s4], $0xC80, $0x38;
	[tilespmem:$0x1D200] =	vst v63  }
.LBB2_9:
0xfc: {  	s21 =	simm.s32 $0x40  }
0xfd: {  	s22 =	simm.s32 $0xC3C0;
	v1 =	vld [tilespmem:s21+$0xFFFFFFC0]  }
0xfe: {  	v2 =	vld [tilespmem:s22+$0xFFFFFFC0];
	_ =	sdelay $0x4  }
0xff: {  	v1 =	vadd.f32 v2, v1;
	_ =	sdelay $0x1  }
0x100: {  	[tilespmem:s21+$0xFFFFFFC0] =	vst v1;
	v1 =	vld [tilespmem:s21+$0xFFFFFFD0]  }
0x101: {  	v2 =	vld [tilespmem:s22+$0xFFFFFFD0];
	_ =	sdelay $0x4  }
0x102: {  	v1 =	vadd.f32 v2, v1;
	_ =	sdelay $0x1  }
0x103: {  	[tilespmem:s21+$0xFFFFFFD0] =	vst v1;
	v1 =	vld [tilespmem:s21+$0xFFFFFFE0]  }
0x104: {  	v2 =	vld [tilespmem:s22+$0xFFFFFFE0];
	_ =	sdelay $0x4  }
0x105: {  	v1 =	vadd.f32 v2, v1;
	_ =	sdelay $0x1  }
0x106: {  	[tilespmem:s21+$0xFFFFFFE0] =	vst v1;
	v1 =	vld [tilespmem:s21+$0xFFFFFFF0]  }
0x107: {  	v2 =	vld [tilespmem:s22+$0xFFFFFFF0];
	_ =	sdelay $0x4  }
0x108: {  	v1 =	vadd.f32 v2, v1;
	_ =	sdelay $0x1  }
0x109: {  	[tilespmem:s21+$0xFFFFFFF0] =	vst v1;
	v1 =	vld [tilespmem:s21+$0x0]  }
0x10a: {  	v2 =	vld [tilespmem:s22+$0x0];
	_ =	sdelay $0x4  }
0x10b: {  	v1 =	vadd.f32 v2, v1;
	_ =	sdelay $0x1  }
0x10c: {  	[tilespmem:s21+$0x0] =	vst v1;
	v1 =	vld [tilespmem:s21+$0x10]  }
0x10d: {  	v2 =	vld [tilespmem:s22+$0x10];
	_ =	sdelay $0x4  }
0x10e: {  	v1 =	vadd.f32 v2, v1;
	_ =	sdelay $0x1  }
0x10f: {  	[tilespmem:s21+$0x10] =	vst v1;
	v1 =	vld [tilespmem:s21+$0x20]  }
0x110: {  	v2 =	vld [tilespmem:s22+$0x20];
	_ =	sdelay $0x4  }
0x111: {  	v1 =	vadd.f32 v2, v1;
	_ =	sdelay $0x1  }
0x112: {  	[tilespmem:s21+$0x20] =	vst v1;
	v1 =	vld [tilespmem:s21+$0x30]  }
0x113: {  	v2 =	vld [tilespmem:s22+$0x30];
	_ =	sdelay $0x4  }
0x114: {  	v1 =	vadd.f32 v2, v1  }
0x115: {  	s23 =	simm.s32 $0x0;
	s24 =	simm.s32 $0xC0  }
.LBB2_10:
0x116: {  	v2 =	vld [tilespmem:s24+$0xFFFFFFC0];
	[tilespmem:s21+$0x30] =	vst v1;
	s22 =	sadd.s32 $0x80, s22;
	s21 =	smov.u32 s24  }
0x117: {  	s23 =	sadd.s32 $0x8, s23;
	v1 =	vld [tilespmem:s22+$0xFFFFFFC0]  }
0x118: {  	p0 =	slt.u32 s23, $0xC28;
	_ =	sdelay $0x3  }
0x119: {  	v1 =	vadd.f32 v1, v2;
	_ =	sdelay $0x1  }
0x11a: {  	[tilespmem:s24+$0xFFFFFFC0] =	vst v1;
	v1 =	vld [tilespmem:s24+$0xFFFFFFD0]  }
0x11b: {  	v2 =	vld [tilespmem:s22+$0xFFFFFFD0];
	_ =	sdelay $0x4  }
0x11c: {  	v1 =	vadd.f32 v2, v1;
	_ =	sdelay $0x1  }
0x11d: {  	[tilespmem:s24+$0xFFFFFFD0] =	vst v1;
	v1 =	vld [tilespmem:s24+$0xFFFFFFE0]  }
0x11e: {  	v2 =	vld [tilespmem:s22+$0xFFFFFFE0];
	_ =	sdelay $0x4  }
0x11f: {  	v1 =	vadd.f32 v2, v1;
	_ =	sdelay $0x1  }
0x120: {  	[tilespmem:s24+$0xFFFFFFE0] =	vst v1;
	v1 =	vld [tilespmem:s24+$0xFFFFFFF0]  }
0x121: {  	v2 =	vld [tilespmem:s22+$0xFFFFFFF0];
	_ =	sdelay $0x4  }
0x122: {  	v1 =	vadd.f32 v2, v1;
	_ =	sdelay $0x1  }
0x123: {  	[tilespmem:s24+$0xFFFFFFF0] =	vst v1;
	v1 =	vld [tilespmem:s24+$0x0]  }
0x124: {  	v2 =	vld [tilespmem:s22+$0x0];
	_ =	sdelay $0x4  }
0x125: {  	v1 =	vadd.f32 v2, v1;
	_ =	sdelay $0x1  }
0x126: {  	[tilespmem:s24+$0x0] =	vst v1;
	v1 =	vld [tilespmem:s24+$0x10]  }
0x127: {  	v2 =	vld [tilespmem:s22+$0x10];
	_ =	sdelay $0x4  }
0x128: {  	v1 =	vadd.f32 v2, v1;
	_ =	sdelay $0x1  }
0x129: {  	[tilespmem:s24+$0x10] =	vst v1;
	v1 =	vld [tilespmem:s24+$0x20]  }
0x12a: {  	v2 =	vld [tilespmem:s22+$0x20];
	_ =	sdelay $0x4  }
0x12b: {  	v1 =	vadd.f32 v2, v1;
	_ =	sdelay $0x1  }
0x12c: {  	[tilespmem:s24+$0x20] =	vst v1;
	v1 =	vld [tilespmem:s24+$0x30]  }
0x12d: {  	v2 =	vld [tilespmem:s22+$0x30];
	_ =	sdelay $0x1  }
.Ltmp5:
0x12e: {  	(pc) =	sbr.rel @p0 .LBB2_10-.Ltmp5, $3  }
0x12f: {  	_ =	sdelay $0x1  }
0x130: {  	v1 =	vadd.f32 v2, v1  }
0x131: {  	s24 =	sadd.s32 $0x80, s24  }
0x132: {  	[tilespmem:s21+$0x30] =	vst v1  }
0x133: {  	v1 =	vld [tilespmem:$0xC300]  }
0x134: {  	v2 =	vld [tilespmem:$0x18680]  }
0x135: {  	v3 =	vld [tilespmem:$0xC310]  }
0x136: {  	v4 =	vld [tilespmem:$0x18690]  }
0x137: {  	v5 =	vld [tilespmem:$0xC320]  }
0x138: {  	v6 =	vld [tilespmem:$0x186A0]  }
0x139: {  	v7 =	vld [tilespmem:$0xC330]  }
0x13a: {  	v8 =	vld [tilespmem:$0x186B0]  }
0x13b: {  	v9 =	vld [tilespmem:$0xC340]  }
0x13c: {  	v10 =	vld [tilespmem:$0x186C0]  }
0x13d: {  	v1 =	vadd.f32 v2, v1  }
0x13e: {  	v2 =	vadd.f32 v4, v3  }
0x13f: {  	[tilespmem:$0xC300] =	vst v1;
	v1 =	vadd.f32 v6, v5  }
0x140: {  	[tilespmem:$0xC310] =	vst v2;
	v2 =	vadd.f32 v8, v7  }
0x141: {  	[tilespmem:$0xC320] =	vst v1;
	v1 =	vadd.f32 v10, v9  }
0x142: {  	[tilespmem:$0xC330] =	vst v2  }
0x143: {  	s21 =	simm.s32 $0xC3C0;
	[tilespmem:$0xC340] =	vst v1  }
0x144: {  	[tilespmem:s21+$0xFFFFFFC0] =	vst v0  }
0x145: {  	[tilespmem:s21+$0x30] =	vst v0  }
0x146: {  	[tilespmem:s21+$0x20] =	vst v0  }
0x147: {  	[tilespmem:s21+$0x10] =	vst v0  }
0x148: {  	[tilespmem:s21+$0x0] =	vst v0  }
0x149: {  	[tilespmem:s21+$0xFFFFFFF0] =	vst v0  }
0x14a: {  	s22 =	simm.s32 $0x0;
	[tilespmem:s21+$0xFFFFFFE0] =	vst v0  }
.LBB2_12:
0x14b: {  	s22 =	sadd.s32 $0x8, s22;
	[tilespmem:s21+$0xFFFFFFD0] =	vst v0;
	s21 =	sadd.s32 $0x80, s21  }
0x14c: {  	[tilespmem:s21+$0xFFFFFFC0] =	vst v0;
	p0 =	slt.u32 s22, $0xC28  }
0x14d: {  	[tilespmem:s21+$0x30] =	vst v0  }
.Ltmp6:
0x14e: {  	[tilespmem:s21+$0x20] =	vst v0;
	(pc) =	sbr.rel @p0 .LBB2_12-.Ltmp6, $4  }
0x14f: {  	[tilespmem:s21+$0x10] =	vst v0  }
0x150: {  	[tilespmem:s21+$0x0] =	vst v0  }
0x151: {  	[tilespmem:s21+$0xFFFFFFF0] =	vst v0  }
0x152: {  	[tilespmem:s21+$0xFFFFFFE0] =	vst v0  }
0x153: {  	[tilespmem:s21+$0xFFFFFFD0] =	vst v0  }
0x154: {  	[tilespmem:$0x18680] =	vst v0  }
0x155: {  	[tilespmem:$0x18690] =	vst v0  }
0x156: {  	[tilespmem:$0x186A0] =	vst v0  }
0x157: {  	[tilespmem:$0x186B0] =	vst v0  }
0x158: {  	s21 =	simm.s32 $0x0;
	[tilespmem:$0x186C0] =	vst v0  }
0x159: {  	[tilespmem:s13], [sflag:$0x1] =	stream.linear.gather [hbm4b:s1+s21], $0x1900, $0x38;
	[tilespmem:$0x1D200] =	vst v63  }
0x15a: {  	_ = 	snop  }
0x15b: {  	[tilespmem:s14], [sflag:$0x1] =	stream.linear.gather [hbm4b:s2+s21], $0xC80, $0x38;
	[tilespmem:$0x1D200] =	vst v63  }
0x15c: {  	_ = 	snop  }
0x15d: {  	[tilespmem:s15], [sflag:$0x2] =	stream.linear.gather [hbm4b:s6+s21], $0x1900, $0x38;
	[tilespmem:$0x1D200] =	vst v63  }
0x15e: {  	_ = 	snop  }
0x15f: {  	[tilespmem:s16], [sflag:$0x2] =	stream.linear.gather [hbm4b:s7+s21], $0xC80, $0x38;
	[tilespmem:$0x1D200] =	vst v63  }
.LBB2_14:
0x160: {  	_ =	swait.ge [sflag:s17], $0x1900  }
0x161: {  	[sflag:s17] =	ssyncset.done $0x0  }
0x162: {  	[sflag:s17] =	ssyncadd.s32 $0xFFFFE700  }
0x163: {  	_ =	swait.ge [sflag:s17], $0xC80  }
0x164: {  	[sflag:s17] =	ssyncset.done $0x0  }
0x165: {  	s22 =	simm.s32 $0x18740;
	[sflag:s17] =	ssyncadd.s32 $0xFFFFF380  }
0x166: {  	v1 =	vld [tilespmem:s22+$0x20];
	_ =	sdelay $0x4  }
0x167: {  	v2 =	vld [tilespmem:s22+$0xFFFFFFC0];
	v4 =	vshrl.u32 v1, $0x10  }
0x168: {  	v5 =	vld [tilespmem:s22+$0x0];
	_ =	sdelay $0x1  }
0x169: {  	s23 =	simm.s32 $0x1B920  }
0x16a: {  	v7 =	vld [tilespmem:s23+$0x10]  }
0x16b: {  	v6 =	vshrl.u32 v2, $0x10;
	v4 =	vld.idx.msk [tilespmem:v4+s4+$0x0], $0xffff  }
0x16c: {  	v3 =	vld [tilespmem:s22+$0xFFFFFFE0];
	v9 =	vshrl.u32 v5, $0x10  }
0x16d: {  	v10 =	vld [tilespmem:s23+$0xFFFFFFF0];
	v1 =	vand.u32 $0xFFFF, v1  }
0x16e: {  	v11 =	vld [tilespmem:s23+$0x0]  }
0x16f: {  	v12 =	vld [tilespmem:s23+$0xFFFFFFE0];
	v13 =	vshll.u32 v7, $0x10  }
0x170: {  	v6 =	vld.idx.msk [tilespmem:v6+s4+$0x0], $0xffff;
	v4 =	vmul.f32 v13, v4  }
0x171: {  	s26 =	simm.s32 $0x60;
	v9 =	vld.idx.msk [tilespmem:v9+s4+$0x0], $0xffff  }
0x172: {  	s23 =	sor.u32 $0x70, s26;
	v8 =	vshrl.u32 v3, $0x10;
	[tilespmem:v1+s18+$0x0] =	vst.idx.add.f32.msk $0xffff, v4  }
0x173: {  	v2 =	vand.u32 $0xFFFF, v2;
	v1 =	vld [tilespmem:s23+$0x18700]  }
0x174: {  	s24 =	simm.s32 $0x187C0  }
0x175: {  	v14 =	vld [tilespmem:s24+$0xFFFFFFE0];
	v5 =	vand.u32 $0xFFFF, v5;
	v4 =	vshll.u32 v12, $0x10  }
0x176: {  	v16 =	vld [tilespmem:s24+$0x0];
	v4 =	vmul.f32 v4, v6  }
0x177: {  	v8 =	vld.idx.msk [tilespmem:v8+s4+$0x0], $0xffff;
	v13 =	vshll.u32 v11, $0x10  }
0x178: {  	[tilespmem:v2+s18+$0x0] =	vst.idx.add.f32.msk $0xffff, v4;
	v2 =	vmul.f32 v13, v9;
	v4 =	vshrl.u32 v1, $0x10  }
0x179: {  	v3 =	vand.u32 $0xFFFF, v3;
	v9 =	vld [tilespmem:s24+$0xFFFFFFC0]  }
0x17a: {  	[tilespmem:v5+s18+$0x0] =	vst.idx.add.f32.msk $0xffff, v2  }
0x17b: {  	v6 =	vshll.u32 v10, $0x10;
	v2 =	vld [tilespmem:s24+$0x20]  }
0x17c: {  	v6 =	vmul.f32 v6, v8;
	v8 =	vld [tilespmem:s22+$0xFFFFFFD0]  }
0x17d: {  	s28 =	simm.s32 $0x20;
	v4 =	vld.idx.msk [tilespmem:v4+s4+$0x0], $0xffff  }
0x17e: {  	s29 =	simm.s32 $0x40;
	[tilespmem:v3+s18+$0x0] =	vst.idx.add.f32.msk $0xffff, v6;
	s22 =	sor.u32 $0x30, s28  }
0x17f: {  	s30 =	sor.u32 $0x50, s29;
	v3 =	vld [tilespmem:s22+$0x18700];
	v13 =	vand.u32 $0xFFFF, v1  }
0x180: {  	s22 =	simm.s32 $0x1B960;
	v6 =	vld [tilespmem:s30+$0x18700];
	v15 =	vshrl.u32 v2, $0x10  }
0x181: {  	v1 =	vand.u32 $0xFFFF0000, v7;
	v17 =	vld [tilespmem:s22+$0xFFFFFFF0]  }
0x182: {  	v19 =	vld [tilespmem:s22+$0x0];
	v7 =	vshrl.u32 v9, $0x10;
	v4 =	vmul.f32 v1, v4  }
0x183: {  	v5 =	vshrl.u32 v8, $0x10;
	v1 =	vld [tilespmem:s22+$0x10]  }
0x184: {  	[tilespmem:v13+s18+$0x0] =	vst.idx.add.f32.msk $0xffff, v4;
	v4 =	vshrl.u32 v14, $0x10  }
0x185: {  	v13 =	vld.idx.msk [tilespmem:v15+s4+$0x0], $0xffff;
	v15 =	vshrl.u32 v16, $0x10  }
0x186: {  	v20 =	vld [tilespmem:s22+$0xFFFFFFE0];
	v18 =	vshrl.u32 v3, $0x10  }
0x187: {  	v2 =	vand.u32 $0xFFFF, v2;
	v21 =	vld.idx.msk [tilespmem:v7+s4+$0x0], $0xffff  }
0x188: {  	v5 =	vld.idx.msk [tilespmem:v5+s4+$0x0], $0xffff  }
0x189: {  	v22 =	vshrl.u32 v6, $0x10;
	v7 =	vshll.u32 v1, $0x10;
	v4 =	vld.idx.msk [tilespmem:v4+s4+$0x0], $0xffff  }
0x18a: {  	v8 =	vand.u32 $0xFFFF, v8;
	v15 =	vld.idx.msk [tilespmem:v15+s4+$0x0], $0xffff;
	v7 =	vmul.f32 v7, v13  }
0x18b: {  	s23 =	simm.s32 $0xE0;
	v9 =	vand.u32 $0xFFFF, v9;
	v13 =	vld.idx.msk [tilespmem:v18+s4+$0x0], $0xffff  }
0x18c: {  	v12 =	vand.u32 $0xFFFF0000, v12;
	s25 =	sor.u32 $0x70, s23;
	[tilespmem:v2+s18+$0x0] =	vst.idx.add.f32.msk $0xffff, v7  }
0x18d: {  	v14 =	vand.u32 $0xFFFF, v14;
	v5 =	vmul.f32 v12, v5;
	v12 =	vshll.u32 v20, $0x10;
	v7 =	vld [tilespmem:s25+$0x18700]  }
0x18e: {  	v62 =	vld.idx.msk [tilespmem:v22+s4+$0x0], $0xffff;
	v12 =	vmul.f32 v12, v21;
	v2 =	vand.u32 $0xFFFF, v16  }
0x18f: {  	v61 =	vshll.u32 v17, $0x10;
	[tilespmem:v8+s18+$0x0] =	vst.idx.add.f32.msk $0xffff, v5  }
0x190: {  	v63 =	vshll.u32 v19, $0x10;
	[tilespmem:v9+s18+$0x0] =	vst.idx.add.f32.msk $0xffff, v12;
	v4 =	vmul.f32 v61, v4  }
0x191: {  	v8 =	vand.u32 $0xFFFF0000, v10;
	v10 =	vld [tilespmem:s24+$0xFFFFFFD0];
	v5 =	vmul.f32 v63, v15  }
0x192: {  	s31 =	simm.s32 $0xA0;
	v8 =	vmul.f32 v8, v13;
	[tilespmem:v14+s18+$0x0] =	vst.idx.add.f32.msk $0xffff, v4;
	v13 =	vshrl.u32 v7, $0x10  }
0x193: {  	s26 =	simm.s32 $0xC0;
	v9 =	vand.u32 $0xFFFF0000, v11;
	s25 =	sor.u32 $0x30, s31;
	[tilespmem:v2+s18+$0x0] =	vst.idx.add.f32.msk $0xffff, v5  }
0x194: {  	s26 =	sor.u32 $0x50, s26;
	v9 =	vmul.f32 v9, v62;
	v5 =	vand.u32 $0xFFFF, v3;
	v3 =	vand.u32 $0xFFFF, v6;
	v11 =	vld [tilespmem:s25+$0x18700]  }
0x195: {  	s24 =	simm.s32 $0x4;
	v4 =	vand.u32 $0xFFFF0000, v17;
	v2 =	vand.u32 $0xFFFF0000, v19;
	v6 =	vand.u32 $0xFFFF0000, v20;
	v12 =	vld [tilespmem:s26+$0x18700];
	s25 =	simm.s32 $0x18840  }
.LBB2_15:
0x196: {  	v14 =	vld [tilespmem:s25+$0x20];
	s24 =	sadd.s32 $0x4, s24  }
0x197: {  	p0 =	slt.u32 s24, $0xC4;
	v13 =	vld.idx.msk [tilespmem:v13+s4+$0x0], $0xffff  }
0x198: {  	v15 =	vld [tilespmem:s25+$0xFFFFFFC0];
	v16 =	vshrl.u32 v10, $0x10;
	v10 =	vand.u32 $0xFFFF, v10  }
0x199: {  	v17 =	vld [tilespmem:s25+$0xFFFFFFE0];
	v18 =	vshrl.u32 v11, $0x10;
	v11 =	vand.u32 $0xFFFF, v11  }
0x19a: {  	v7 =	vand.u32 $0xFFFF, v7;
	v19 =	vld [tilespmem:s25+$0x0];
	v20 =	vshrl.u32 v12, $0x10;
	v12 =	vand.u32 $0xFFFF, v12  }
0x19b: {  	v21 =	vshrl.u32 v14, $0x10;
	[tilespmem:v5+s18+$0x0] =	vst.idx.add.f32.msk $0xffff, v8;
	v5 =	vmov v11  }
0x19c: {  	v1 =	vand.u32 $0xFFFF0000, v1;
	[tilespmem:v3+s18+$0x0] =	vst.idx.add.f32.msk $0xffff, v9;
	v3 =	vmov v12  }
0x19d: {  	s22 =	sadd.s32 $0x40, s22;
	v12 =	vmul.f32 v1, v13;
	v8 =	vshrl.u32 v15, $0x10;
	v9 =	vand.u32 $0xFFFF, v15;
	v11 =	vld.idx.msk [tilespmem:v16+s4+$0x0], $0xffff  }
0x19e: {  	v13 =	vshrl.u32 v17, $0x10;
	v15 =	vand.u32 $0xFFFF, v17;
	v1 =	vld [tilespmem:s22+$0x10]  }
0x19f: {  	v16 =	vshrl.u32 v19, $0x10;
	v17 =	vand.u32 $0xFFFF, v19;
	[tilespmem:v7+s18+$0x0] =	vst.idx.add.f32.msk $0xffff, v12  }
0x1a0: {  	v7 =	vld.idx.msk [tilespmem:v21+s4+$0x0], $0xffff  }
0x1a1: {  	v12 =	vld [tilespmem:s22+$0xFFFFFFF0]  }
0x1a2: {  	v19 =	vld [tilespmem:s22+$0x0]  }
0x1a3: {  	v14 =	vand.u32 $0xFFFF, v14;
	v11 =	vmul.f32 v6, v11;
	v21 =	vld [tilespmem:s22+$0xFFFFFFE0]  }
0x1a4: {  	v8 =	vld.idx.msk [tilespmem:v8+s4+$0x0], $0xffff  }
0x1a5: {  	v6 =	vshll.u32 v1, $0x10;
	v13 =	vld.idx.msk [tilespmem:v13+s4+$0x0], $0xffff  }
0x1a6: {  	v7 =	vmul.f32 v6, v7;
	v22 =	vshll.u32 v12, $0x10;
	v12 =	vand.u32 $0xFFFF0000, v12;
	v16 =	vld.idx.msk [tilespmem:v16+s4+$0x0], $0xffff  }
0x1a7: {  	s23 =	sadd.s32 $0x80, s23;
	v23 =	vshll.u32 v19, $0x10;
	v19 =	vand.u32 $0xFFFF0000, v19;
	v18 =	vld.idx.msk [tilespmem:v18+s4+$0x0], $0xffff  }
0x1a8: {  	s26 =	sadd.s32 $0xFFFFFFC0, s23;
	s28 =	sadd.s32 $0xFFFFFFE0, s23;
	s29 =	sor.u32 $0x70, s23;
	v24 =	vshll.u32 v21, $0x10;
	v6 =	vand.u32 $0xFFFF0000, v21;
	[tilespmem:v14+s18+$0x0] =	vst.idx.add.f32.msk $0xffff, v7  }
0x1a9: {  	s26 =	sor.u32 $0x30, s26;
	s28 =	sor.u32 $0x50, s28;
	v7 =	vld [tilespmem:s29+$0x18700]  }
0x1aa: {  	v8 =	vmul.f32 v24, v8;
	v14 =	vld.idx.msk [tilespmem:v20+s4+$0x0], $0xffff  }
0x1ab: {  	v13 =	vmul.f32 v22, v13;
	[tilespmem:v10+s18+$0x0] =	vst.idx.add.f32.msk $0xffff, v11  }
0x1ac: {  	[tilespmem:v9+s18+$0x0] =	vst.idx.add.f32.msk $0xffff, v8;
	v9 =	vmul.f32 v23, v16  }
.Ltmp7:
0x1ad: {  	v8 =	vmul.f32 v4, v18;
	v4 =	vmov v12;
	[tilespmem:v15+s18+$0x0] =	vst.idx.add.f32.msk $0xffff, v13;
	(pc) =	sbr.rel @p0 .LBB2_15-.Ltmp7, $4  }
0x1ae: {  	[tilespmem:v17+s18+$0x0] =	vst.idx.add.f32.msk $0xffff, v9;
	v13 =	vshrl.u32 v7, $0x10  }
0x1af: {  	v10 =	vld [tilespmem:s25+$0xFFFFFFD0]  }
0x1b0: {  	v9 =	vmul.f32 v2, v14;
	v2 =	vmov v19;
	v11 =	vld [tilespmem:s26+$0x18700]  }
0x1b1: {  	s25 =	sadd.s32 $0x80, s25;
	v12 =	vld [tilespmem:s28+$0x18700]  }
0x1b2: {  	_ =	sdelay $0x1  }
0x1b3: {  	v14 =	vshrl.u32 v10, $0x10  }
0x1b4: {  	v15 =	vshrl.u32 v11, $0x10  }
0x1b5: {  	v16 =	vshrl.u32 v12, $0x10;
	_ =	sdelay $0x1  }
0x1b6: {  	v13 =	vld.idx.msk [tilespmem:v13+s4+$0x0], $0xffff  }
0x1b7: {  	v14 =	vld.idx.msk [tilespmem:v14+s4+$0x0], $0xffff  }
0x1b8: {  	v7 =	vand.u32 $0xFFFF, v7;
	v15 =	vld.idx.msk [tilespmem:v15+s4+$0x0], $0xffff  }
0x1b9: {  	v10 =	vand.u32 $0xFFFF, v10;
	v16 =	vld.idx.msk [tilespmem:v16+s4+$0x0], $0xffff  }
0x1ba: {  	v1 =	vand.u32 $0xFFFF0000, v1;
	v11 =	vand.u32 $0xFFFF, v11  }
0x1bb: {  	[tilespmem:v5+s18+$0x0] =	vst.idx.add.f32.msk $0xffff, v8;
	v12 =	vand.u32 $0xFFFF, v12;
	v1 =	vmul.f32 v1, v13  }
0x1bc: {  	s22 =	sshll.u32 s21, $0x1;
	p0 =	seq.s32 s21, $0x7C;
	[tilespmem:v3+s18+$0x0] =	vst.idx.add.f32.msk $0xffff, v9;
	v3 =	vmul.f32 v6, v14  }
0x1bd: {  	s23 =	sadd.s32 @!p0 $0x2, s22;
	[tilespmem:v7+s18+$0x0] =	vst.idx.add.f32.msk $0xffff, v1;
	v1 =	vmul.f32 v4, v15  }
0x1be: {  	s24 =	smul.u32 @!p0 $0x320, s23;
	[tilespmem:v10+s18+$0x0] =	vst.idx.add.f32.msk $0xffff, v3;
	v2 =	vmul.f32 v2, v16  }
0x1bf: {  	s25 =	simm.s32 @!p0 $0x0;
	[tilespmem:v11+s18+$0x0] =	vst.idx.add.f32.msk $0xffff, v1  }
0x1c0: {  	s26 =	simm.s32 @!p0 $0x18700;
	s23 =	smul.u32 @!p0 $0x190, s23;
	s24 =	sadd.s32 @!p0 s1, s24;
	[tilespmem:v12+s18+$0x0] =	vst.idx.add.f32.msk $0xffff, v2  }
0x1c1: {  	[tilespmem:s26], [sflag:$0x1] =	stream.linear.gather @!p0 [hbm4b:s24+s25], $0x1900, $0x38;
	[tilespmem:$0x1D200] =	vst v63  }
0x1c2: {  	s23 =	sadd.s32 @!p0 s2, s23;
	s24 =	simm.s32 @!p0 $0x1B900  }
0x1c3: {  	[tilespmem:s24], [sflag:$0x1] =	stream.linear.gather @!p0 [hbm4b:s23+s25], $0xC80, $0x38;
	[tilespmem:$0x1D200] =	vst v63  }
0x1c4: {  	_ =	swait.ge [sflag:s19], $0x1900  }
0x1c5: {  	[sflag:s19] =	ssyncset.done $0x0  }
0x1c6: {  	[sflag:s19] =	ssyncadd.s32 $0xFFFFE700  }
0x1c7: {  	_ =	swait.ge [sflag:s19], $0xC80  }
0x1c8: {  	[sflag:s19] =	ssyncset.done $0x0  }
0x1c9: {  	s30 =	simm.s32 $0x1A040;
	[sflag:s19] =	ssyncadd.s32 $0xFFFFF380  }
0x1ca: {  	v1 =	vld [tilespmem:s30+$0x20];
	_ =	sdelay $0x4  }
0x1cb: {  	v2 =	vld [tilespmem:s30+$0xFFFFFFC0];
	v4 =	vshrl.u32 v1, $0x10  }
0x1cc: {  	v5 =	vld [tilespmem:s30+$0x0];
	_ =	sdelay $0x1  }
0x1cd: {  	s31 =	simm.s32 $0x1C5A0  }
0x1ce: {  	v7 =	vld [tilespmem:s31+$0x10]  }
0x1cf: {  	v6 =	vshrl.u32 v2, $0x10;
	v4 =	vld.idx.msk [tilespmem:v4+s4+$0x0], $0xffff  }
0x1d0: {  	v9 =	vshrl.u32 v5, $0x10  }
0x1d1: {  	v3 =	vld [tilespmem:s30+$0xFFFFFFE0];
	v1 =	vand.u32 $0xFFFF, v1  }
0x1d2: {  	v11 =	vld [tilespmem:s31+$0x0]  }
0x1d3: {  	v12 =	vld [tilespmem:s31+$0xFFFFFFE0];
	v13 =	vshll.u32 v7, $0x10  }
0x1d4: {  	v6 =	vld.idx.msk [tilespmem:v6+s4+$0x0], $0xffff;
	v4 =	vmul.f32 v13, v4  }
0x1d5: {  	s25 =	simm.s32 $0x60;
	v9 =	vld.idx.msk [tilespmem:v9+s4+$0x0], $0xffff  }
0x1d6: {  	s24 =	sor.u32 $0x70, s25;
	v8 =	vshrl.u32 v3, $0x10;
	[tilespmem:v1+s18+$0x0] =	vst.idx.add.f32.msk $0xffff, v4  }
0x1d7: {  	v2 =	vand.u32 $0xFFFF, v2;
	v1 =	vld [tilespmem:s24+$0x1A000]  }
0x1d8: {  	s25 =	simm.s32 $0x1A0C0;
	v10 =	vld [tilespmem:s31+$0xFFFFFFF0]  }
0x1d9: {  	v14 =	vld [tilespmem:s25+$0xFFFFFFE0];
	v5 =	vand.u32 $0xFFFF, v5;
	v4 =	vshll.u32 v12, $0x10  }
0x1da: {  	v60 =	vld [tilespmem:s25+$0x0];
	v4 =	vmul.f32 v4, v6  }
0x1db: {  	v8 =	vld.idx.msk [tilespmem:v8+s4+$0x0], $0xffff;
	v13 =	vshll.u32 v11, $0x10  }
0x1dc: {  	[tilespmem:v2+s18+$0x0] =	vst.idx.add.f32.msk $0xffff, v4;
	v2 =	vmul.f32 v13, v9;
	v4 =	vshrl.u32 v1, $0x10  }
0x1dd: {  	v3 =	vand.u32 $0xFFFF, v3;
	v9 =	vld [tilespmem:s25+$0xFFFFFFC0]  }
0x1de: {  	[tilespmem:v5+s18+$0x0] =	vst.idx.add.f32.msk $0xffff, v2  }
0x1df: {  	v6 =	vshll.u32 v10, $0x10;
	v2 =	vld [tilespmem:s25+$0x20]  }
0x1e0: {  	v6 =	vmul.f32 v6, v8;
	v8 =	vld [tilespmem:s30+$0xFFFFFFD0]  }
0x1e1: {  	s26 =	simm.s32 $0x20;
	v4 =	vld.idx.msk [tilespmem:v4+s4+$0x0], $0xffff  }
0x1e2: {  	s28 =	simm.s32 $0x40;
	s23 =	sor.u32 $0x30, s26;
	[tilespmem:v3+s18+$0x0] =	vst.idx.add.f32.msk $0xffff, v6  }
0x1e3: {  	s29 =	sor.u32 $0x50, s28;
	v3 =	vld [tilespmem:s23+$0x1A000];
	v13 =	vand.u32 $0xFFFF, v1  }
0x1e4: {  	s23 =	simm.s32 $0x1C5E0;
	v6 =	vld [tilespmem:s29+$0x1A000];
	v15 =	vshrl.u32 v2, $0x10  }
0x1e5: {  	v1 =	vand.u32 $0xFFFF0000, v7;
	v17 =	vld [tilespmem:s23+$0xFFFFFFF0]  }
0x1e6: {  	v19 =	vld [tilespmem:s23+$0x0];
	v7 =	vshrl.u32 v9, $0x10;
	v4 =	vmul.f32 v1, v4  }
0x1e7: {  	v5 =	vshrl.u32 v8, $0x10;
	v1 =	vld [tilespmem:s23+$0x10]  }
0x1e8: {  	[tilespmem:v13+s18+$0x0] =	vst.idx.add.f32.msk $0xffff, v4;
	v4 =	vshrl.u32 v14, $0x10  }
0x1e9: {  	v13 =	vld.idx.msk [tilespmem:v15+s4+$0x0], $0xffff;
	v15 =	vshrl.u32 v60, $0x10  }
0x1ea: {  	v20 =	vld [tilespmem:s23+$0xFFFFFFE0];
	v18 =	vshrl.u32 v3, $0x10  }
0x1eb: {  	v2 =	vand.u32 $0xFFFF, v2;
	v21 =	vld.idx.msk [tilespmem:v7+s4+$0x0], $0xffff  }
0x1ec: {  	v5 =	vld.idx.msk [tilespmem:v5+s4+$0x0], $0xffff  }
0x1ed: {  	v22 =	vshrl.u32 v6, $0x10;
	v7 =	vshll.u32 v1, $0x10;
	v4 =	vld.idx.msk [tilespmem:v4+s4+$0x0], $0xffff  }
0x1ee: {  	v8 =	vand.u32 $0xFFFF, v8;
	v15 =	vld.idx.msk [tilespmem:v15+s4+$0x0], $0xffff;
	v7 =	vmul.f32 v7, v13  }
0x1ef: {  	s24 =	simm.s32 $0xE0;
	v9 =	vand.u32 $0xFFFF, v9;
	v13 =	vld.idx.msk [tilespmem:v18+s4+$0x0], $0xffff  }
0x1f0: {  	v12 =	vand.u32 $0xFFFF0000, v12;
	s30 =	sor.u32 $0x70, s24;
	[tilespmem:v2+s18+$0x0] =	vst.idx.add.f32.msk $0xffff, v7  }
0x1f1: {  	v14 =	vand.u32 $0xFFFF, v14;
	v5 =	vmul.f32 v12, v5;
	v12 =	vshll.u32 v20, $0x10;
	v7 =	vld [tilespmem:s30+$0x1A000]  }
0x1f2: {  	v62 =	vld.idx.msk [tilespmem:v22+s4+$0x0], $0xffff;
	v12 =	vmul.f32 v12, v21;
	v2 =	vand.u32 $0xFFFF, v60  }
0x1f3: {  	v61 =	vshll.u32 v17, $0x10;
	[tilespmem:v8+s18+$0x0] =	vst.idx.add.f32.msk $0xffff, v5  }
0x1f4: {  	v63 =	vshll.u32 v19, $0x10;
	[tilespmem:v9+s18+$0x0] =	vst.idx.add.f32.msk $0xffff, v12;
	v4 =	vmul.f32 v61, v4  }
0x1f5: {  	v8 =	vand.u32 $0xFFFF0000, v10;
	v10 =	vld [tilespmem:s25+$0xFFFFFFD0];
	v5 =	vmul.f32 v63, v15  }
0x1f6: {  	s31 =	simm.s32 $0xA0;
	v8 =	vmul.f32 v8, v13;
	[tilespmem:v14+s18+$0x0] =	vst.idx.add.f32.msk $0xffff, v4;
	v13 =	vshrl.u32 v7, $0x10  }
0x1f7: {  	s28 =	simm.s32 $0xC0;
	s26 =	sor.u32 $0x30, s31;
	v9 =	vand.u32 $0xFFFF0000, v11;
	[tilespmem:v2+s18+$0x0] =	vst.idx.add.f32.msk $0xffff, v5  }
0x1f8: {  	s28 =	sor.u32 $0x50, s28;
	v9 =	vmul.f32 v9, v62;
	v4 =	vand.u32 $0xFFFF, v3;
	v2 =	vand.u32 $0xFFFF, v6;
	v11 =	vld [tilespmem:s26+$0x1A000]  }
0x1f9: {  	s25 =	simm.s32 $0x4;
	v5 =	vand.u32 $0xFFFF0000, v17;
	v3 =	vand.u32 $0xFFFF0000, v19;
	v6 =	vand.u32 $0xFFFF0000, v20;
	v12 =	vld [tilespmem:s28+$0x1A000];
	s26 =	simm.s32 $0x1A140  }
.LBB2_17:
0x1fa: {  	v14 =	vld [tilespmem:s26+$0x20];
	s25 =	sadd.s32 $0x4, s25  }
0x1fb: {  	p1 =	slt.u32 s25, $0xC4;
	v13 =	vld.idx.msk [tilespmem:v13+s4+$0x0], $0xffff  }
0x1fc: {  	v15 =	vld [tilespmem:s26+$0xFFFFFFC0];
	v16 =	vshrl.u32 v10, $0x10;
	v10 =	vand.u32 $0xFFFF, v10  }
0x1fd: {  	v17 =	vld [tilespmem:s26+$0xFFFFFFE0];
	v18 =	vshrl.u32 v11, $0x10;
	v11 =	vand.u32 $0xFFFF, v11  }
0x1fe: {  	v7 =	vand.u32 $0xFFFF, v7;
	v19 =	vld [tilespmem:s26+$0x0];
	v20 =	vshrl.u32 v12, $0x10;
	v12 =	vand.u32 $0xFFFF, v12  }
0x1ff: {  	v21 =	vshrl.u32 v14, $0x10;
	[tilespmem:v4+s18+$0x0] =	vst.idx.add.f32.msk $0xffff, v8;
	v4 =	vmov v11  }
0x200: {  	v1 =	vand.u32 $0xFFFF0000, v1;
	[tilespmem:v2+s18+$0x0] =	vst.idx.add.f32.msk $0xffff, v9;
	v2 =	vmov v12  }
0x201: {  	s23 =	sadd.s32 $0x40, s23;
	v12 =	vmul.f32 v1, v13;
	v8 =	vshrl.u32 v15, $0x10;
	v9 =	vand.u32 $0xFFFF, v15;
	v11 =	vld.idx.msk [tilespmem:v16+s4+$0x0], $0xffff  }
0x202: {  	v13 =	vshrl.u32 v17, $0x10;
	v15 =	vand.u32 $0xFFFF, v17;
	v1 =	vld [tilespmem:s23+$0x10]  }
0x203: {  	v16 =	vshrl.u32 v19, $0x10;
	v17 =	vand.u32 $0xFFFF, v19;
	[tilespmem:v7+s18+$0x0] =	vst.idx.add.f32.msk $0xffff, v12  }
0x204: {  	v7 =	vld.idx.msk [tilespmem:v21+s4+$0x0], $0xffff  }
0x205: {  	v12 =	vld [tilespmem:s23+$0xFFFFFFF0]  }
0x206: {  	v19 =	vld [tilespmem:s23+$0x0]  }
0x207: {  	v14 =	vand.u32 $0xFFFF, v14;
	v11 =	vmul.f32 v6, v11;
	v21 =	vld [tilespmem:s23+$0xFFFFFFE0]  }
0x208: {  	v8 =	vld.idx.msk [tilespmem:v8+s4+$0x0], $0xffff  }
0x209: {  	v6 =	vshll.u32 v1, $0x10;
	v13 =	vld.idx.msk [tilespmem:v13+s4+$0x0], $0xffff  }
0x20a: {  	v7 =	vmul.f32 v6, v7;
	v22 =	vshll.u32 v12, $0x10;
	v12 =	vand.u32 $0xFFFF0000, v12;
	v16 =	vld.idx.msk [tilespmem:v16+s4+$0x0], $0xffff  }
0x20b: {  	s24 =	sadd.s32 $0x80, s24;
	v23 =	vshll.u32 v19, $0x10;
	v19 =	vand.u32 $0xFFFF0000, v19;
	v18 =	vld.idx.msk [tilespmem:v18+s4+$0x0], $0xffff  }
0x20c: {  	s28 =	sadd.s32 $0xFFFFFFC0, s24;
	s29 =	sadd.s32 $0xFFFFFFE0, s24;
	s30 =	sor.u32 $0x70, s24;
	v24 =	vshll.u32 v21, $0x10;
	v6 =	vand.u32 $0xFFFF0000, v21;
	[tilespmem:v14+s18+$0x0] =	vst.idx.add.f32.msk $0xffff, v7  }
0x20d: {  	s28 =	sor.u32 $0x30, s28;
	s29 =	sor.u32 $0x50, s29;
	v7 =	vld [tilespmem:s30+$0x1A000]  }
0x20e: {  	v8 =	vmul.f32 v24, v8;
	v14 =	vld.idx.msk [tilespmem:v20+s4+$0x0], $0xffff  }
0x20f: {  	v13 =	vmul.f32 v22, v13;
	[tilespmem:v10+s18+$0x0] =	vst.idx.add.f32.msk $0xffff, v11  }
0x210: {  	[tilespmem:v9+s18+$0x0] =	vst.idx.add.f32.msk $0xffff, v8;
	v9 =	vmul.f32 v23, v16  }
.Ltmp8:
0x211: {  	v8 =	vmul.f32 v5, v18;
	v5 =	vmov v12;
	[tilespmem:v15+s18+$0x0] =	vst.idx.add.f32.msk $0xffff, v13;
	(pc) =	sbr.rel @p1 .LBB2_17-.Ltmp8, $4  }
0x212: {  	[tilespmem:v17+s18+$0x0] =	vst.idx.add.f32.msk $0xffff, v9;
	v13 =	vshrl.u32 v7, $0x10  }
0x213: {  	v10 =	vld [tilespmem:s26+$0xFFFFFFD0]  }
0x214: {  	v9 =	vmul.f32 v3, v14;
	v3 =	vmov v19;
	v11 =	vld [tilespmem:s28+$0x1A000]  }
0x215: {  	s26 =	sadd.s32 $0x80, s26;
	v12 =	vld [tilespmem:s29+$0x1A000]  }
0x216: {  	_ =	sdelay $0x1  }
0x217: {  	v14 =	vshrl.u32 v10, $0x10  }
0x218: {  	v15 =	vshrl.u32 v11, $0x10  }
0x219: {  	v16 =	vshrl.u32 v12, $0x10;
	_ =	sdelay $0x1  }
0x21a: {  	v13 =	vld.idx.msk [tilespmem:v13+s4+$0x0], $0xffff  }
0x21b: {  	v14 =	vld.idx.msk [tilespmem:v14+s4+$0x0], $0xffff  }
0x21c: {  	v7 =	vand.u32 $0xFFFF, v7;
	v15 =	vld.idx.msk [tilespmem:v15+s4+$0x0], $0xffff  }
0x21d: {  	v61 =	vand.u32 $0xFFFF, v10;
	v16 =	vld.idx.msk [tilespmem:v16+s4+$0x0], $0xffff  }
0x21e: {  	v1 =	vand.u32 $0xFFFF0000, v1;
	v62 =	vand.u32 $0xFFFF, v11  }
0x21f: {  	[tilespmem:v4+s18+$0x0] =	vst.idx.add.f32.msk $0xffff, v8;
	v63 =	vand.u32 $0xFFFF, v12;
	v1 =	vmul.f32 v1, v13  }
.Ltmp9:
0x220: {  	[tilespmem:v2+s18+$0x0] =	vst.idx.add.f32.msk $0xffff, v9;
	v2 =	vmul.f32 v6, v14;
	(pc) =	sbr.rel @p0 .LBB2_19-.Ltmp9, $4  }
0x221: {  	[tilespmem:v7+s18+$0x0] =	vst.idx.add.f32.msk $0xffff, v1;
	v1 =	vmul.f32 v5, v15  }
0x222: {  	[tilespmem:v61+s18+$0x0] =	vst.idx.add.f32.msk $0xffff, v2;
	v2 =	vmul.f32 v3, v16  }
0x223: {  	[tilespmem:v62+s18+$0x0] =	vst.idx.add.f32.msk $0xffff, v1  }
0x224: {  	[tilespmem:v63+s18+$0x0] =	vst.idx.add.f32.msk $0xffff, v2  }
0x225: {  	s22 =	sadd.s32 $0x3, s22  }
0x226: {  	s23 =	smul.u32 $0x320, s22  }
.Ltmp10:
0x227: {  	_ = 	snop;
	(pc) =	sbr.rel .LBB2_14-.Ltmp10, $4  }
0x228: {  	s22 =	smul.u32 $0x190, s22;
	s23 =	sadd.s32 s1, s23  }
0x229: {  	[tilespmem:s15], [sflag:$0x2] =	stream.linear.gather [hbm4b:s23+s4], $0x1900, $0x38;
	[tilespmem:$0x1D200] =	vst v63  }
0x22a: {  	s21 =	sadd.s32 $0x1, s21;
	s22 =	sadd.s32 s2, s22  }
0x22b: {  	[tilespmem:s16], [sflag:$0x2] =	stream.linear.gather [hbm4b:s22+s4], $0xC80, $0x38;
	[tilespmem:$0x1D200] =	vst v63  }
.LBB2_19:
0x22c: {  	s21 =	simm.s32 $0x40  }
0x22d: {  	s22 =	simm.s32 $0xC3C0;
	v1 =	vld [tilespmem:s21+$0xFFFFFFC0]  }
0x22e: {  	v2 =	vld [tilespmem:s22+$0xFFFFFFC0];
	_ =	sdelay $0x4  }
0x22f: {  	v1 =	vadd.f32 v2, v1;
	_ =	sdelay $0x1  }
0x230: {  	[tilespmem:s21+$0xFFFFFFC0] =	vst v1;
	v1 =	vld [tilespmem:s21+$0xFFFFFFD0]  }
0x231: {  	v2 =	vld [tilespmem:s22+$0xFFFFFFD0];
	_ =	sdelay $0x4  }
0x232: {  	v1 =	vadd.f32 v2, v1;
	_ =	sdelay $0x1  }
0x233: {  	[tilespmem:s21+$0xFFFFFFD0] =	vst v1;
	v1 =	vld [tilespmem:s21+$0xFFFFFFE0]  }
0x234: {  	v2 =	vld [tilespmem:s22+$0xFFFFFFE0];
	_ =	sdelay $0x4  }
0x235: {  	v1 =	vadd.f32 v2, v1;
	_ =	sdelay $0x1  }
0x236: {  	[tilespmem:s21+$0xFFFFFFE0] =	vst v1;
	v1 =	vld [tilespmem:s21+$0xFFFFFFF0]  }
0x237: {  	v2 =	vld [tilespmem:s22+$0xFFFFFFF0];
	_ =	sdelay $0x4  }
0x238: {  	v1 =	vadd.f32 v2, v1;
	_ =	sdelay $0x1  }
0x239: {  	[tilespmem:s21+$0xFFFFFFF0] =	vst v1;
	v1 =	vld [tilespmem:s21+$0x0]  }
0x23a: {  	v2 =	vld [tilespmem:s22+$0x0];
	_ =	sdelay $0x4  }
0x23b: {  	v1 =	vadd.f32 v2, v1;
	_ =	sdelay $0x1  }
0x23c: {  	[tilespmem:s21+$0x0] =	vst v1;
	v1 =	vld [tilespmem:s21+$0x10]  }
0x23d: {  	v2 =	vld [tilespmem:s22+$0x10];
	_ =	sdelay $0x4  }
0x23e: {  	v1 =	vadd.f32 v2, v1;
	_ =	sdelay $0x1  }
0x23f: {  	[tilespmem:s21+$0x10] =	vst v1;
	v1 =	vld [tilespmem:s21+$0x20]  }
0x240: {  	v2 =	vld [tilespmem:s22+$0x20];
	_ =	sdelay $0x4  }
0x241: {  	v1 =	vadd.f32 v2, v1;
	_ =	sdelay $0x1  }
0x242: {  	[tilespmem:s21+$0x20] =	vst v1;
	v1 =	vld [tilespmem:s21+$0x30]  }
0x243: {  	v2 =	vld [tilespmem:s22+$0x30];
	_ =	sdelay $0x4  }
0x244: {  	v1 =	vadd.f32 v2, v1  }
0x245: {  	s23 =	simm.s32 $0x0;
	s24 =	simm.s32 $0xC0  }
.LBB2_20:
0x246: {  	v2 =	vld [tilespmem:s24+$0xFFFFFFC0];
	[tilespmem:s21+$0x30] =	vst v1;
	s22 =	sadd.s32 $0x80, s22;
	s21 =	smov.u32 s24  }
0x247: {  	s23 =	sadd.s32 $0x8, s23;
	v1 =	vld [tilespmem:s22+$0xFFFFFFC0]  }
0x248: {  	p0 =	slt.u32 s23, $0xC28;
	_ =	sdelay $0x3  }
0x249: {  	v1 =	vadd.f32 v1, v2;
	_ =	sdelay $0x1  }
0x24a: {  	[tilespmem:s24+$0xFFFFFFC0] =	vst v1;
	v1 =	vld [tilespmem:s24+$0xFFFFFFD0]  }
0x24b: {  	v2 =	vld [tilespmem:s22+$0xFFFFFFD0];
	_ =	sdelay $0x4  }
0x24c: {  	v1 =	vadd.f32 v2, v1;
	_ =	sdelay $0x1  }
0x24d: {  	[tilespmem:s24+$0xFFFFFFD0] =	vst v1;
	v1 =	vld [tilespmem:s24+$0xFFFFFFE0]  }
0x24e: {  	v2 =	vld [tilespmem:s22+$0xFFFFFFE0];
	_ =	sdelay $0x4  }
0x24f: {  	v1 =	vadd.f32 v2, v1;
	_ =	sdelay $0x1  }
0x250: {  	[tilespmem:s24+$0xFFFFFFE0] =	vst v1;
	v1 =	vld [tilespmem:s24+$0xFFFFFFF0]  }
0x251: {  	v2 =	vld [tilespmem:s22+$0xFFFFFFF0];
	_ =	sdelay $0x4  }
0x252: {  	v1 =	vadd.f32 v2, v1;
	_ =	sdelay $0x1  }
0x253: {  	[tilespmem:s24+$0xFFFFFFF0] =	vst v1;
	v1 =	vld [tilespmem:s24+$0x0]  }
0x254: {  	v2 =	vld [tilespmem:s22+$0x0];
	_ =	sdelay $0x4  }
0x255: {  	v1 =	vadd.f32 v2, v1;
	_ =	sdelay $0x1  }
0x256: {  	[tilespmem:s24+$0x0] =	vst v1;
	v1 =	vld [tilespmem:s24+$0x10]  }
0x257: {  	v2 =	vld [tilespmem:s22+$0x10];
	_ =	sdelay $0x4  }
0x258: {  	v1 =	vadd.f32 v2, v1;
	_ =	sdelay $0x1  }
0x259: {  	[tilespmem:s24+$0x10] =	vst v1;
	v1 =	vld [tilespmem:s24+$0x20]  }
0x25a: {  	v2 =	vld [tilespmem:s22+$0x20];
	_ =	sdelay $0x4  }
0x25b: {  	v1 =	vadd.f32 v2, v1;
	_ =	sdelay $0x1  }
0x25c: {  	[tilespmem:s24+$0x20] =	vst v1;
	v1 =	vld [tilespmem:s24+$0x30]  }
0x25d: {  	v2 =	vld [tilespmem:s22+$0x30];
	_ =	sdelay $0x1  }
.Ltmp11:
0x25e: {  	(pc) =	sbr.rel @p0 .LBB2_20-.Ltmp11, $3  }
0x25f: {  	_ =	sdelay $0x1  }
0x260: {  	v1 =	vadd.f32 v2, v1  }
0x261: {  	s24 =	sadd.s32 $0x80, s24  }
0x262: {  	[tilespmem:s21+$0x30] =	vst v1  }
0x263: {  	v1 =	vld [tilespmem:$0xC300]  }
0x264: {  	v2 =	vld [tilespmem:$0x18680]  }
0x265: {  	v3 =	vld [tilespmem:$0xC310]  }
0x266: {  	v4 =	vld [tilespmem:$0x18690]  }
0x267: {  	v5 =	vld [tilespmem:$0xC320]  }
0x268: {  	v6 =	vld [tilespmem:$0x186A0]  }
0x269: {  	v7 =	vld [tilespmem:$0xC330]  }
0x26a: {  	v8 =	vld [tilespmem:$0x186B0]  }
0x26b: {  	v9 =	vld [tilespmem:$0xC340]  }
0x26c: {  	v10 =	vld [tilespmem:$0x186C0]  }
0x26d: {  	v1 =	vadd.f32 v2, v1  }
0x26e: {  	v2 =	vadd.f32 v4, v3  }
0x26f: {  	[tilespmem:$0xC300] =	vst v1;
	v1 =	vadd.f32 v6, v5  }
0x270: {  	[tilespmem:$0xC310] =	vst v2;
	v2 =	vadd.f32 v8, v7  }
0x271: {  	[tilespmem:$0xC320] =	vst v1;
	v1 =	vadd.f32 v10, v9  }
0x272: {  	[tilespmem:$0xC330] =	vst v2  }
0x273: {  	s21 =	simm.s32 $0xC3C0;
	[tilespmem:$0xC340] =	vst v1  }
0x274: {  	[tilespmem:s21+$0xFFFFFFC0] =	vst v0  }
0x275: {  	[tilespmem:s21+$0x30] =	vst v0  }
0x276: {  	[tilespmem:s21+$0x20] =	vst v0  }
0x277: {  	[tilespmem:s21+$0x10] =	vst v0  }
0x278: {  	[tilespmem:s21+$0x0] =	vst v0  }
0x279: {  	[tilespmem:s21+$0xFFFFFFF0] =	vst v0  }
0x27a: {  	s22 =	simm.s32 $0x0;
	[tilespmem:s21+$0xFFFFFFE0] =	vst v0  }
.LBB2_22:
0x27b: {  	s22 =	sadd.s32 $0x8, s22;
	[tilespmem:s21+$0xFFFFFFD0] =	vst v0;
	s21 =	sadd.s32 $0x80, s21  }
0x27c: {  	[tilespmem:s21+$0xFFFFFFC0] =	vst v0;
	p0 =	slt.u32 s22, $0xC28  }
0x27d: {  	[tilespmem:s21+$0x30] =	vst v0  }
.Ltmp12:
0x27e: {  	[tilespmem:s21+$0x20] =	vst v0;
	(pc) =	sbr.rel @p0 .LBB2_22-.Ltmp12, $4  }
0x27f: {  	[tilespmem:s21+$0x10] =	vst v0  }
0x280: {  	[tilespmem:s21+$0x0] =	vst v0  }
0x281: {  	[tilespmem:s21+$0xFFFFFFF0] =	vst v0  }
0x282: {  	[tilespmem:s21+$0xFFFFFFE0] =	vst v0  }
0x283: {  	[tilespmem:s21+$0xFFFFFFD0] =	vst v0  }
0x284: {  	[tilespmem:$0x18680] =	vst v0  }
0x285: {  	[tilespmem:$0x18690] =	vst v0  }
0x286: {  	[tilespmem:$0x186A0] =	vst v0  }
0x287: {  	[tilespmem:$0x186B0] =	vst v0  }
0x288: {  	s21 =	simm.s32 $0x0;
	[tilespmem:$0x186C0] =	vst v0  }
0x289: {  	[tilespmem:s13], [sflag:$0x1] =	stream.linear.gather [hbm4b:s1+s21], $0x1900, $0x38;
	[tilespmem:$0x1D200] =	vst v63  }
0x28a: {  	_ = 	snop  }
0x28b: {  	[tilespmem:s14], [sflag:$0x1] =	stream.linear.gather [hbm4b:s2+s21], $0xC80, $0x38;
	[tilespmem:$0x1D200] =	vst v63  }
0x28c: {  	_ = 	snop  }
0x28d: {  	[tilespmem:s15], [sflag:$0x2] =	stream.linear.gather [hbm4b:s6+s21], $0x1900, $0x38;
	[tilespmem:$0x1D200] =	vst v63  }
0x28e: {  	_ = 	snop  }
0x28f: {  	[tilespmem:s16], [sflag:$0x2] =	stream.linear.gather [hbm4b:s7+s21], $0xC80, $0x38;
	[tilespmem:$0x1D200] =	vst v63  }
.LBB2_24:
0x290: {  	_ =	swait.ge [sflag:s17], $0x1900  }
0x291: {  	[sflag:s17] =	ssyncset.done $0x0  }
0x292: {  	[sflag:s17] =	ssyncadd.s32 $0xFFFFE700  }
0x293: {  	_ =	swait.ge [sflag:s17], $0xC80  }
0x294: {  	[sflag:s17] =	ssyncset.done $0x0  }
0x295: {  	s22 =	simm.s32 $0x18740;
	[sflag:s17] =	ssyncadd.s32 $0xFFFFF380  }
0x296: {  	v1 =	vld [tilespmem:s22+$0x20];
	_ =	sdelay $0x4  }
0x297: {  	v2 =	vld [tilespmem:s22+$0xFFFFFFC0];
	v4 =	vshrl.u32 v1, $0x10  }
0x298: {  	v5 =	vld [tilespmem:s22+$0x0];
	_ =	sdelay $0x1  }
0x299: {  	s23 =	simm.s32 $0x1B920  }
0x29a: {  	v7 =	vld [tilespmem:s23+$0x10]  }
0x29b: {  	v6 =	vshrl.u32 v2, $0x10;
	v4 =	vld.idx.msk [tilespmem:v4+s4+$0x0], $0xffff  }
0x29c: {  	v3 =	vld [tilespmem:s22+$0xFFFFFFE0];
	v9 =	vshrl.u32 v5, $0x10  }
0x29d: {  	v10 =	vld [tilespmem:s23+$0xFFFFFFF0];
	v1 =	vand.u32 $0xFFFF, v1  }
0x29e: {  	v11 =	vld [tilespmem:s23+$0x0]  }
0x29f: {  	v12 =	vld [tilespmem:s23+$0xFFFFFFE0];
	v13 =	vshll.u32 v7, $0x10  }
0x2a0: {  	v6 =	vld.idx.msk [tilespmem:v6+s4+$0x0], $0xffff;
	v4 =	vmul.f32 v13, v4  }
0x2a1: {  	s26 =	simm.s32 $0x60;
	v9 =	vld.idx.msk [tilespmem:v9+s4+$0x0], $0xffff  }
0x2a2: {  	s23 =	sor.u32 $0x70, s26;
	v8 =	vshrl.u32 v3, $0x10;
	[tilespmem:v1+s18+$0x0] =	vst.idx.add.f32.msk $0xffff, v4  }
0x2a3: {  	v2 =	vand.u32 $0xFFFF, v2;
	v1 =	vld [tilespmem:s23+$0x18700]  }
0x2a4: {  	s24 =	simm.s32 $0x187C0  }
0x2a5: {  	v14 =	vld [tilespmem:s24+$0xFFFFFFE0];
	v5 =	vand.u32 $0xFFFF, v5;
	v4 =	vshll.u32 v12, $0x10  }
0x2a6: {  	v16 =	vld [tilespmem:s24+$0x0];
	v4 =	vmul.f32 v4, v6  }
0x2a7: {  	v8 =	vld.idx.msk [tilespmem:v8+s4+$0x0], $0xffff;
	v13 =	vshll.u32 v11, $0x10  }
0x2a8: {  	[tilespmem:v2+s18+$0x0] =	vst.idx.add.f32.msk $0xffff, v4;
	v2 =	vmul.f32 v13, v9;
	v4 =	vshrl.u32 v1, $0x10  }
0x2a9: {  	v3 =	vand.u32 $0xFFFF, v3;
	v9 =	vld [tilespmem:s24+$0xFFFFFFC0]  }
0x2aa: {  	[tilespmem:v5+s18+$0x0] =	vst.idx.add.f32.msk $0xffff, v2  }
0x2ab: {  	v6 =	vshll.u32 v10, $0x10;
	v2 =	vld [tilespmem:s24+$0x20]  }
0x2ac: {  	v6 =	vmul.f32 v6, v8;
	v8 =	vld [tilespmem:s22+$0xFFFFFFD0]  }
0x2ad: {  	s28 =	simm.s32 $0x20;
	v4 =	vld.idx.msk [tilespmem:v4+s4+$0x0], $0xffff  }
0x2ae: {  	s29 =	simm.s32 $0x40;
	[tilespmem:v3+s18+$0x0] =	vst.idx.add.f32.msk $0xffff, v6;
	s22 =	sor.u32 $0x30, s28  }
0x2af: {  	s30 =	sor.u32 $0x50, s29;
	v3 =	vld [tilespmem:s22+$0x18700];
	v13 =	vand.u32 $0xFFFF, v1  }
0x2b0: {  	s22 =	simm.s32 $0x1B960;
	v6 =	vld [tilespmem:s30+$0x18700];
	v15 =	vshrl.u32 v2, $0x10  }
0x2b1: {  	v1 =	vand.u32 $0xFFFF0000, v7;
	v17 =	vld [tilespmem:s22+$0xFFFFFFF0]  }
0x2b2: {  	v19 =	vld [tilespmem:s22+$0x0];
	v7 =	vshrl.u32 v9, $0x10;
	v4 =	vmul.f32 v1, v4  }
0x2b3: {  	v5 =	vshrl.u32 v8, $0x10;
	v1 =	vld [tilespmem:s22+$0x10]  }
0x2b4: {  	[tilespmem:v13+s18+$0x0] =	vst.idx.add.f32.msk $0xffff, v4;
	v4 =	vshrl.u32 v14, $0x10  }
0x2b5: {  	v13 =	vld.idx.msk [tilespmem:v15+s4+$0x0], $0xffff;
	v15 =	vshrl.u32 v16, $0x10  }
0x2b6: {  	v20 =	vld [tilespmem:s22+$0xFFFFFFE0];
	v18 =	vshrl.u32 v3, $0x10  }
0x2b7: {  	v2 =	vand.u32 $0xFFFF, v2;
	v21 =	vld.idx.msk [tilespmem:v7+s4+$0x0], $0xffff  }
0x2b8: {  	v5 =	vld.idx.msk [tilespmem:v5+s4+$0x0], $0xffff  }
0x2b9: {  	v22 =	vshrl.u32 v6, $0x10;
	v7 =	vshll.u32 v1, $0x10;
	v4 =	vld.idx.msk [tilespmem:v4+s4+$0x0], $0xffff  }
0x2ba: {  	v8 =	vand.u32 $0xFFFF, v8;
	v15 =	vld.idx.msk [tilespmem:v15+s4+$0x0], $0xffff;
	v7 =	vmul.f32 v7, v13  }
0x2bb: {  	s23 =	simm.s32 $0xE0;
	v9 =	vand.u32 $0xFFFF, v9;
	v13 =	vld.idx.msk [tilespmem:v18+s4+$0x0], $0xffff  }
0x2bc: {  	v12 =	vand.u32 $0xFFFF0000, v12;
	s25 =	sor.u32 $0x70, s23;
	[tilespmem:v2+s18+$0x0] =	vst.idx.add.f32.msk $0xffff, v7  }
0x2bd: {  	v14 =	vand.u32 $0xFFFF, v14;
	v5 =	vmul.f32 v12, v5;
	v12 =	vshll.u32 v20, $0x10;
	v7 =	vld [tilespmem:s25+$0x18700]  }
0x2be: {  	v62 =	vld.idx.msk [tilespmem:v22+s4+$0x0], $0xffff;
	v12 =	vmul.f32 v12, v21;
	v2 =	vand.u32 $0xFFFF, v16  }
0x2bf: {  	v61 =	vshll.u32 v17, $0x10;
	[tilespmem:v8+s18+$0x0] =	vst.idx.add.f32.msk $0xffff, v5  }
0x2c0: {  	v63 =	vshll.u32 v19, $0x10;
	[tilespmem:v9+s18+$0x0] =	vst.idx.add.f32.msk $0xffff, v12;
	v4 =	vmul.f32 v61, v4  }
0x2c1: {  	v8 =	vand.u32 $0xFFFF0000, v10;
	v10 =	vld [tilespmem:s24+$0xFFFFFFD0];
	v5 =	vmul.f32 v63, v15  }
0x2c2: {  	s31 =	simm.s32 $0xA0;
	v8 =	vmul.f32 v8, v13;
	[tilespmem:v14+s18+$0x0] =	vst.idx.add.f32.msk $0xffff, v4;
	v13 =	vshrl.u32 v7, $0x10  }
0x2c3: {  	s26 =	simm.s32 $0xC0;
	v9 =	vand.u32 $0xFFFF0000, v11;
	s25 =	sor.u32 $0x30, s31;
	[tilespmem:v2+s18+$0x0] =	vst.idx.add.f32.msk $0xffff, v5  }
0x2c4: {  	s26 =	sor.u32 $0x50, s26;
	v9 =	vmul.f32 v9, v62;
	v5 =	vand.u32 $0xFFFF, v3;
	v3 =	vand.u32 $0xFFFF, v6;
	v11 =	vld [tilespmem:s25+$0x18700]  }
0x2c5: {  	s24 =	simm.s32 $0x4;
	v4 =	vand.u32 $0xFFFF0000, v17;
	v2 =	vand.u32 $0xFFFF0000, v19;
	v6 =	vand.u32 $0xFFFF0000, v20;
	v12 =	vld [tilespmem:s26+$0x18700];
	s25 =	simm.s32 $0x18840  }
.LBB2_25:
0x2c6: {  	v14 =	vld [tilespmem:s25+$0x20];
	s24 =	sadd.s32 $0x4, s24  }
0x2c7: {  	p0 =	slt.u32 s24, $0xC4;
	v13 =	vld.idx.msk [tilespmem:v13+s4+$0x0], $0xffff  }
0x2c8: {  	v15 =	vld [tilespmem:s25+$0xFFFFFFC0];
	v16 =	vshrl.u32 v10, $0x10;
	v10 =	vand.u32 $0xFFFF, v10  }
0x2c9: {  	v17 =	vld [tilespmem:s25+$0xFFFFFFE0];
	v18 =	vshrl.u32 v11, $0x10;
	v11 =	vand.u32 $0xFFFF, v11  }
0x2ca: {  	v7 =	vand.u32 $0xFFFF, v7;
	v19 =	vld [tilespmem:s25+$0x0];
	v20 =	vshrl.u32 v12, $0x10;
	v12 =	vand.u32 $0xFFFF, v12  }
0x2cb: {  	v21 =	vshrl.u32 v14, $0x10;
	[tilespmem:v5+s18+$0x0] =	vst.idx.add.f32.msk $0xffff, v8;
	v5 =	vmov v11  }
0x2cc: {  	v1 =	vand.u32 $0xFFFF0000, v1;
	[tilespmem:v3+s18+$0x0] =	vst.idx.add.f32.msk $0xffff, v9;
	v3 =	vmov v12  }
0x2cd: {  	s22 =	sadd.s32 $0x40, s22;
	v12 =	vmul.f32 v1, v13;
	v8 =	vshrl.u32 v15, $0x10;
	v9 =	vand.u32 $0xFFFF, v15;
	v11 =	vld.idx.msk [tilespmem:v16+s4+$0x0], $0xffff  }
0x2ce: {  	v13 =	vshrl.u32 v17, $0x10;
	v15 =	vand.u32 $0xFFFF, v17;
	v1 =	vld [tilespmem:s22+$0x10]  }
0x2cf: {  	v16 =	vshrl.u32 v19, $0x10;
	v17 =	vand.u32 $0xFFFF, v19;
	[tilespmem:v7+s18+$0x0] =	vst.idx.add.f32.msk $0xffff, v12  }
0x2d0: {  	v7 =	vld.idx.msk [tilespmem:v21+s4+$0x0], $0xffff  }
0x2d1: {  	v12 =	vld [tilespmem:s22+$0xFFFFFFF0]  }
0x2d2: {  	v19 =	vld [tilespmem:s22+$0x0]  }
0x2d3: {  	v14 =	vand.u32 $0xFFFF, v14;
	v11 =	vmul.f32 v6, v11;
	v21 =	vld [tilespmem:s22+$0xFFFFFFE0]  }
0x2d4: {  	v8 =	vld.idx.msk [tilespmem:v8+s4+$0x0], $0xffff  }
0x2d5: {  	v6 =	vshll.u32 v1, $0x10;
	v13 =	vld.idx.msk [tilespmem:v13+s4+$0x0], $0xffff  }
0x2d6: {  	v7 =	vmul.f32 v6, v7;
	v22 =	vshll.u32 v12, $0x10;
	v12 =	vand.u32 $0xFFFF0000, v12;
	v16 =	vld.idx.msk [tilespmem:v16+s4+$0x0], $0xffff  }
0x2d7: {  	s23 =	sadd.s32 $0x80, s23;
	v23 =	vshll.u32 v19, $0x10;
	v19 =	vand.u32 $0xFFFF0000, v19;
	v18 =	vld.idx.msk [tilespmem:v18+s4+$0x0], $0xffff  }
0x2d8: {  	s26 =	sadd.s32 $0xFFFFFFC0, s23;
	s28 =	sadd.s32 $0xFFFFFFE0, s23;
	s29 =	sor.u32 $0x70, s23;
	v24 =	vshll.u32 v21, $0x10;
	v6 =	vand.u32 $0xFFFF0000, v21;
	[tilespmem:v14+s18+$0x0] =	vst.idx.add.f32.msk $0xffff, v7  }
0x2d9: {  	s26 =	sor.u32 $0x30, s26;
	s28 =	sor.u32 $0x50, s28;
	v7 =	vld [tilespmem:s29+$0x18700]  }
0x2da: {  	v8 =	vmul.f32 v24, v8;
	v14 =	vld.idx.msk [tilespmem:v20+s4+$0x0], $0xffff  }
0x2db: {  	v13 =	vmul.f32 v22, v13;
	[tilespmem:v10+s18+$0x0] =	vst.idx.add.f32.msk $0xffff, v11  }
0x2dc: {  	[tilespmem:v9+s18+$0x0] =	vst.idx.add.f32.msk $0xffff, v8;
	v9 =	vmul.f32 v23, v16  }
.Ltmp13:
0x2dd: {  	v8 =	vmul.f32 v4, v18;
	v4 =	vmov v12;
	[tilespmem:v15+s18+$0x0] =	vst.idx.add.f32.msk $0xffff, v13;
	(pc) =	sbr.rel @p0 .LBB2_25-.Ltmp13, $4  }
0x2de: {  	[tilespmem:v17+s18+$0x0] =	vst.idx.add.f32.msk $0xffff, v9;
	v13 =	vshrl.u32 v7, $0x10  }
0x2df: {  	v10 =	vld [tilespmem:s25+$0xFFFFFFD0]  }
0x2e0: {  	v9 =	vmul.f32 v2, v14;
	v2 =	vmov v19;
	v11 =	vld [tilespmem:s26+$0x18700]  }
0x2e1: {  	s25 =	sadd.s32 $0x80, s25;
	v12 =	vld [tilespmem:s28+$0x18700]  }
0x2e2: {  	_ =	sdelay $0x1  }
0x2e3: {  	v14 =	vshrl.u32 v10, $0x10  }
0x2e4: {  	v15 =	vshrl.u32 v11, $0x10  }
0x2e5: {  	v16 =	vshrl.u32 v12, $0x10;
	_ =	sdelay $0x1  }
0x2e6: {  	v13 =	vld.idx.msk [tilespmem:v13+s4+$0x0], $0xffff  }
0x2e7: {  	v14 =	vld.idx.msk [tilespmem:v14+s4+$0x0], $0xffff  }
0x2e8: {  	v7 =	vand.u32 $0xFFFF, v7;
	v15 =	vld.idx.msk [tilespmem:v15+s4+$0x0], $0xffff  }
0x2e9: {  	v10 =	vand.u32 $0xFFFF, v10;
	v16 =	vld.idx.msk [tilespmem:v16+s4+$0x0], $0xffff  }
0x2ea: {  	v1 =	vand.u32 $0xFFFF0000, v1;
	v11 =	vand.u32 $0xFFFF, v11  }
0x2eb: {  	[tilespmem:v5+s18+$0x0] =	vst.idx.add.f32.msk $0xffff, v8;
	v12 =	vand.u32 $0xFFFF, v12;
	v1 =	vmul.f32 v1, v13  }
0x2ec: {  	s22 =	sshll.u32 s21, $0x1;
	p0 =	seq.s32 s21, $0x7C;
	[tilespmem:v3+s18+$0x0] =	vst.idx.add.f32.msk $0xffff, v9;
	v3 =	vmul.f32 v6, v14  }
0x2ed: {  	s23 =	sadd.s32 @!p0 $0x2, s22;
	[tilespmem:v7+s18+$0x0] =	vst.idx.add.f32.msk $0xffff, v1;
	v1 =	vmul.f32 v4, v15  }
0x2ee: {  	s24 =	smul.u32 @!p0 $0x320, s23;
	[tilespmem:v10+s18+$0x0] =	vst.idx.add.f32.msk $0xffff, v3;
	v2 =	vmul.f32 v2, v16  }
0x2ef: {  	s25 =	simm.s32 @!p0 $0x0;
	[tilespmem:v11+s18+$0x0] =	vst.idx.add.f32.msk $0xffff, v1  }
0x2f0: {  	s26 =	simm.s32 @!p0 $0x18700;
	s23 =	smul.u32 @!p0 $0x190, s23;
	s24 =	sadd.s32 @!p0 s1, s24;
	[tilespmem:v12+s18+$0x0] =	vst.idx.add.f32.msk $0xffff, v2  }
0x2f1: {  	[tilespmem:s26], [sflag:$0x1] =	stream.linear.gather @!p0 [hbm4b:s24+s25], $0x1900, $0x38;
	[tilespmem:$0x1D200] =	vst v63  }
0x2f2: {  	s23 =	sadd.s32 @!p0 s2, s23;
	s24 =	simm.s32 @!p0 $0x1B900  }
0x2f3: {  	[tilespmem:s24], [sflag:$0x1] =	stream.linear.gather @!p0 [hbm4b:s23+s25], $0xC80, $0x38;
	[tilespmem:$0x1D200] =	vst v63  }
0x2f4: {  	_ =	swait.ge [sflag:s19], $0x1900  }
0x2f5: {  	[sflag:s19] =	ssyncset.done $0x0  }
0x2f6: {  	[sflag:s19] =	ssyncadd.s32 $0xFFFFE700  }
0x2f7: {  	_ =	swait.ge [sflag:s19], $0xC80  }
0x2f8: {  	[sflag:s19] =	ssyncset.done $0x0  }
0x2f9: {  	s30 =	simm.s32 $0x1A040;
	[sflag:s19] =	ssyncadd.s32 $0xFFFFF380  }
0x2fa: {  	v1 =	vld [tilespmem:s30+$0x20];
	_ =	sdelay $0x4  }
0x2fb: {  	v2 =	vld [tilespmem:s30+$0xFFFFFFC0];
	v4 =	vshrl.u32 v1, $0x10  }
0x2fc: {  	v5 =	vld [tilespmem:s30+$0x0];
	_ =	sdelay $0x1  }
0x2fd: {  	s31 =	simm.s32 $0x1C5A0  }
0x2fe: {  	v7 =	vld [tilespmem:s31+$0x10]  }
0x2ff: {  	v6 =	vshrl.u32 v2, $0x10;
	v4 =	vld.idx.msk [tilespmem:v4+s4+$0x0], $0xffff  }
0x300: {  	v9 =	vshrl.u32 v5, $0x10  }
0x301: {  	v3 =	vld [tilespmem:s30+$0xFFFFFFE0];
	v1 =	vand.u32 $0xFFFF, v1  }
0x302: {  	v11 =	vld [tilespmem:s31+$0x0]  }
0x303: {  	v12 =	vld [tilespmem:s31+$0xFFFFFFE0];
	v13 =	vshll.u32 v7, $0x10  }
0x304: {  	v6 =	vld.idx.msk [tilespmem:v6+s4+$0x0], $0xffff;
	v4 =	vmul.f32 v13, v4  }
0x305: {  	s25 =	simm.s32 $0x60;
	v9 =	vld.idx.msk [tilespmem:v9+s4+$0x0], $0xffff  }
0x306: {  	s24 =	sor.u32 $0x70, s25;
	v8 =	vshrl.u32 v3, $0x10;
	[tilespmem:v1+s18+$0x0] =	vst.idx.add.f32.msk $0xffff, v4  }
0x307: {  	v2 =	vand.u32 $0xFFFF, v2;
	v1 =	vld [tilespmem:s24+$0x1A000]  }
0x308: {  	s25 =	simm.s32 $0x1A0C0;
	v10 =	vld [tilespmem:s31+$0xFFFFFFF0]  }
0x309: {  	v14 =	vld [tilespmem:s25+$0xFFFFFFE0];
	v5 =	vand.u32 $0xFFFF, v5;
	v4 =	vshll.u32 v12, $0x10  }
0x30a: {  	v60 =	vld [tilespmem:s25+$0x0];
	v4 =	vmul.f32 v4, v6  }
0x30b: {  	v8 =	vld.idx.msk [tilespmem:v8+s4+$0x0], $0xffff;
	v13 =	vshll.u32 v11, $0x10  }
0x30c: {  	[tilespmem:v2+s18+$0x0] =	vst.idx.add.f32.msk $0xffff, v4;
	v2 =	vmul.f32 v13, v9;
	v4 =	vshrl.u32 v1, $0x10  }
0x30d: {  	v3 =	vand.u32 $0xFFFF, v3;
	v9 =	vld [tilespmem:s25+$0xFFFFFFC0]  }
0x30e: {  	[tilespmem:v5+s18+$0x0] =	vst.idx.add.f32.msk $0xffff, v2  }
0x30f: {  	v6 =	vshll.u32 v10, $0x10;
	v2 =	vld [tilespmem:s25+$0x20]  }
0x310: {  	v6 =	vmul.f32 v6, v8;
	v8 =	vld [tilespmem:s30+$0xFFFFFFD0]  }
0x311: {  	s26 =	simm.s32 $0x20;
	v4 =	vld.idx.msk [tilespmem:v4+s4+$0x0], $0xffff  }
0x312: {  	s28 =	simm.s32 $0x40;
	s23 =	sor.u32 $0x30, s26;
	[tilespmem:v3+s18+$0x0] =	vst.idx.add.f32.msk $0xffff, v6  }
0x313: {  	s29 =	sor.u32 $0x50, s28;
	v3 =	vld [tilespmem:s23+$0x1A000];
	v13 =	vand.u32 $0xFFFF, v1  }
0x314: {  	s23 =	simm.s32 $0x1C5E0;
	v6 =	vld [tilespmem:s29+$0x1A000];
	v15 =	vshrl.u32 v2, $0x10  }
0x315: {  	v1 =	vand.u32 $0xFFFF0000, v7;
	v17 =	vld [tilespmem:s23+$0xFFFFFFF0]  }
0x316: {  	v19 =	vld [tilespmem:s23+$0x0];
	v7 =	vshrl.u32 v9, $0x10;
	v4 =	vmul.f32 v1, v4  }
0x317: {  	v5 =	vshrl.u32 v8, $0x10;
	v1 =	vld [tilespmem:s23+$0x10]  }
0x318: {  	[tilespmem:v13+s18+$0x0] =	vst.idx.add.f32.msk $0xffff, v4;
	v4 =	vshrl.u32 v14, $0x10  }
0x319: {  	v13 =	vld.idx.msk [tilespmem:v15+s4+$0x0], $0xffff;
	v15 =	vshrl.u32 v60, $0x10  }
0x31a: {  	v20 =	vld [tilespmem:s23+$0xFFFFFFE0];
	v18 =	vshrl.u32 v3, $0x10  }
0x31b: {  	v2 =	vand.u32 $0xFFFF, v2;
	v21 =	vld.idx.msk [tilespmem:v7+s4+$0x0], $0xffff  }
0x31c: {  	v5 =	vld.idx.msk [tilespmem:v5+s4+$0x0], $0xffff  }
0x31d: {  	v22 =	vshrl.u32 v6, $0x10;
	v7 =	vshll.u32 v1, $0x10;
	v4 =	vld.idx.msk [tilespmem:v4+s4+$0x0], $0xffff  }
0x31e: {  	v8 =	vand.u32 $0xFFFF, v8;
	v15 =	vld.idx.msk [tilespmem:v15+s4+$0x0], $0xffff;
	v7 =	vmul.f32 v7, v13  }
0x31f: {  	s24 =	simm.s32 $0xE0;
	v9 =	vand.u32 $0xFFFF, v9;
	v13 =	vld.idx.msk [tilespmem:v18+s4+$0x0], $0xffff  }
0x320: {  	v12 =	vand.u32 $0xFFFF0000, v12;
	s30 =	sor.u32 $0x70, s24;
	[tilespmem:v2+s18+$0x0] =	vst.idx.add.f32.msk $0xffff, v7  }
0x321: {  	v14 =	vand.u32 $0xFFFF, v14;
	v5 =	vmul.f32 v12, v5;
	v12 =	vshll.u32 v20, $0x10;
	v7 =	vld [tilespmem:s30+$0x1A000]  }
0x322: {  	v62 =	vld.idx.msk [tilespmem:v22+s4+$0x0], $0xffff;
	v12 =	vmul.f32 v12, v21;
	v2 =	vand.u32 $0xFFFF, v60  }
0x323: {  	v61 =	vshll.u32 v17, $0x10;
	[tilespmem:v8+s18+$0x0] =	vst.idx.add.f32.msk $0xffff, v5  }
0x324: {  	v63 =	vshll.u32 v19, $0x10;
	[tilespmem:v9+s18+$0x0] =	vst.idx.add.f32.msk $0xffff, v12;
	v4 =	vmul.f32 v61, v4  }
0x325: {  	v8 =	vand.u32 $0xFFFF0000, v10;
	v10 =	vld [tilespmem:s25+$0xFFFFFFD0];
	v5 =	vmul.f32 v63, v15  }
0x326: {  	s31 =	simm.s32 $0xA0;
	v8 =	vmul.f32 v8, v13;
	[tilespmem:v14+s18+$0x0] =	vst.idx.add.f32.msk $0xffff, v4;
	v13 =	vshrl.u32 v7, $0x10  }
0x327: {  	s28 =	simm.s32 $0xC0;
	s26 =	sor.u32 $0x30, s31;
	v9 =	vand.u32 $0xFFFF0000, v11;
	[tilespmem:v2+s18+$0x0] =	vst.idx.add.f32.msk $0xffff, v5  }
0x328: {  	s28 =	sor.u32 $0x50, s28;
	v9 =	vmul.f32 v9, v62;
	v4 =	vand.u32 $0xFFFF, v3;
	v2 =	vand.u32 $0xFFFF, v6;
	v11 =	vld [tilespmem:s26+$0x1A000]  }
0x329: {  	s25 =	simm.s32 $0x4;
	v5 =	vand.u32 $0xFFFF0000, v17;
	v3 =	vand.u32 $0xFFFF0000, v19;
	v6 =	vand.u32 $0xFFFF0000, v20;
	v12 =	vld [tilespmem:s28+$0x1A000];
	s26 =	simm.s32 $0x1A140  }
.LBB2_27:
0x32a: {  	v14 =	vld [tilespmem:s26+$0x20];
	s25 =	sadd.s32 $0x4, s25  }
0x32b: {  	p1 =	slt.u32 s25, $0xC4;
	v13 =	vld.idx.msk [tilespmem:v13+s4+$0x0], $0xffff  }
0x32c: {  	v15 =	vld [tilespmem:s26+$0xFFFFFFC0];
	v16 =	vshrl.u32 v10, $0x10;
	v10 =	vand.u32 $0xFFFF, v10  }
0x32d: {  	v17 =	vld [tilespmem:s26+$0xFFFFFFE0];
	v18 =	vshrl.u32 v11, $0x10;
	v11 =	vand.u32 $0xFFFF, v11  }
0x32e: {  	v7 =	vand.u32 $0xFFFF, v7;
	v19 =	vld [tilespmem:s26+$0x0];
	v20 =	vshrl.u32 v12, $0x10;
	v12 =	vand.u32 $0xFFFF, v12  }
0x32f: {  	v21 =	vshrl.u32 v14, $0x10;
	[tilespmem:v4+s18+$0x0] =	vst.idx.add.f32.msk $0xffff, v8;
	v4 =	vmov v11  }
0x330: {  	v1 =	vand.u32 $0xFFFF0000, v1;
	[tilespmem:v2+s18+$0x0] =	vst.idx.add.f32.msk $0xffff, v9;
	v2 =	vmov v12  }
0x331: {  	s23 =	sadd.s32 $0x40, s23;
	v12 =	vmul.f32 v1, v13;
	v8 =	vshrl.u32 v15, $0x10;
	v9 =	vand.u32 $0xFFFF, v15;
	v11 =	vld.idx.msk [tilespmem:v16+s4+$0x0], $0xffff  }
0x332: {  	v13 =	vshrl.u32 v17, $0x10;
	v15 =	vand.u32 $0xFFFF, v17;
	v1 =	vld [tilespmem:s23+$0x10]  }
0x333: {  	v16 =	vshrl.u32 v19, $0x10;
	v17 =	vand.u32 $0xFFFF, v19;
	[tilespmem:v7+s18+$0x0] =	vst.idx.add.f32.msk $0xffff, v12  }
0x334: {  	v7 =	vld.idx.msk [tilespmem:v21+s4+$0x0], $0xffff  }
0x335: {  	v12 =	vld [tilespmem:s23+$0xFFFFFFF0]  }
0x336: {  	v19 =	vld [tilespmem:s23+$0x0]  }
0x337: {  	v14 =	vand.u32 $0xFFFF, v14;
	v11 =	vmul.f32 v6, v11;
	v21 =	vld [tilespmem:s23+$0xFFFFFFE0]  }
0x338: {  	v8 =	vld.idx.msk [tilespmem:v8+s4+$0x0], $0xffff  }
0x339: {  	v6 =	vshll.u32 v1, $0x10;
	v13 =	vld.idx.msk [tilespmem:v13+s4+$0x0], $0xffff  }
0x33a: {  	v7 =	vmul.f32 v6, v7;
	v22 =	vshll.u32 v12, $0x10;
	v12 =	vand.u32 $0xFFFF0000, v12;
	v16 =	vld.idx.msk [tilespmem:v16+s4+$0x0], $0xffff  }
0x33b: {  	s24 =	sadd.s32 $0x80, s24;
	v23 =	vshll.u32 v19, $0x10;
	v19 =	vand.u32 $0xFFFF0000, v19;
	v18 =	vld.idx.msk [tilespmem:v18+s4+$0x0], $0xffff  }
0x33c: {  	s28 =	sadd.s32 $0xFFFFFFC0, s24;
	s29 =	sadd.s32 $0xFFFFFFE0, s24;
	s30 =	sor.u32 $0x70, s24;
	v24 =	vshll.u32 v21, $0x10;
	v6 =	vand.u32 $0xFFFF0000, v21;
	[tilespmem:v14+s18+$0x0] =	vst.idx.add.f32.msk $0xffff, v7  }
0x33d: {  	s28 =	sor.u32 $0x30, s28;
	s29 =	sor.u32 $0x50, s29;
	v7 =	vld [tilespmem:s30+$0x1A000]  }
0x33e: {  	v8 =	vmul.f32 v24, v8;
	v14 =	vld.idx.msk [tilespmem:v20+s4+$0x0], $0xffff  }
0x33f: {  	v13 =	vmul.f32 v22, v13;
	[tilespmem:v10+s18+$0x0] =	vst.idx.add.f32.msk $0xffff, v11  }
0x340: {  	[tilespmem:v9+s18+$0x0] =	vst.idx.add.f32.msk $0xffff, v8;
	v9 =	vmul.f32 v23, v16  }
.Ltmp14:
0x341: {  	v8 =	vmul.f32 v5, v18;
	v5 =	vmov v12;
	[tilespmem:v15+s18+$0x0] =	vst.idx.add.f32.msk $0xffff, v13;
	(pc) =	sbr.rel @p1 .LBB2_27-.Ltmp14, $4  }
0x342: {  	[tilespmem:v17+s18+$0x0] =	vst.idx.add.f32.msk $0xffff, v9;
	v13 =	vshrl.u32 v7, $0x10  }
0x343: {  	v10 =	vld [tilespmem:s26+$0xFFFFFFD0]  }
0x344: {  	v9 =	vmul.f32 v3, v14;
	v3 =	vmov v19;
	v11 =	vld [tilespmem:s28+$0x1A000]  }
0x345: {  	s26 =	sadd.s32 $0x80, s26;
	v12 =	vld [tilespmem:s29+$0x1A000]  }
0x346: {  	_ =	sdelay $0x1  }
0x347: {  	v14 =	vshrl.u32 v10, $0x10  }
0x348: {  	v15 =	vshrl.u32 v11, $0x10  }
0x349: {  	v16 =	vshrl.u32 v12, $0x10;
	_ =	sdelay $0x1  }
0x34a: {  	v13 =	vld.idx.msk [tilespmem:v13+s4+$0x0], $0xffff  }
0x34b: {  	v14 =	vld.idx.msk [tilespmem:v14+s4+$0x0], $0xffff  }
0x34c: {  	v7 =	vand.u32 $0xFFFF, v7;
	v15 =	vld.idx.msk [tilespmem:v15+s4+$0x0], $0xffff  }
0x34d: {  	v61 =	vand.u32 $0xFFFF, v10;
	v16 =	vld.idx.msk [tilespmem:v16+s4+$0x0], $0xffff  }
0x34e: {  	v1 =	vand.u32 $0xFFFF0000, v1;
	v62 =	vand.u32 $0xFFFF, v11  }
0x34f: {  	[tilespmem:v4+s18+$0x0] =	vst.idx.add.f32.msk $0xffff, v8;
	v63 =	vand.u32 $0xFFFF, v12;
	v1 =	vmul.f32 v1, v13  }
.Ltmp15:
0x350: {  	[tilespmem:v2+s18+$0x0] =	vst.idx.add.f32.msk $0xffff, v9;
	v2 =	vmul.f32 v6, v14;
	(pc) =	sbr.rel @p0 .LBB2_29-.Ltmp15, $4  }
0x351: {  	[tilespmem:v7+s18+$0x0] =	vst.idx.add.f32.msk $0xffff, v1;
	v1 =	vmul.f32 v5, v15  }
0x352: {  	[tilespmem:v61+s18+$0x0] =	vst.idx.add.f32.msk $0xffff, v2;
	v2 =	vmul.f32 v3, v16  }
0x353: {  	[tilespmem:v62+s18+$0x0] =	vst.idx.add.f32.msk $0xffff, v1  }
0x354: {  	[tilespmem:v63+s18+$0x0] =	vst.idx.add.f32.msk $0xffff, v2  }
0x355: {  	s22 =	sadd.s32 $0x3, s22  }
0x356: {  	s23 =	smul.u32 $0x320, s22  }
.Ltmp16:
0x357: {  	_ = 	snop;
	(pc) =	sbr.rel .LBB2_24-.Ltmp16, $4  }
0x358: {  	s22 =	smul.u32 $0x190, s22;
	s23 =	sadd.s32 s1, s23  }
0x359: {  	[tilespmem:s15], [sflag:$0x2] =	stream.linear.gather [hbm4b:s23+s4], $0x1900, $0x38;
	[tilespmem:$0x1D200] =	vst v63  }
0x35a: {  	s21 =	sadd.s32 $0x1, s21;
	s22 =	sadd.s32 s2, s22  }
0x35b: {  	[tilespmem:s16], [sflag:$0x2] =	stream.linear.gather [hbm4b:s22+s4], $0xC80, $0x38;
	[tilespmem:$0x1D200] =	vst v63  }
.LBB2_29:
0x35c: {  	s21 =	simm.s32 $0x40  }
0x35d: {  	s22 =	simm.s32 $0xC3C0;
	v1 =	vld [tilespmem:s21+$0xFFFFFFC0]  }
0x35e: {  	v2 =	vld [tilespmem:s22+$0xFFFFFFC0];
	_ =	sdelay $0x4  }
0x35f: {  	v1 =	vadd.f32 v2, v1;
	_ =	sdelay $0x1  }
0x360: {  	[tilespmem:s21+$0xFFFFFFC0] =	vst v1;
	v1 =	vld [tilespmem:s21+$0xFFFFFFD0]  }
0x361: {  	v2 =	vld [tilespmem:s22+$0xFFFFFFD0];
	_ =	sdelay $0x4  }
0x362: {  	v1 =	vadd.f32 v2, v1;
	_ =	sdelay $0x1  }
0x363: {  	[tilespmem:s21+$0xFFFFFFD0] =	vst v1;
	v1 =	vld [tilespmem:s21+$0xFFFFFFE0]  }
0x364: {  	v2 =	vld [tilespmem:s22+$0xFFFFFFE0];
	_ =	sdelay $0x4  }
0x365: {  	v1 =	vadd.f32 v2, v1;
	_ =	sdelay $0x1  }
0x366: {  	[tilespmem:s21+$0xFFFFFFE0] =	vst v1;
	v1 =	vld [tilespmem:s21+$0xFFFFFFF0]  }
0x367: {  	v2 =	vld [tilespmem:s22+$0xFFFFFFF0];
	_ =	sdelay $0x4  }
0x368: {  	v1 =	vadd.f32 v2, v1;
	_ =	sdelay $0x1  }
0x369: {  	[tilespmem:s21+$0xFFFFFFF0] =	vst v1;
	v1 =	vld [tilespmem:s21+$0x0]  }
0x36a: {  	v2 =	vld [tilespmem:s22+$0x0];
	_ =	sdelay $0x4  }
0x36b: {  	v1 =	vadd.f32 v2, v1;
	_ =	sdelay $0x1  }
0x36c: {  	[tilespmem:s21+$0x0] =	vst v1;
	v1 =	vld [tilespmem:s21+$0x10]  }
0x36d: {  	v2 =	vld [tilespmem:s22+$0x10];
	_ =	sdelay $0x4  }
0x36e: {  	v1 =	vadd.f32 v2, v1;
	_ =	sdelay $0x1  }
0x36f: {  	[tilespmem:s21+$0x10] =	vst v1;
	v1 =	vld [tilespmem:s21+$0x20]  }
0x370: {  	v2 =	vld [tilespmem:s22+$0x20];
	_ =	sdelay $0x4  }
0x371: {  	v1 =	vadd.f32 v2, v1;
	_ =	sdelay $0x1  }
0x372: {  	[tilespmem:s21+$0x20] =	vst v1;
	v1 =	vld [tilespmem:s21+$0x30]  }
0x373: {  	v2 =	vld [tilespmem:s22+$0x30];
	_ =	sdelay $0x4  }
0x374: {  	v1 =	vadd.f32 v2, v1  }
0x375: {  	s23 =	simm.s32 $0x0;
	s24 =	simm.s32 $0xC0  }
.LBB2_30:
0x376: {  	v2 =	vld [tilespmem:s24+$0xFFFFFFC0];
	[tilespmem:s21+$0x30] =	vst v1;
	s22 =	sadd.s32 $0x80, s22;
	s21 =	smov.u32 s24  }
0x377: {  	s23 =	sadd.s32 $0x8, s23;
	v1 =	vld [tilespmem:s22+$0xFFFFFFC0]  }
0x378: {  	p0 =	slt.u32 s23, $0xC28;
	_ =	sdelay $0x3  }
0x379: {  	v1 =	vadd.f32 v1, v2;
	_ =	sdelay $0x1  }
0x37a: {  	[tilespmem:s24+$0xFFFFFFC0] =	vst v1;
	v1 =	vld [tilespmem:s24+$0xFFFFFFD0]  }
0x37b: {  	v2 =	vld [tilespmem:s22+$0xFFFFFFD0];
	_ =	sdelay $0x4  }
0x37c: {  	v1 =	vadd.f32 v2, v1;
	_ =	sdelay $0x1  }
0x37d: {  	[tilespmem:s24+$0xFFFFFFD0] =	vst v1;
	v1 =	vld [tilespmem:s24+$0xFFFFFFE0]  }
0x37e: {  	v2 =	vld [tilespmem:s22+$0xFFFFFFE0];
	_ =	sdelay $0x4  }
0x37f: {  	v1 =	vadd.f32 v2, v1;
	_ =	sdelay $0x1  }
0x380: {  	[tilespmem:s24+$0xFFFFFFE0] =	vst v1;
	v1 =	vld [tilespmem:s24+$0xFFFFFFF0]  }
0x381: {  	v2 =	vld [tilespmem:s22+$0xFFFFFFF0];
	_ =	sdelay $0x4  }
0x382: {  	v1 =	vadd.f32 v2, v1;
	_ =	sdelay $0x1  }
0x383: {  	[tilespmem:s24+$0xFFFFFFF0] =	vst v1;
	v1 =	vld [tilespmem:s24+$0x0]  }
0x384: {  	v2 =	vld [tilespmem:s22+$0x0];
	_ =	sdelay $0x4  }
0x385: {  	v1 =	vadd.f32 v2, v1;
	_ =	sdelay $0x1  }
0x386: {  	[tilespmem:s24+$0x0] =	vst v1;
	v1 =	vld [tilespmem:s24+$0x10]  }
0x387: {  	v2 =	vld [tilespmem:s22+$0x10];
	_ =	sdelay $0x4  }
0x388: {  	v1 =	vadd.f32 v2, v1;
	_ =	sdelay $0x1  }
0x389: {  	[tilespmem:s24+$0x10] =	vst v1;
	v1 =	vld [tilespmem:s24+$0x20]  }
0x38a: {  	v2 =	vld [tilespmem:s22+$0x20];
	_ =	sdelay $0x4  }
0x38b: {  	v1 =	vadd.f32 v2, v1;
	_ =	sdelay $0x1  }
0x38c: {  	[tilespmem:s24+$0x20] =	vst v1;
	v1 =	vld [tilespmem:s24+$0x30]  }
0x38d: {  	v2 =	vld [tilespmem:s22+$0x30];
	_ =	sdelay $0x1  }
.Ltmp17:
0x38e: {  	(pc) =	sbr.rel @p0 .LBB2_30-.Ltmp17, $3  }
0x38f: {  	_ =	sdelay $0x1  }
0x390: {  	v1 =	vadd.f32 v2, v1  }
0x391: {  	s24 =	sadd.s32 $0x80, s24  }
0x392: {  	[tilespmem:s21+$0x30] =	vst v1  }
0x393: {  	v1 =	vld [tilespmem:$0xC300]  }
0x394: {  	v2 =	vld [tilespmem:$0x18680]  }
0x395: {  	v3 =	vld [tilespmem:$0xC310]  }
0x396: {  	v4 =	vld [tilespmem:$0x18690]  }
0x397: {  	v5 =	vld [tilespmem:$0xC320]  }
0x398: {  	v6 =	vld [tilespmem:$0x186A0]  }
0x399: {  	v7 =	vld [tilespmem:$0xC330]  }
0x39a: {  	v8 =	vld [tilespmem:$0x186B0]  }
0x39b: {  	v9 =	vld [tilespmem:$0xC340]  }
0x39c: {  	v10 =	vld [tilespmem:$0x186C0]  }
0x39d: {  	v1 =	vadd.f32 v2, v1  }
0x39e: {  	v2 =	vadd.f32 v4, v3  }
0x39f: {  	[tilespmem:$0xC300] =	vst v1;
	v1 =	vadd.f32 v6, v5  }
0x3a0: {  	[tilespmem:$0xC310] =	vst v2;
	v2 =	vadd.f32 v8, v7  }
0x3a1: {  	s20 =	sadd.s32 $0x1, s20;
	[tilespmem:$0xC320] =	vst v1;
	v1 =	vadd.f32 v10, v9  }
0x3a2: {  	p0 =	sne.s32 s20, s9;
	[tilespmem:$0xC330] =	vst v2  }
.Ltmp18:
0x3a3: {  	[tilespmem:$0xC340] =	vst v1;
	(pc) =	sbr.rel @p0 .LBB2_1-.Ltmp18, $4  }
0x3a4: {  	[hbm4b:s8+s10] =	stream.strided.scatter [tilespmem:s4], [sflag:$0x3], $0xC380, s11, s10, $0x38;
	[tilespmem:$0x1D200] =	vst v63  }
0x3a5: {  	_ =	swait.ge [sflag:s12], $0xC380  }
0x3a6: {  	[sflag:s12] =	ssyncset.done $0x0  }
0x3a7: {  	[sflag:s12] =	ssyncadd.s32 $0xFFFF3C80  }
0x3a8: {  	_ =	sfence.sel $0x180000  }
0x3a9: {  	[bflag:$0x0] =	sbarrier.arrive $0xFFFF  }
0x3aa: {  	p0 =	sne.s32 s0, $0x0;
	_ =	strace $0x90000047  }
0x3ab: {  	s0 =	sadd.s32 @!p0 $0x100000, s3;
	[bflag:$0x2] =	sbarrier.arrive $0xFFFF  }
0x3ac: {  	[sflag:s0] =	ssyncadd.tile.s32 @!p0 $0x1;
	_ =	shalt  }
.Lfunc_end2:
_tile_overlayer_lowered:
.L_overlay_start_2:
0x3ad: {  	(tag) =	ssettag $0x2  }
0x3ae: {  	s0 =	rddreg [dreg:$0x0];
	s2 =	stileid.u32  }
0x3af: {  	s1 =	rddreg [dreg:$0x1];
	p0 =	sne.s32 s2, $0x0  }
0x3b0: {  	s3 =	rddreg [dreg:$0x2];
	[bflag:$0x3] =	sbarrier.arrive $0xFFFF;
	s2 =	simm.s32 @!p0 $0x1C03  }
0x3b1: {  	[timem:s3], [sflag:s2] =	dma.local @!p0 [hbm:s0], s1  }
0x3b2: {  	s0 =	simm.s32 @!p0 $0x3  }
0x3b3: {  	_ =	swait.ge @!p0 [sflag:s0], s1  }
0x3b4: {  	s1 =	ssub.s32 @!p0 $0x0, s1;
	[sflag:s0] =	ssyncset.done @!p0 $0x0  }
0x3b5: {  	[sflag:s0] =	ssyncadd.s32 @!p0 s1  }
0x3b6: {  	[bflag:$0x3] =	sbarrier.arrive $0xFFFF  }
0x3b7: {  	_ =	shalt  }

</sc_bundles>
